<compile_context>
chip_gen: v7x
topology: tpu7x:2x2x1
jax: 0.10.2.dev20260603
libtpu: 0.0.44.dev20260713+nightly
codegen_flags: <defaults>
</compile_context>

<pallas_src>
import functools
import math

import jax
import jax.numpy as jnp
from jax import lax
from jax.experimental import pallas as pl
from jax.experimental.pallas import tpu as pltpu
from jax.experimental.pallas import tpu_sc as plsc

_E = 8
_K = 2
_C = 96
_B = 4
_H = 56
_W = 56
_HP = _H + 2
_WP = _W + 2
_P = _HP * _WP
_MARGIN = _WP + 1
_XE = ((_P + 2 * _MARGIN + 127) // 128) * 128
_NOISE_STD = 0.1
_OFFS = tuple((dy - 1) * _WP + (dx - 1) for dy in range(3) for dx in range(3))
_D = 512
_L = 16


def _gate_sc_body(tf_hbm, wg_hbm, noise_hbm, idx_hbm, val_hbm,
                  tf_v, wg_v, noise_v, ibuf, vbuf):
    wid = lax.axis_index("s") * 2 + lax.axis_index("c")

    @pl.when(wid < _B)
    def _work():
        b = wid
        pltpu.sync_copy(tf_hbm.at[b], tf_v)
        pltpu.sync_copy(wg_hbm, wg_v)
        pltpu.sync_copy(noise_hbm.at[b], noise_v)

        lane = lax.iota(jnp.int32, _L)
        logits = jnp.full((_L,), -1e30, jnp.float32)
        for e in range(_E):
            acc = jnp.zeros((_L,), jnp.float32)
            for c in range(_D // _L):
                acc = acc + tf_v[pl.ds(c * _L, _L)] * wg_v[e, pl.ds(c * _L, _L)]
            s = jnp.sum(acc, axis=0)
            logits = jnp.where(lane == e, s, logits)
        logits = logits + noise_v[pl.ds(0, _L)]
        m = jnp.max(logits, axis=0)
        ex = jnp.exp(logits - m)
        w = ex / jnp.sum(ex, axis=0)
        w_sorted, i_sorted = plsc.sort_key_val(w, lane, descending=True)
        for c in range(128 // _L):
            vbuf[pl.ds(c * _L, _L)] = w_sorted
            ibuf[pl.ds(c * _L, _L)] = i_sorted
        pltpu.sync_copy(vbuf, val_hbm.at[b])
        pltpu.sync_copy(ibuf, idx_hbm.at[b])


def _gate_sc(text_feature, Wg, noise_eff):
    mesh = plsc.VectorSubcoreMesh(core_axis_name="c", subcore_axis_name="s")
    k = functools.partial(
        pl.kernel,
        mesh=mesh,
        out_type=(
            jax.ShapeDtypeStruct((_B, 128), jnp.int32),
            jax.ShapeDtypeStruct((_B, 128), jnp.float32),
        ),
        scratch_types=[
            pltpu.VMEM((_D,), jnp.float32),
            pltpu.VMEM((_E, _D), jnp.float32),
            pltpu.VMEM((128,), jnp.float32),
            pltpu.VMEM((128,), jnp.int32),
            pltpu.VMEM((128,), jnp.float32),
        ],
        compiler_params=pltpu.CompilerParams(needs_layout_passes=False),
    )(_gate_sc_body)
    return k(text_feature, Wg, noise_eff)


def _gelu(x):
    return 0.5 * x * (1.0 + jax.lax.erf(x * (1.0 / math.sqrt(2.0))))


def _moe_body(idx_ref, val_ref, xp_ref, mask_ref, w1a_ref, w1b_ref,
              b1a_ref, b1b_ref, w2a_ref, w2b_ref, b2a_ref, b2b_ref,
              out_ref, xext, xcat, hext, hacat, hbcat):
    b = pl.program_id(0)
    s0 = val_ref[b, 0]
    s1 = val_ref[b, 1]

    @pl.when(b == 0)
    def _init():
        xext[...] = jnp.zeros((_C, _XE), jnp.bfloat16)
        hext[...] = jnp.zeros((2 * _C, _XE), jnp.bfloat16)

    xext[:, _MARGIN:_MARGIN + _P] = xp_ref[0]
    for t, o in enumerate(_OFFS):
        xcat[t * _C:(t + 1) * _C, :] = xext[:, _MARGIN + o:_MARGIN + o + _P]

    y1a = jax.lax.dot_general(
        w1a_ref[0], xcat[...], (((1,), (0,)), ((), ())),
        preferred_element_type=jnp.float32)
    y1b = jax.lax.dot_general(
        w1b_ref[0], xcat[...], (((1,), (0,)), ((), ())),
        preferred_element_type=jnp.float32)
    bias1 = jnp.concatenate([b1a_ref[0], b1b_ref[0]], axis=0)
    h = _gelu(jnp.concatenate([y1a, y1b], axis=0) + bias1)

    rows = jax.lax.broadcasted_iota(jnp.int32, (2 * _C, 1), 0)
    scale = jnp.where(rows < _C, s0, s1)
    h = h * mask_ref[0] * scale

    hext[:, _MARGIN:_MARGIN + _P] = h.astype(jnp.bfloat16)
    for t, o in enumerate(_OFFS):
        hacat[t * _C:(t + 1) * _C, :] = hext[0:_C, _MARGIN + o:_MARGIN + o + _P]
        hbcat[t * _C:(t + 1) * _C, :] = hext[_C:2 * _C, _MARGIN + o:_MARGIN + o + _P]

    y2 = jax.lax.dot_general(
        w2a_ref[0], hacat[...], (((1,), (0,)), ((), ())),
        preferred_element_type=jnp.float32)
    y2 = y2 + jax.lax.dot_general(
        w2b_ref[0], hbcat[...], (((1,), (0,)), ((), ())),
        preferred_element_type=jnp.float32)
    bias2 = s0 * b2a_ref[0] + s1 * b2b_ref[0]
    out_ref[0] = y2 + bias2


@jax.jit
def kernel(x, text_feature, training, Wg, W1, b1, W2, b2):
    B = x.shape[0]
    noise = jax.random.normal(jax.random.key(42), (B, _E), jnp.float32) * _NOISE_STD
    noise_eff = jnp.where(jnp.asarray(training) != 0, noise, 0.0)

    noise128 = jnp.zeros((B, 128), jnp.float32).at[:, :_E].set(noise_eff)
    idx_full, val_full = _gate_sc(text_feature, Wg, noise128)
    idx = idx_full[:, :_K]
    vals = val_full[:, :_K]

    xp = jnp.pad(x, ((0, 0), (0, 0), (1, 1), (1, 1)))
    xp = xp.reshape(B, _C, _P).astype(jnp.bfloat16)
    ii = jnp.arange(_P, dtype=jnp.int32) // _WP
    jj = jnp.arange(_P, dtype=jnp.int32) % _WP
    mask = ((ii >= 1) & (ii <= _H) & (jj >= 1) & (jj <= _W))
    mask = mask.astype(jnp.float32).reshape(1, 1, _P)
    W1t = W1.transpose(0, 1, 3, 4, 2).reshape(_E, _C, 9 * _C).astype(jnp.bfloat16)
    W2t = W2.transpose(0, 1, 3, 4, 2).reshape(_E, _C, 9 * _C).astype(jnp.bfloat16)
    b1r = b1.reshape(_E, _C, 1)
    b2r = b2.reshape(_E, _C, 1)

    wspec = lambda k: pl.BlockSpec((1, _C, 9 * _C),
                                   lambda b, idx, val, k=k: (idx[b, k], 0, 0))
    bspec = lambda k: pl.BlockSpec((1, _C, 1),
                                   lambda b, idx, val, k=k: (idx[b, k], 0, 0))
    grid_spec = pltpu.PrefetchScalarGridSpec(
        num_scalar_prefetch=2,
        grid=(B,),
        in_specs=[
            pl.BlockSpec((1, _C, _P), lambda b, idx, val: (b, 0, 0)),
            pl.BlockSpec((1, 1, _P), lambda b, idx, val: (0, 0, 0)),
            wspec(0), wspec(1), bspec(0), bspec(1),
            wspec(0), wspec(1), bspec(0), bspec(1),
        ],
        out_specs=pl.BlockSpec((1, _C, _P), lambda b, idx, val: (b, 0, 0)),
        scratch_shapes=[
            pltpu.VMEM((_C, _XE), jnp.bfloat16),
            pltpu.VMEM((9 * _C, _P), jnp.bfloat16),
            pltpu.VMEM((2 * _C, _XE), jnp.bfloat16),
            pltpu.VMEM((9 * _C, _P), jnp.bfloat16),
            pltpu.VMEM((9 * _C, _P), jnp.bfloat16),
        ],
    )
    out = pl.pallas_call(
        _moe_body,
        grid_spec=grid_spec,
        out_shape=jax.ShapeDtypeStruct((B, _C, _P), jnp.float32),
        compiler_params=pltpu.CompilerParams(
            dimension_semantics=("arbitrary",)),
    )(idx, vals, xp, mask, W1t, W1t, b1r, b1r, W2t, W2t, b2r, b2r)

    return out.reshape(B, _C, _HP, _WP)[:, :, 1:-1, 1:-1]

# --- scband reference (transcript-rebuilt; emitter-appended) ---
"""Pipeline reference for scband-mo-efeed-forward-33981781246223 (READ-ONLY COPY).

The authoritative reference and input builder live on the scoring server;
editing this copy changes nothing except your own understanding.
"""

import jax, jax.numpy as jnp
import numpy as np

E = 8
TOP_K = 2
DIM = 96
B = 4
H = 56
W = 56
NOISE_STD = 0.1


def conv2d(x, w, b):
    out = jax.lax.conv_general_dilated(
        x, w, window_strides=(1, 1), padding=((1, 1), (1, 1)),
        dimension_numbers=('NCHW', 'OIHW', 'NCHW'))
    return out + b[None, :, None, None]


def setup_inputs(seed: int = 0) -> dict:
    key = jax.random.key(seed)
    ks = jax.random.split(key, 8)
    x = jax.random.normal(ks[0], (B, DIM, H, W), dtype=jnp.float32)
    text_feature = jax.random.normal(ks[1], (B, 512), dtype=jnp.float32)
    fan_g = 1.0 / np.sqrt(512.0)
    Wg = jax.random.uniform(ks[2], (E, 512), minval=-fan_g, maxval=fan_g, dtype=jnp.float32)
    fan_c = 1.0 / np.sqrt(DIM * 9.0)
    W1 = jax.random.uniform(ks[3], (E, DIM, DIM, 3, 3), minval=-fan_c, maxval=fan_c, dtype=jnp.float32)
    b1 = jax.random.uniform(ks[4], (E, DIM), minval=-fan_c, maxval=fan_c, dtype=jnp.float32)
    W2 = jax.random.uniform(ks[5], (E, DIM, DIM, 3, 3), minval=-fan_c, maxval=fan_c, dtype=jnp.float32)
    b2 = jax.random.uniform(ks[6], (E, DIM), minval=-fan_c, maxval=fan_c, dtype=jnp.float32)
    return {"x": x, "text_feature": text_feature, "training": 0,
            "Wg": Wg, "W1": W1, "b1": b1, "W2": W2, "b2": b2}


def reference(x, text_feature, training, Wg, W1, b1, W2, b2):
    Bn = x.shape[0]
    gate_logits = text_feature @ Wg.T
    noise = jax.random.normal(jax.random.key(42), gate_logits.shape, dtype=gate_logits.dtype) * NOISE_STD
    gate_logits = jnp.where(training != 0, gate_logits + noise, gate_logits)
    gate_weights = jax.nn.softmax(gate_logits, axis=-1)
    topk_values, topk_indices = jax.lax.top_k(gate_weights, TOP_K)
    expert_outs = []
    for j in range(E):
        h = conv2d(x, W1[j], b1[j])
        h = jax.nn.gelu(h, approximate=False)
        h = conv2d(h, W2[j], b2[j])
        expert_outs.append(h)
    moe_output = jnp.zeros_like(x)
    for i in range(TOP_K):
        expert_idx = topk_indices[:, i]
        weight = topk_values[:, i].reshape(Bn, 1, 1, 1)
        for j in range(E):
            mask = (expert_idx == j).reshape(Bn, 1, 1, 1).astype(x.dtype)
            moe_output = moe_output + weight * mask * expert_outs[j]
    return moe_output

if __name__ == "__main__":
    import jax
    _d = setup_inputs()
    print(jax.jit(kernel)(*tuple(_d.values())))

</pallas_src>

<mosaic_0001>
#map = affine_map<(d0, d1) -> (0, 0)>
module attributes {stable_mosaic.version = 14 : i64} {
  func.func @_gate_sc_body(%arg0: i32, %arg1: i32, %arg2: memref<4x512xf32, #tpu.memory_space<hbm>>, %arg3: memref<8x512xf32, #tpu.memory_space<hbm>>, %arg4: memref<4x128xf32, #tpu.memory_space<hbm>>, %arg5: memref<4x128xi32, #tpu.memory_space<hbm>>, %arg6: memref<4x128xf32, #tpu.memory_space<hbm>>, %arg7: memref<512xf32, #tpu.memory_space<vmem>>, %arg8: memref<8x512xf32, #tpu.memory_space<vmem>>, %arg9: memref<128xf32, #tpu.memory_space<vmem>>, %arg10: memref<128xi32, #tpu.memory_space<vmem>>, %arg11: memref<128xf32, #tpu.memory_space<vmem>>) attributes {dimension_semantics = [#tpu.dimension_semantics<core_parallel>, #tpu.dimension_semantics<subcore_parallel>], iteration_bounds = array<i64: 2, 16>, scalar_prefetch = 0 : i64, scratch_operands = 5 : i64, tpu.core_type = #tpu.core_type<sc_vector_subcore>, window_params = [{transform_indices = #map}, {transform_indices = #map}, {transform_indices = #map}, {transform_indices = #map}, {transform_indices = #map}]} {
    %mul3A = arith.constant 2 : i32
    %mul3A_0 = arith.muli %arg1, %mul3A : i32
    %add3A = arith.addi %mul3A_0, %arg0 : i32
    %lt3A = arith.constant 4 : i32
    %lt3A_1 = arith.cmpi slt, %add3A, %lt3A : i32
    %convert_element_type3A = arith.extui %lt3A_1 : i1 to i32
    %cond3A = arith.constant 0 : i32
    %cond3A_2 = arith.cmpi ne, %convert_element_type3A, %cond3A : i32
    scf.if %cond3A_2 {
      "tpu.region"() ({
        %run_scoped3A = tpu.sem_alloc : memref<!tpu.dma_semaphore, #tpu.memory_space<semaphore_mem>>
        %dma_start3A = arith.constant 0 : i32
        %dma_start3A_2182 = tpu.memref_slice %arg2[%add3A, %dma_start3A] : memref<4x512xf32, #tpu.memory_space<hbm>> -> memref<1x512xf32, #tpu.memory_space<hbm>>
        %dma_start3A_2183 = tpu.memref_squeeze %dma_start3A_2182 : memref<1x512xf32, #tpu.memory_space<hbm>> -> memref<512xf32, #tpu.memory_space<hbm>>
        %dma_start3A_2184 = arith.constant 0 : i32
        %dma_start3A_2185 = tpu.memref_slice %arg2[%add3A, %dma_start3A_2184] : memref<4x512xf32, #tpu.memory_space<hbm>> -> memref<1x512xf32, #tpu.memory_space<hbm>>
        %dma_start3A_2186 = tpu.memref_squeeze %dma_start3A_2185 : memref<1x512xf32, #tpu.memory_space<hbm>> -> memref<512xf32, #tpu.memory_space<hbm>>
        tpu.enqueue_dma source(%dma_start3A_2186 : memref<512xf32, #tpu.memory_space<hbm>>) target(%arg7 : memref<512xf32, #tpu.memory_space<vmem>>) target_semaphore(%run_scoped3A : memref<!tpu.dma_semaphore, #tpu.memory_space<semaphore_mem>>)
        %dma_wait3A = arith.constant 0 : i32
        %dma_wait3A_2187 = tpu.memref_slice %arg2[%add3A, %dma_wait3A] : memref<4x512xf32, #tpu.memory_space<hbm>> -> memref<1x512xf32, #tpu.memory_space<hbm>>
        %dma_wait3A_2188 = tpu.memref_squeeze %dma_wait3A_2187 : memref<1x512xf32, #tpu.memory_space<hbm>> -> memref<512xf32, #tpu.memory_space<hbm>>
        %dma_wait3A_2189 = arith.constant 0 : i32
        %dma_wait3A_2190 = tpu.memref_slice %arg2[%add3A, %dma_wait3A_2189] : memref<4x512xf32, #tpu.memory_space<hbm>> -> memref<1x512xf32, #tpu.memory_space<hbm>>
        %dma_wait3A_2191 = tpu.memref_squeeze %dma_wait3A_2190 : memref<1x512xf32, #tpu.memory_space<hbm>> -> memref<512xf32, #tpu.memory_space<hbm>>
        tpu.wait_dma2 semaphore(%run_scoped3A : memref<!tpu.dma_semaphore, #tpu.memory_space<semaphore_mem>>) src(%dma_wait3A_2191 : memref<512xf32, #tpu.memory_space<hbm>>) dst(%arg7 : memref<512xf32, #tpu.memory_space<vmem>>)
        tpu.yield
      }) : () -> ()
      "tpu.region"() ({
        %run_scoped3A = tpu.sem_alloc : memref<!tpu.dma_semaphore, #tpu.memory_space<semaphore_mem>>
        tpu.enqueue_dma source(%arg3 : memref<8x512xf32, #tpu.memory_space<hbm>>) target(%arg8 : memref<8x512xf32, #tpu.memory_space<vmem>>) target_semaphore(%run_scoped3A : memref<!tpu.dma_semaphore, #tpu.memory_space<semaphore_mem>>)
        tpu.wait_dma2 semaphore(%run_scoped3A : memref<!tpu.dma_semaphore, #tpu.memory_space<semaphore_mem>>) src(%arg3 : memref<8x512xf32, #tpu.memory_space<hbm>>) dst(%arg8 : memref<8x512xf32, #tpu.memory_space<vmem>>)
        tpu.yield
      }) : () -> ()
      "tpu.region"() ({
        %run_scoped3A = tpu.sem_alloc : memref<!tpu.dma_semaphore, #tpu.memory_space<semaphore_mem>>
        %dma_start3A = arith.constant 0 : i32
        %dma_start3A_2182 = tpu.memref_slice %arg4[%add3A, %dma_start3A] : memref<4x128xf32, #tpu.memory_space<hbm>> -> memref<1x128xf32, #tpu.memory_space<hbm>>
        %dma_start3A_2183 = tpu.memref_squeeze %dma_start3A_2182 : memref<1x128xf32, #tpu.memory_space<hbm>> -> memref<128xf32, #tpu.memory_space<hbm>>
        %dma_start3A_2184 = arith.constant 0 : i32
        %dma_start3A_2185 = tpu.memref_slice %arg4[%add3A, %dma_start3A_2184] : memref<4x128xf32, #tpu.memory_space<hbm>> -> memref<1x128xf32, #tpu.memory_space<hbm>>
        %dma_start3A_2186 = tpu.memref_squeeze %dma_start3A_2185 : memref<1x128xf32, #tpu.memory_space<hbm>> -> memref<128xf32, #tpu.memory_space<hbm>>
        tpu.enqueue_dma source(%dma_start3A_2186 : memref<128xf32, #tpu.memory_space<hbm>>) target(%arg9 : memref<128xf32, #tpu.memory_space<vmem>>) target_semaphore(%run_scoped3A : memref<!tpu.dma_semaphore, #tpu.memory_space<semaphore_mem>>)
        %dma_wait3A = arith.constant 0 : i32
        %dma_wait3A_2187 = tpu.memref_slice %arg4[%add3A, %dma_wait3A] : memref<4x128xf32, #tpu.memory_space<hbm>> -> memref<1x128xf32, #tpu.memory_space<hbm>>
        %dma_wait3A_2188 = tpu.memref_squeeze %dma_wait3A_2187 : memref<1x128xf32, #tpu.memory_space<hbm>> -> memref<128xf32, #tpu.memory_space<hbm>>
        %dma_wait3A_2189 = arith.constant 0 : i32
        %dma_wait3A_2190 = tpu.memref_slice %arg4[%add3A, %dma_wait3A_2189] : memref<4x128xf32, #tpu.memory_space<hbm>> -> memref<1x128xf32, #tpu.memory_space<hbm>>
        %dma_wait3A_2191 = tpu.memref_squeeze %dma_wait3A_2190 : memref<1x128xf32, #tpu.memory_space<hbm>> -> memref<128xf32, #tpu.memory_space<hbm>>
        tpu.wait_dma2 semaphore(%run_scoped3A : memref<!tpu.dma_semaphore, #tpu.memory_space<semaphore_mem>>) src(%dma_wait3A_2191 : memref<128xf32, #tpu.memory_space<hbm>>) dst(%arg9 : memref<128xf32, #tpu.memory_space<vmem>>)
        tpu.yield
      }) : () -> ()
      %iota3A = tpu.iota {dimensions = array<i32: 0>} : vector<16xi32>
      %broadcast_in_dim3A = arith.constant -1.000000e+30 : f32
      %broadcast_in_dim3A_3 = vector.broadcast %broadcast_in_dim3A : f32 to vector<16xf32>
      %broadcast_in_dim3A_4 = arith.constant 0.000000e+00 : f32
      %broadcast_in_dim3A_5 = vector.broadcast %broadcast_in_dim3A_4 : f32 to vector<16xf32>
      %get3A = arith.constant 0 : index
      %get3A_6 = tpu.vector_load %arg7[%get3A] {strides = array<i32>} : memref<512xf32, #tpu.memory_space<vmem>>, vector<16xf32>,
      %get3A_7 = arith.constant 0 : i32
      %get3A_8 = arith.index_cast %get3A_7 : i32 to index
      %get3A_9 = arith.constant 0 : index
      %get3A_10 = tpu.vector_load %arg8[%get3A_8, %get3A_9] {strides = array<i32>} : memref<8x512xf32, #tpu.memory_space<vmem>>, vector<16xf32>,
      %mul3A_11 = arith.mulf %get3A_6, %get3A_10 : vector<16xf32>
      %add3A_12 = arith.addf %broadcast_in_dim3A_5, %mul3A_11 : vector<16xf32>
      %get3A_13 = arith.constant 16 : index
      %get3A_14 = tpu.vector_load %arg7[%get3A_13] {strides = array<i32>} : memref<512xf32, #tpu.memory_space<vmem>>, vector<16xf32>,
      %get3A_15 = arith.constant 0 : i32
      %get3A_16 = arith.index_cast %get3A_15 : i32 to index
      %get3A_17 = arith.constant 16 : index
      %get3A_18 = tpu.vector_load %arg8[%get3A_16, %get3A_17] {strides = array<i32>} : memref<8x512xf32, #tpu.memory_space<vmem>>, vector<16xf32>,
      %mul3A_19 = arith.mulf %get3A_14, %get3A_18 : vector<16xf32>
      %add3A_20 = arith.addf %add3A_12, %mul3A_19 : vector<16xf32>
      %get3A_21 = arith.constant 32 : index
      %get3A_22 = tpu.vector_load %arg7[%get3A_21] {strides = array<i32>} : memref<512xf32, #tpu.memory_space<vmem>>, vector<16xf32>,
      %get3A_23 = arith.constant 0 : i32
      %get3A_24 = arith.index_cast %get3A_23 : i32 to index
      %get3A_25 = arith.constant 32 : index
      %get3A_26 = tpu.vector_load %arg8[%get3A_24, %get3A_25] {strides = array<i32>} : memref<8x512xf32, #tpu.memory_space<vmem>>, vector<16xf32>,
      %mul3A_27 = arith.mulf %get3A_22, %get3A_26 : vector<16xf32>
      %add3A_28 = arith.addf %add3A_20, %mul3A_27 : vector<16xf32>
      %get3A_29 = arith.constant 48 : index
      %get3A_30 = tpu.vector_load %arg7[%get3A_29] {strides = array<i32>} : memref<512xf32, #tpu.memory_space<vmem>>, vector<16xf32>,
      %get3A_31 = arith.constant 0 : i32
      %get3A_32 = arith.index_cast %get3A_31 : i32 to index
      %get3A_33 = arith.constant 48 : index
      %get3A_34 = tpu.vector_load %arg8[%get3A_32, %get3A_33] {strides = array<i32>} : memref<8x512xf32, #tpu.memory_space<vmem>>, vector<16xf32>,
      %mul3A_35 = arith.mulf %get3A_30, %get3A_34 : vector<16xf32>
      %add3A_36 = arith.addf %add3A_28, %mul3A_35 : vector<16xf32>
      %get3A_37 = arith.constant 64 : index
      %get3A_38 = tpu.vector_load %arg7[%get3A_37] {strides = array<i32>} : memref<512xf32, #tpu.memory_space<vmem>>, vector<16xf32>,
      %get3A_39 = arith.constant 0 : i32
      %get3A_40 = arith.index_cast %get3A_39 : i32 to index
      %get3A_41 = arith.constant 64 : index
      %get3A_42 = tpu.vector_load %arg8[%get3A_40, %get3A_41] {strides = array<i32>} : memref<8x512xf32, #tpu.memory_space<vmem>>, vector<16xf32>,
      %mul3A_43 = arith.mulf %get3A_38, %get3A_42 : vector<16xf32>
      %add3A_44 = arith.addf %add3A_36, %mul3A_43 : vector<16xf32>
      %get3A_45 = arith.constant 80 : index
      %get3A_46 = tpu.vector_load %arg7[%get3A_45] {strides = array<i32>} : memref<512xf32, #tpu.memory_space<vmem>>, vector<16xf32>,
      %get3A_47 = arith.constant 0 : i32
      %get3A_48 = arith.index_cast %get3A_47 : i32 to index
      %get3A_49 = arith.constant 80 : index
      %get3A_50 = tpu.vector_load %arg8[%get3A_48, %get3A_49] {strides = array<i32>} : memref<8x512xf32, #tpu.memory_space<vmem>>, vector<16xf32>,
      %mul3A_51 = arith.mulf %get3A_46, %get3A_50 : vector<16xf32>
      %add3A_52 = arith.addf %add3A_44, %mul3A_51 : vector<16xf32>
      %get3A_53 = arith.constant 96 : index
      %get3A_54 = tpu.vector_load %arg7[%get3A_53] {strides = array<i32>} : memref<512xf32, #tpu.memory_space<vmem>>, vector<16xf32>,
      %get3A_55 = arith.constant 0 : i32
      %get3A_56 = arith.index_cast %get3A_55 : i32 to index
      %get3A_57 = arith.constant 96 : index
      %get3A_58 = tpu.vector_load %arg8[%get3A_56, %get3A_57] {strides = array<i32>} : memref<8x512xf32, #tpu.memory_space<vmem>>, vector<16xf32>,
      %mul3A_59 = arith.mulf %get3A_54, %get3A_58 : vector<16xf32>
      %add3A_60 = arith.addf %add3A_52, %mul3A_59 : vector<16xf32>
      %get3A_61 = arith.constant 112 : index
      %get3A_62 = tpu.vector_load %arg7[%get3A_61] {strides = array<i32>} : memref<512xf32, #tpu.memory_space<vmem>>, vector<16xf32>,
      %get3A_63 = arith.constant 0 : i32
      %get3A_64 = arith.index_cast %get3A_63 : i32 to index
      %get3A_65 = arith.constant 112 : index
      %get3A_66 = tpu.vector_load %arg8[%get3A_64, %get3A_65] {strides = array<i32>} : memref<8x512xf32, #tpu.memory_space<vmem>>, vector<16xf32>,
      %mul3A_67 = arith.mulf %get3A_62, %get3A_66 : vector<16xf32>
      %add3A_68 = arith.addf %add3A_60, %mul3A_67 : vector<16xf32>
      %get3A_69 = arith.constant 128 : index
      %get3A_70 = tpu.vector_load %arg7[%get3A_69] {strides = array<i32>} : memref<512xf32, #tpu.memory_space<vmem>>, vector<16xf32>,
      %get3A_71 = arith.constant 0 : i32
      %get3A_72 = arith.index_cast %get3A_71 : i32 to index
      %get3A_73 = arith.constant 128 : index
      %get3A_74 = tpu.vector_load %arg8[%get3A_72, %get3A_73] {strides = array<i32>} : memref<8x512xf32, #tpu.memory_space<vmem>>, vector<16xf32>,
      %mul3A_75 = arith.mulf %get3A_70, %get3A_74 : vector<16xf32>
      %add3A_76 = arith.addf %add3A_68, %mul3A_75 : vector<16xf32>
      %get3A_77 = arith.constant 144 : index
      %get3A_78 = tpu.vector_load %arg7[%get3A_77] {strides = array<i32>} : memref<512xf32, #tpu.memory_space<vmem>>, vector<16xf32>,
      %get3A_79 = arith.constant 0 : i32
      %get3A_80 = arith.index_cast %get3A_79 : i32 to index
      %get3A_81 = arith.constant 144 : index
      %get3A_82 = tpu.vector_load %arg8[%get3A_80, %get3A_81] {strides = array<i32>} : memref<8x512xf32, #tpu.memory_space<vmem>>, vector<16xf32>,
      %mul3A_83 = arith.mulf %get3A_78, %get3A_82 : vector<16xf32>
      %add3A_84 = arith.addf %add3A_76, %mul3A_83 : vector<16xf32>
      %get3A_85 = arith.constant 160 : index
      %get3A_86 = tpu.vector_load %arg7[%get3A_85] {strides = array<i32>} : memref<512xf32, #tpu.memory_space<vmem>>, vector<16xf32>,
      %get3A_87 = arith.constant 0 : i32
      %get3A_88 = arith.index_cast %get3A_87 : i32 to index
      %get3A_89 = arith.constant 160 : index
      %get3A_90 = tpu.vector_load %arg8[%get3A_88, %get3A_89] {strides = array<i32>} : memref<8x512xf32, #tpu.memory_space<vmem>>, vector<16xf32>,
      %mul3A_91 = arith.mulf %get3A_86, %get3A_90 : vector<16xf32>
      %add3A_92 = arith.addf %add3A_84, %mul3A_91 : vector<16xf32>
      %get3A_93 = arith.constant 176 : index
      %get3A_94 = tpu.vector_load %arg7[%get3A_93] {strides = array<i32>} : memref<512xf32, #tpu.memory_space<vmem>>, vector<16xf32>,
      %get3A_95 = arith.constant 0 : i32
      %get3A_96 = arith.index_cast %get3A_95 : i32 to index
      %get3A_97 = arith.constant 176 : index
      %get3A_98 = tpu.vector_load %arg8[%get3A_96, %get3A_97] {strides = array<i32>} : memref<8x512xf32, #tpu.memory_space<vmem>>, vector<16xf32>,
      %mul3A_99 = arith.mulf %get3A_94, %get3A_98 : vector<16xf32>
      %add3A_100 = arith.addf %add3A_92, %mul3A_99 : vector<16xf32>
      %get3A_101 = arith.constant 192 : index
      %get3A_102 = tpu.vector_load %arg7[%get3A_101] {strides = array<i32>} : memref<512xf32, #tpu.memory_space<vmem>>, vector<16xf32>,
      %get3A_103 = arith.constant 0 : i32
      %get3A_104 = arith.index_cast %get3A_103 : i32 to index
      %get3A_105 = arith.constant 192 : index
      %get3A_106 = tpu.vector_load %arg8[%get3A_104, %get3A_105] {strides = array<i32>} : memref<8x512xf32, #tpu.memory_space<vmem>>, vector<16xf32>,
      %mul3A_107 = arith.mulf %get3A_102, %get3A_106 : vector<16xf32>
      %add3A_108 = arith.addf %add3A_100, %mul3A_107 : vector<16xf32>
      %get3A_109 = arith.constant 208 : index
      %get3A_110 = tpu.vector_load %arg7[%get3A_109] {strides = array<i32>} : memref<512xf32, #tpu.memory_space<vmem>>, vector<16xf32>,
      %get3A_111 = arith.constant 0 : i32
      %get3A_112 = arith.index_cast %get3A_111 : i32 to index
      %get3A_113 = arith.constant 208 : index
      %get3A_114 = tpu.vector_load %arg8[%get3A_112, %get3A_113] {strides = array<i32>} : memref<8x512xf32, #tpu.memory_space<vmem>>, vector<16xf32>,
      %mul3A_115 = arith.mulf %get3A_110, %get3A_114 : vector<16xf32>
      %add3A_116 = arith.addf %add3A_108, %mul3A_115 : vector<16xf32>
      %get3A_117 = arith.constant 224 : index
      %get3A_118 = tpu.vector_load %arg7[%get3A_117] {strides = array<i32>} : memref<512xf32, #tpu.memory_space<vmem>>, vector<16xf32>,
      %get3A_119 = arith.constant 0 : i32
      %get3A_120 = arith.index_cast %get3A_119 : i32 to index
      %get3A_121 = arith.constant 224 : index
      %get3A_122 = tpu.vector_load %arg8[%get3A_120, %get3A_121] {strides = array<i32>} : memref<8x512xf32, #tpu.memory_space<vmem>>, vector<16xf32>,
      %mul3A_123 = arith.mulf %get3A_118, %get3A_122 : vector<16xf32>
      %add3A_124 = arith.addf %add3A_116, %mul3A_123 : vector<16xf32>
      %get3A_125 = arith.constant 240 : index
      %get3A_126 = tpu.vector_load %arg7[%get3A_125] {strides = array<i32>} : memref<512xf32, #tpu.memory_space<vmem>>, vector<16xf32>,
      %get3A_127 = arith.constant 0 : i32
      %get3A_128 = arith.index_cast %get3A_127 : i32 to index
      %get3A_129 = arith.constant 240 : index
      %get3A_130 = tpu.vector_load %arg8[%get3A_128, %get3A_129] {strides = array<i32>} : memref<8x512xf32, #tpu.memory_space<vmem>>, vector<16xf32>,
      %mul3A_131 = arith.mulf %get3A_126, %get3A_130 : vector<16xf32>
      %add3A_132 = arith.addf %add3A_124, %mul3A_131 : vector<16xf32>
      %get3A_133 = arith.constant 256 : index
      %get3A_134 = tpu.vector_load %arg7[%get3A_133] {strides = array<i32>} : memref<512xf32, #tpu.memory_space<vmem>>, vector<16xf32>,
      %get3A_135 = arith.constant 0 : i32
      %get3A_136 = arith.index_cast %get3A_135 : i32 to index
      %get3A_137 = arith.constant 256 : index
      %get3A_138 = tpu.vector_load %arg8[%get3A_136, %get3A_137] {strides = array<i32>} : memref<8x512xf32, #tpu.memory_space<vmem>>, vector<16xf32>,
      %mul3A_139 = arith.mulf %get3A_134, %get3A_138 : vector<16xf32>
      %add3A_140 = arith.addf %add3A_132, %mul3A_139 : vector<16xf32>
      %get3A_141 = arith.constant 272 : index
      %get3A_142 = tpu.vector_load %arg7[%get3A_141] {strides = array<i32>} : memref<512xf32, #tpu.memory_space<vmem>>, vector<16xf32>,
      %get3A_143 = arith.constant 0 : i32
      %get3A_144 = arith.index_cast %get3A_143 : i32 to index
      %get3A_145 = arith.constant 272 : index
      %get3A_146 = tpu.vector_load %arg8[%get3A_144, %get3A_145] {strides = array<i32>} : memref<8x512xf32, #tpu.memory_space<vmem>>, vector<16xf32>,
      %mul3A_147 = arith.mulf %get3A_142, %get3A_146 : vector<16xf32>
      %add3A_148 = arith.addf %add3A_140, %mul3A_147 : vector<16xf32>
      %get3A_149 = arith.constant 288 : index
      %get3A_150 = tpu.vector_load %arg7[%get3A_149] {strides = array<i32>} : memref<512xf32, #tpu.memory_space<vmem>>, vector<16xf32>,
      %get3A_151 = arith.constant 0 : i32
      %get3A_152 = arith.index_cast %get3A_151 : i32 to index
      %get3A_153 = arith.constant 288 : index
      %get3A_154 = tpu.vector_load %arg8[%get3A_152, %get3A_153] {strides = array<i32>} : memref<8x512xf32, #tpu.memory_space<vmem>>, vector<16xf32>,
      %mul3A_155 = arith.mulf %get3A_150, %get3A_154 : vector<16xf32>
      %add3A_156 = arith.addf %add3A_148, %mul3A_155 : vector<16xf32>
      %get3A_157 = arith.constant 304 : index
      %get3A_158 = tpu.vector_load %arg7[%get3A_157] {strides = array<i32>} : memref<512xf32, #tpu.memory_space<vmem>>, vector<16xf32>,
      %get3A_159 = arith.constant 0 : i32
      %get3A_160 = arith.index_cast %get3A_159 : i32 to index
      %get3A_161 = arith.constant 304 : index
      %get3A_162 = tpu.vector_load %arg8[%get3A_160, %get3A_161] {strides = array<i32>} : memref<8x512xf32, #tpu.memory_space<vmem>>, vector<16xf32>,
      %mul3A_163 = arith.mulf %get3A_158, %get3A_162 : vector<16xf32>
      %add3A_164 = arith.addf %add3A_156, %mul3A_163 : vector<16xf32>
      %get3A_165 = arith.constant 320 : index
      %get3A_166 = tpu.vector_load %arg7[%get3A_165] {strides = array<i32>} : memref<512xf32, #tpu.memory_space<vmem>>, vector<16xf32>,
      %get3A_167 = arith.constant 0 : i32
      %get3A_168 = arith.index_cast %get3A_167 : i32 to index
      %get3A_169 = arith.constant 320 : index
      %get3A_170 = tpu.vector_load %arg8[%get3A_168, %get3A_169] {strides = array<i32>} : memref<8x512xf32, #tpu.memory_space<vmem>>, vector<16xf32>,
      %mul3A_171 = arith.mulf %get3A_166, %get3A_170 : vector<16xf32>
      %add3A_172 = arith.addf %add3A_164, %mul3A_171 : vector<16xf32>
      %get3A_173 = arith.constant 336 : index
      %get3A_174 = tpu.vector_load %arg7[%get3A_173] {strides = array<i32>} : memref<512xf32, #tpu.memory_space<vmem>>, vector<16xf32>,
      %get3A_175 = arith.constant 0 : i32
      %get3A_176 = arith.index_cast %get3A_175 : i32 to index
      %get3A_177 = arith.constant 336 : index
      %get3A_178 = tpu.vector_load %arg8[%get3A_176, %get3A_177] {strides = array<i32>} : memref<8x512xf32, #tpu.memory_space<vmem>>, vector<16xf32>,
      %mul3A_179 = arith.mulf %get3A_174, %get3A_178 : vector<16xf32>
      %add3A_180 = arith.addf %add3A_172, %mul3A_179 : vector<16xf32>
      %get3A_181 = arith.constant 352 : index
      %get3A_182 = tpu.vector_load %arg7[%get3A_181] {strides = array<i32>} : memref<512xf32, #tpu.memory_space<vmem>>, vector<16xf32>,
      %get3A_183 = arith.constant 0 : i32
      %get3A_184 = arith.index_cast %get3A_183 : i32 to index
      %get3A_185 = arith.constant 352 : index
      %get3A_186 = tpu.vector_load %arg8[%get3A_184, %get3A_185] {strides = array<i32>} : memref<8x512xf32, #tpu.memory_space<vmem>>, vector<16xf32>,
      %mul3A_187 = arith.mulf %get3A_182, %get3A_186 : vector<16xf32>
      %add3A_188 = arith.addf %add3A_180, %mul3A_187 : vector<16xf32>
      %get3A_189 = arith.constant 368 : index
      %get3A_190 = tpu.vector_load %arg7[%get3A_189] {strides = array<i32>} : memref<512xf32, #tpu.memory_space<vmem>>, vector<16xf32>,
      %get3A_191 = arith.constant 0 : i32
      %get3A_192 = arith.index_cast %get3A_191 : i32 to index
      %get3A_193 = arith.constant 368 : index
      %get3A_194 = tpu.vector_load %arg8[%get3A_192, %get3A_193] {strides = array<i32>} : memref<8x512xf32, #tpu.memory_space<vmem>>, vector<16xf32>,
      %mul3A_195 = arith.mulf %get3A_190, %get3A_194 : vector<16xf32>
      %add3A_196 = arith.addf %add3A_188, %mul3A_195 : vector<16xf32>
      %get3A_197 = arith.constant 384 : index
      %get3A_198 = tpu.vector_load %arg7[%get3A_197] {strides = array<i32>} : memref<512xf32, #tpu.memory_space<vmem>>, vector<16xf32>,
      %get3A_199 = arith.constant 0 : i32
      %get3A_200 = arith.index_cast %get3A_199 : i32 to index
      %get3A_201 = arith.constant 384 : index
      %get3A_202 = tpu.vector_load %arg8[%get3A_200, %get3A_201] {strides = array<i32>} : memref<8x512xf32, #tpu.memory_space<vmem>>, vector<16xf32>,
      %mul3A_203 = arith.mulf %get3A_198, %get3A_202 : vector<16xf32>
      %add3A_204 = arith.addf %add3A_196, %mul3A_203 : vector<16xf32>
      %get3A_205 = arith.constant 400 : index
      %get3A_206 = tpu.vector_load %arg7[%get3A_205] {strides = array<i32>} : memref<512xf32, #tpu.memory_space<vmem>>, vector<16xf32>,
      %get3A_207 = arith.constant 0 : i32
      %get3A_208 = arith.index_cast %get3A_207 : i32 to index
      %get3A_209 = arith.constant 400 : index
      %get3A_210 = tpu.vector_load %arg8[%get3A_208, %get3A_209] {strides = array<i32>} : memref<8x512xf32, #tpu.memory_space<vmem>>, vector<16xf32>,
      %mul3A_211 = arith.mulf %get3A_206, %get3A_210 : vector<16xf32>
      %add3A_212 = arith.addf %add3A_204, %mul3A_211 : vector<16xf32>
      %get3A_213 = arith.constant 416 : index
      %get3A_214 = tpu.vector_load %arg7[%get3A_213] {strides = array<i32>} : memref<512xf32, #tpu.memory_space<vmem>>, vector<16xf32>,
      %get3A_215 = arith.constant 0 : i32
      %get3A_216 = arith.index_cast %get3A_215 : i32 to index
      %get3A_217 = arith.constant 416 : index
      %get3A_218 = tpu.vector_load %arg8[%get3A_216, %get3A_217] {strides = array<i32>} : memref<8x512xf32, #tpu.memory_space<vmem>>, vector<16xf32>,
      %mul3A_219 = arith.mulf %get3A_214, %get3A_218 : vector<16xf32>
      %add3A_220 = arith.addf %add3A_212, %mul3A_219 : vector<16xf32>
      %get3A_221 = arith.constant 432 : index
      %get3A_222 = tpu.vector_load %arg7[%get3A_221] {strides = array<i32>} : memref<512xf32, #tpu.memory_space<vmem>>, vector<16xf32>,
      %get3A_223 = arith.constant 0 : i32
      %get3A_224 = arith.index_cast %get3A_223 : i32 to index
      %get3A_225 = arith.constant 432 : index
      %get3A_226 = tpu.vector_load %arg8[%get3A_224, %get3A_225] {strides = array<i32>} : memref<8x512xf32, #tpu.memory_space<vmem>>, vector<16xf32>,
      %mul3A_227 = arith.mulf %get3A_222, %get3A_226 : vector<16xf32>
      %add3A_228 = arith.addf %add3A_220, %mul3A_227 : vector<16xf32>
      %get3A_229 = arith.constant 448 : index
      %get3A_230 = tpu.vector_load %arg7[%get3A_229] {strides = array<i32>} : memref<512xf32, #tpu.memory_space<vmem>>, vector<16xf32>,
      %get3A_231 = arith.constant 0 : i32
      %get3A_232 = arith.index_cast %get3A_231 : i32 to index
      %get3A_233 = arith.constant 448 : index
      %get3A_234 = tpu.vector_load %arg8[%get3A_232, %get3A_233] {strides = array<i32>} : memref<8x512xf32, #tpu.memory_space<vmem>>, vector<16xf32>,
      %mul3A_235 = arith.mulf %get3A_230, %get3A_234 : vector<16xf32>
      %add3A_236 = arith.addf %add3A_228, %mul3A_235 : vector<16xf32>
      %get3A_237 = arith.constant 464 : index
      %get3A_238 = tpu.vector_load %arg7[%get3A_237] {strides = array<i32>} : memref<512xf32, #tpu.memory_space<vmem>>, vector<16xf32>,
      %get3A_239 = arith.constant 0 : i32
      %get3A_240 = arith.index_cast %get3A_239 : i32 to index
      %get3A_241 = arith.constant 464 : index
      %get3A_242 = tpu.vector_load %arg8[%get3A_240, %get3A_241] {strides = array<i32>} : memref<8x512xf32, #tpu.memory_space<vmem>>, vector<16xf32>,
      %mul3A_243 = arith.mulf %get3A_238, %get3A_242 : vector<16xf32>
      %add3A_244 = arith.addf %add3A_236, %mul3A_243 : vector<16xf32>
      %get3A_245 = arith.constant 480 : index
      %get3A_246 = tpu.vector_load %arg7[%get3A_245] {strides = array<i32>} : memref<512xf32, #tpu.memory_space<vmem>>, vector<16xf32>,
      %get3A_247 = arith.constant 0 : i32
      %get3A_248 = arith.index_cast %get3A_247 : i32 to index
      %get3A_249 = arith.constant 480 : index
      %get3A_250 = tpu.vector_load %arg8[%get3A_248, %get3A_249] {strides = array<i32>} : memref<8x512xf32, #tpu.memory_space<vmem>>, vector<16xf32>,
      %mul3A_251 = arith.mulf %get3A_246, %get3A_250 : vector<16xf32>
      %add3A_252 = arith.addf %add3A_244, %mul3A_251 : vector<16xf32>
      %get3A_253 = arith.constant 496 : index
      %get3A_254 = tpu.vector_load %arg7[%get3A_253] {strides = array<i32>} : memref<512xf32, #tpu.memory_space<vmem>>, vector<16xf32>,
      %get3A_255 = arith.constant 0 : i32
      %get3A_256 = arith.index_cast %get3A_255 : i32 to index
      %get3A_257 = arith.constant 496 : index
      %get3A_258 = tpu.vector_load %arg8[%get3A_256, %get3A_257] {strides = array<i32>} : memref<8x512xf32, #tpu.memory_space<vmem>>, vector<16xf32>,
      %mul3A_259 = arith.mulf %get3A_254, %get3A_258 : vector<16xf32>
      %add3A_260 = arith.addf %add3A_252, %mul3A_259 : vector<16xf32>
      %reduce_sum3A = arith.constant true
      %reduce_sum3A_261 = vector.broadcast %reduce_sum3A : i1 to vector<16xi1>
      %reduce_sum3A_262 = tpu.scan <sum>, %add3A_260 masked %reduce_sum3A_261 : vector<16xf32>, vector<16xi1> -> vector<16xf32>
      %reduce_sum3A_263 = vector.extract %reduce_sum3A_262[15] : f32 from vector<16xf32>
      %eq3A = arith.constant 0 : i32
      %eq3A_264 = vector.broadcast %eq3A : i32 to vector<16xi32>
      %eq3A_265 = arith.cmpi eq, %iota3A, %eq3A_264 : vector<16xi32>
      %broadcast_in_dim3A_266 = vector.broadcast %reduce_sum3A_263 : f32 to vector<16xf32>
      %select_n3A = arith.select %eq3A_265, %broadcast_in_dim3A_266, %broadcast_in_dim3A_3 : vector<16xi1>, vector<16xf32>
      %broadcast_in_dim3A_267 = arith.constant 0.000000e+00 : f32
      %broadcast_in_dim3A_268 = vector.broadcast %broadcast_in_dim3A_267 : f32 to vector<16xf32>
      %get3A_269 = arith.constant 0 : index
      %get3A_270 = tpu.vector_load %arg7[%get3A_269] {strides = array<i32>} : memref<512xf32, #tpu.memory_space<vmem>>, vector<16xf32>,
      %get3A_271 = arith.constant 1 : i32
      %get3A_272 = arith.index_cast %get3A_271 : i32 to index
      %get3A_273 = arith.constant 0 : index
      %get3A_274 = tpu.vector_load %arg8[%get3A_272, %get3A_273] {strides = array<i32>} : memref<8x512xf32, #tpu.memory_space<vmem>>, vector<16xf32>,
      %mul3A_275 = arith.mulf %get3A_270, %get3A_274 : vector<16xf32>
      %add3A_276 = arith.addf %broadcast_in_dim3A_268, %mul3A_275 : vector<16xf32>
      %get3A_277 = arith.constant 16 : index
      %get3A_278 = tpu.vector_load %arg7[%get3A_277] {strides = array<i32>} : memref<512xf32, #tpu.memory_space<vmem>>, vector<16xf32>,
      %get3A_279 = arith.constant 1 : i32
      %get3A_280 = arith.index_cast %get3A_279 : i32 to index
      %get3A_281 = arith.constant 16 : index
      %get3A_282 = tpu.vector_load %arg8[%get3A_280, %get3A_281] {strides = array<i32>} : memref<8x512xf32, #tpu.memory_space<vmem>>, vector<16xf32>,
      %mul3A_283 = arith.mulf %get3A_278, %get3A_282 : vector<16xf32>
      %add3A_284 = arith.addf %add3A_276, %mul3A_283 : vector<16xf32>
      %get3A_285 = arith.constant 32 : index
      %get3A_286 = tpu.vector_load %arg7[%get3A_285] {strides = array<i32>} : memref<512xf32, #tpu.memory_space<vmem>>, vector<16xf32>,
      %get3A_287 = arith.constant 1 : i32
      %get3A_288 = arith.index_cast %get3A_287 : i32 to index
      %get3A_289 = arith.constant 32 : index
      %get3A_290 = tpu.vector_load %arg8[%get3A_288, %get3A_289] {strides = array<i32>} : memref<8x512xf32, #tpu.memory_space<vmem>>, vector<16xf32>,
      %mul3A_291 = arith.mulf %get3A_286, %get3A_290 : vector<16xf32>
      %add3A_292 = arith.addf %add3A_284, %mul3A_291 : vector<16xf32>
      %get3A_293 = arith.constant 48 : index
      %get3A_294 = tpu.vector_load %arg7[%get3A_293] {strides = array<i32>} : memref<512xf32, #tpu.memory_space<vmem>>, vector<16xf32>,
      %get3A_295 = arith.constant 1 : i32
      %get3A_296 = arith.index_cast %get3A_295 : i32 to index
      %get3A_297 = arith.constant 48 : index
      %get3A_298 = tpu.vector_load %arg8[%get3A_296, %get3A_297] {strides = array<i32>} : memref<8x512xf32, #tpu.memory_space<vmem>>, vector<16xf32>,
      %mul3A_299 = arith.mulf %get3A_294, %get3A_298 : vector<16xf32>
      %add3A_300 = arith.addf %add3A_292, %mul3A_299 : vector<16xf32>
      %get3A_301 = arith.constant 64 : index
      %get3A_302 = tpu.vector_load %arg7[%get3A_301] {strides = array<i32>} : memref<512xf32, #tpu.memory_space<vmem>>, vector<16xf32>,
      %get3A_303 = arith.constant 1 : i32
      %get3A_304 = arith.index_cast %get3A_303 : i32 to index
      %get3A_305 = arith.constant 64 : index
      %get3A_306 = tpu.vector_load %arg8[%get3A_304, %get3A_305] {strides = array<i32>} : memref<8x512xf32, #tpu.memory_space<vmem>>, vector<16xf32>,
      %mul3A_307 = arith.mulf %get3A_302, %get3A_306 : vector<16xf32>
      %add3A_308 = arith.addf %add3A_300, %mul3A_307 : vector<16xf32>
      %get3A_309 = arith.constant 80 : index
      %get3A_310 = tpu.vector_load %arg7[%get3A_309] {strides = array<i32>} : memref<512xf32, #tpu.memory_space<vmem>>, vector<16xf32>,
      %get3A_311 = arith.constant 1 : i32
      %get3A_312 = arith.index_cast %get3A_311 : i32 to index
      %get3A_313 = arith.constant 80 : index
      %get3A_314 = tpu.vector_load %arg8[%get3A_312, %get3A_313] {strides = array<i32>} : memref<8x512xf32, #tpu.memory_space<vmem>>, vector<16xf32>,
      %mul3A_315 = arith.mulf %get3A_310, %get3A_314 : vector<16xf32>
      %add3A_316 = arith.addf %add3A_308, %mul3A_315 : vector<16xf32>
      %get3A_317 = arith.constant 96 : index
      %get3A_318 = tpu.vector_load %arg7[%get3A_317] {strides = array<i32>} : memref<512xf32, #tpu.memory_space<vmem>>, vector<16xf32>,
      %get3A_319 = arith.constant 1 : i32
      %get3A_320 = arith.index_cast %get3A_319 : i32 to index
      %get3A_321 = arith.constant 96 : index
      %get3A_322 = tpu.vector_load %arg8[%get3A_320, %get3A_321] {strides = array<i32>} : memref<8x512xf32, #tpu.memory_space<vmem>>, vector<16xf32>,
      %mul3A_323 = arith.mulf %get3A_318, %get3A_322 : vector<16xf32>
      %add3A_324 = arith.addf %add3A_316, %mul3A_323 : vector<16xf32>
      %get3A_325 = arith.constant 112 : index
      %get3A_326 = tpu.vector_load %arg7[%get3A_325] {strides = array<i32>} : memref<512xf32, #tpu.memory_space<vmem>>, vector<16xf32>,
      %get3A_327 = arith.constant 1 : i32
      %get3A_328 = arith.index_cast %get3A_327 : i32 to index
      %get3A_329 = arith.constant 112 : index
      %get3A_330 = tpu.vector_load %arg8[%get3A_328, %get3A_329] {strides = array<i32>} : memref<8x512xf32, #tpu.memory_space<vmem>>, vector<16xf32>,
      %mul3A_331 = arith.mulf %get3A_326, %get3A_330 : vector<16xf32>
      %add3A_332 = arith.addf %add3A_324, %mul3A_331 : vector<16xf32>
      %get3A_333 = arith.constant 128 : index
      %get3A_334 = tpu.vector_load %arg7[%get3A_333] {strides = array<i32>} : memref<512xf32, #tpu.memory_space<vmem>>, vector<16xf32>,
      %get3A_335 = arith.constant 1 : i32
      %get3A_336 = arith.index_cast %get3A_335 : i32 to index
      %get3A_337 = arith.constant 128 : index
      %get3A_338 = tpu.vector_load %arg8[%get3A_336, %get3A_337] {strides = array<i32>} : memref<8x512xf32, #tpu.memory_space<vmem>>, vector<16xf32>,
      %mul3A_339 = arith.mulf %get3A_334, %get3A_338 : vector<16xf32>
      %add3A_340 = arith.addf %add3A_332, %mul3A_339 : vector<16xf32>
      %get3A_341 = arith.constant 144 : index
      %get3A_342 = tpu.vector_load %arg7[%get3A_341] {strides = array<i32>} : memref<512xf32, #tpu.memory_space<vmem>>, vector<16xf32>,
      %get3A_343 = arith.constant 1 : i32
      %get3A_344 = arith.index_cast %get3A_343 : i32 to index
      %get3A_345 = arith.constant 144 : index
      %get3A_346 = tpu.vector_load %arg8[%get3A_344, %get3A_345] {strides = array<i32>} : memref<8x512xf32, #tpu.memory_space<vmem>>, vector<16xf32>,
      %mul3A_347 = arith.mulf %get3A_342, %get3A_346 : vector<16xf32>
      %add3A_348 = arith.addf %add3A_340, %mul3A_347 : vector<16xf32>
      %get3A_349 = arith.constant 160 : index
      %get3A_350 = tpu.vector_load %arg7[%get3A_349] {strides = array<i32>} : memref<512xf32, #tpu.memory_space<vmem>>, vector<16xf32>,
      %get3A_351 = arith.constant 1 : i32
      %get3A_352 = arith.index_cast %get3A_351 : i32 to index
      %get3A_353 = arith.constant 160 : index
      %get3A_354 = tpu.vector_load %arg8[%get3A_352, %get3A_353] {strides = array<i32>} : memref<8x512xf32, #tpu.memory_space<vmem>>, vector<16xf32>,
      %mul3A_355 = arith.mulf %get3A_350, %get3A_354 : vector<16xf32>
      %add3A_356 = arith.addf %add3A_348, %mul3A_355 : vector<16xf32>
      %get3A_357 = arith.constant 176 : index
      %get3A_358 = tpu.vector_load %arg7[%get3A_357] {strides = array<i32>} : memref<512xf32, #tpu.memory_space<vmem>>, vector<16xf32>,
      %get3A_359 = arith.constant 1 : i32
      %get3A_360 = arith.index_cast %get3A_359 : i32 to index
      %get3A_361 = arith.constant 176 : index
      %get3A_362 = tpu.vector_load %arg8[%get3A_360, %get3A_361] {strides = array<i32>} : memref<8x512xf32, #tpu.memory_space<vmem>>, vector<16xf32>,
      %mul3A_363 = arith.mulf %get3A_358, %get3A_362 : vector<16xf32>
      %add3A_364 = arith.addf %add3A_356, %mul3A_363 : vector<16xf32>
      %get3A_365 = arith.constant 192 : index
      %get3A_366 = tpu.vector_load %arg7[%get3A_365] {strides = array<i32>} : memref<512xf32, #tpu.memory_space<vmem>>, vector<16xf32>,
      %get3A_367 = arith.constant 1 : i32
      %get3A_368 = arith.index_cast %get3A_367 : i32 to index
      %get3A_369 = arith.constant 192 : index
      %get3A_370 = tpu.vector_load %arg8[%get3A_368, %get3A_369] {strides = array<i32>} : memref<8x512xf32, #tpu.memory_space<vmem>>, vector<16xf32>,
      %mul3A_371 = arith.mulf %get3A_366, %get3A_370 : vector<16xf32>
      %add3A_372 = arith.addf %add3A_364, %mul3A_371 : vector<16xf32>
      %get3A_373 = arith.constant 208 : index
      %get3A_374 = tpu.vector_load %arg7[%get3A_373] {strides = array<i32>} : memref<512xf32, #tpu.memory_space<vmem>>, vector<16xf32>,
      %get3A_375 = arith.constant 1 : i32
      %get3A_376 = arith.index_cast %get3A_375 : i32 to index
      %get3A_377 = arith.constant 208 : index
      %get3A_378 = tpu.vector_load %arg8[%get3A_376, %get3A_377] {strides = array<i32>} : memref<8x512xf32, #tpu.memory_space<vmem>>, vector<16xf32>,
      %mul3A_379 = arith.mulf %get3A_374, %get3A_378 : vector<16xf32>
      %add3A_380 = arith.addf %add3A_372, %mul3A_379 : vector<16xf32>
      %get3A_381 = arith.constant 224 : index
      %get3A_382 = tpu.vector_load %arg7[%get3A_381] {strides = array<i32>} : memref<512xf32, #tpu.memory_space<vmem>>, vector<16xf32>,
      %get3A_383 = arith.constant 1 : i32
      %get3A_384 = arith.index_cast %get3A_383 : i32 to index
      %get3A_385 = arith.constant 224 : index
      %get3A_386 = tpu.vector_load %arg8[%get3A_384, %get3A_385] {strides = array<i32>} : memref<8x512xf32, #tpu.memory_space<vmem>>, vector<16xf32>,
      %mul3A_387 = arith.mulf %get3A_382, %get3A_386 : vector<16xf32>
      %add3A_388 = arith.addf %add3A_380, %mul3A_387 : vector<16xf32>
      %get3A_389 = arith.constant 240 : index
      %get3A_390 = tpu.vector_load %arg7[%get3A_389] {strides = array<i32>} : memref<512xf32, #tpu.memory_space<vmem>>, vector<16xf32>,
      %get3A_391 = arith.constant 1 : i32
      %get3A_392 = arith.index_cast %get3A_391 : i32 to index
      %get3A_393 = arith.constant 240 : index
      %get3A_394 = tpu.vector_load %arg8[%get3A_392, %get3A_393] {strides = array<i32>} : memref<8x512xf32, #tpu.memory_space<vmem>>, vector<16xf32>,
      %mul3A_395 = arith.mulf %get3A_390, %get3A_394 : vector<16xf32>
      %add3A_396 = arith.addf %add3A_388, %mul3A_395 : vector<16xf32>
      %get3A_397 = arith.constant 256 : index
      %get3A_398 = tpu.vector_load %arg7[%get3A_397] {strides = array<i32>} : memref<512xf32, #tpu.memory_space<vmem>>, vector<16xf32>,
      %get3A_399 = arith.constant 1 : i32
      %get3A_400 = arith.index_cast %get3A_399 : i32 to index
      %get3A_401 = arith.constant 256 : index
      %get3A_402 = tpu.vector_load %arg8[%get3A_400, %get3A_401] {strides = array<i32>} : memref<8x512xf32, #tpu.memory_space<vmem>>, vector<16xf32>,
      %mul3A_403 = arith.mulf %get3A_398, %get3A_402 : vector<16xf32>
      %add3A_404 = arith.addf %add3A_396, %mul3A_403 : vector<16xf32>
      %get3A_405 = arith.constant 272 : index
      %get3A_406 = tpu.vector_load %arg7[%get3A_405] {strides = array<i32>} : memref<512xf32, #tpu.memory_space<vmem>>, vector<16xf32>,
      %get3A_407 = arith.constant 1 : i32
      %get3A_408 = arith.index_cast %get3A_407 : i32 to index
      %get3A_409 = arith.constant 272 : index
      %get3A_410 = tpu.vector_load %arg8[%get3A_408, %get3A_409] {strides = array<i32>} : memref<8x512xf32, #tpu.memory_space<vmem>>, vector<16xf32>,
      %mul3A_411 = arith.mulf %get3A_406, %get3A_410 : vector<16xf32>
      %add3A_412 = arith.addf %add3A_404, %mul3A_411 : vector<16xf32>
      %get3A_413 = arith.constant 288 : index
      %get3A_414 = tpu.vector_load %arg7[%get3A_413] {strides = array<i32>} : memref<512xf32, #tpu.memory_space<vmem>>, vector<16xf32>,
      %get3A_415 = arith.constant 1 : i32
      %get3A_416 = arith.index_cast %get3A_415 : i32 to index
      %get3A_417 = arith.constant 288 : index
      %get3A_418 = tpu.vector_load %arg8[%get3A_416, %get3A_417] {strides = array<i32>} : memref<8x512xf32, #tpu.memory_space<vmem>>, vector<16xf32>,
      %mul3A_419 = arith.mulf %get3A_414, %get3A_418 : vector<16xf32>
      %add3A_420 = arith.addf %add3A_412, %mul3A_419 : vector<16xf32>
      %get3A_421 = arith.constant 304 : index
      %get3A_422 = tpu.vector_load %arg7[%get3A_421] {strides = array<i32>} : memref<512xf32, #tpu.memory_space<vmem>>, vector<16xf32>,
      %get3A_423 = arith.constant 1 : i32
      %get3A_424 = arith.index_cast %get3A_423 : i32 to index
      %get3A_425 = arith.constant 304 : index
      %get3A_426 = tpu.vector_load %arg8[%get3A_424, %get3A_425] {strides = array<i32>} : memref<8x512xf32, #tpu.memory_space<vmem>>, vector<16xf32>,
      %mul3A_427 = arith.mulf %get3A_422, %get3A_426 : vector<16xf32>
      %add3A_428 = arith.addf %add3A_420, %mul3A_427 : vector<16xf32>
      %get3A_429 = arith.constant 320 : index
      %get3A_430 = tpu.vector_load %arg7[%get3A_429] {strides = array<i32>} : memref<512xf32, #tpu.memory_space<vmem>>, vector<16xf32>,
      %get3A_431 = arith.constant 1 : i32
      %get3A_432 = arith.index_cast %get3A_431 : i32 to index
      %get3A_433 = arith.constant 320 : index
      %get3A_434 = tpu.vector_load %arg8[%get3A_432, %get3A_433] {strides = array<i32>} : memref<8x512xf32, #tpu.memory_space<vmem>>, vector<16xf32>,
      %mul3A_435 = arith.mulf %get3A_430, %get3A_434 : vector<16xf32>
      %add3A_436 = arith.addf %add3A_428, %mul3A_435 : vector<16xf32>
      %get3A_437 = arith.constant 336 : index
      %get3A_438 = tpu.vector_load %arg7[%get3A_437] {strides = array<i32>} : memref<512xf32, #tpu.memory_space<vmem>>, vector<16xf32>,
      %get3A_439 = arith.constant 1 : i32
      %get3A_440 = arith.index_cast %get3A_439 : i32 to index
      %get3A_441 = arith.constant 336 : index
      %get3A_442 = tpu.vector_load %arg8[%get3A_440, %get3A_441] {strides = array<i32>} : memref<8x512xf32, #tpu.memory_space<vmem>>, vector<16xf32>,
      %mul3A_443 = arith.mulf %get3A_438, %get3A_442 : vector<16xf32>
      %add3A_444 = arith.addf %add3A_436, %mul3A_443 : vector<16xf32>
      %get3A_445 = arith.constant 352 : index
      %get3A_446 = tpu.vector_load %arg7[%get3A_445] {strides = array<i32>} : memref<512xf32, #tpu.memory_space<vmem>>, vector<16xf32>,
      %get3A_447 = arith.constant 1 : i32
      %get3A_448 = arith.index_cast %get3A_447 : i32 to index
      %get3A_449 = arith.constant 352 : index
      %get3A_450 = tpu.vector_load %arg8[%get3A_448, %get3A_449] {strides = array<i32>} : memref<8x512xf32, #tpu.memory_space<vmem>>, vector<16xf32>,
      %mul3A_451 = arith.mulf %get3A_446, %get3A_450 : vector<16xf32>
      %add3A_452 = arith.addf %add3A_444, %mul3A_451 : vector<16xf32>
      %get3A_453 = arith.constant 368 : index
      %get3A_454 = tpu.vector_load %arg7[%get3A_453] {strides = array<i32>} : memref<512xf32, #tpu.memory_space<vmem>>, vector<16xf32>,
      %get3A_455 = arith.constant 1 : i32
      %get3A_456 = arith.index_cast %get3A_455 : i32 to index
      %get3A_457 = arith.constant 368 : index
      %get3A_458 = tpu.vector_load %arg8[%get3A_456, %get3A_457] {strides = array<i32>} : memref<8x512xf32, #tpu.memory_space<vmem>>, vector<16xf32>,
      %mul3A_459 = arith.mulf %get3A_454, %get3A_458 : vector<16xf32>
      %add3A_460 = arith.addf %add3A_452, %mul3A_459 : vector<16xf32>
      %get3A_461 = arith.constant 384 : index
      %get3A_462 = tpu.vector_load %arg7[%get3A_461] {strides = array<i32>} : memref<512xf32, #tpu.memory_space<vmem>>, vector<16xf32>,
      %get3A_463 = arith.constant 1 : i32
      %get3A_464 = arith.index_cast %get3A_463 : i32 to index
      %get3A_465 = arith.constant 384 : index
      %get3A_466 = tpu.vector_load %arg8[%get3A_464, %get3A_465] {strides = array<i32>} : memref<8x512xf32, #tpu.memory_space<vmem>>, vector<16xf32>,
      %mul3A_467 = arith.mulf %get3A_462, %get3A_466 : vector<16xf32>
      %add3A_468 = arith.addf %add3A_460, %mul3A_467 : vector<16xf32>
      %get3A_469 = arith.constant 400 : index
      %get3A_470 = tpu.vector_load %arg7[%get3A_469] {strides = array<i32>} : memref<512xf32, #tpu.memory_space<vmem>>, vector<16xf32>,
      %get3A_471 = arith.constant 1 : i32
      %get3A_472 = arith.index_cast %get3A_471 : i32 to index
      %get3A_473 = arith.constant 400 : index
      %get3A_474 = tpu.vector_load %arg8[%get3A_472, %get3A_473] {strides = array<i32>} : memref<8x512xf32, #tpu.memory_space<vmem>>, vector<16xf32>,
      %mul3A_475 = arith.mulf %get3A_470, %get3A_474 : vector<16xf32>
      %add3A_476 = arith.addf %add3A_468, %mul3A_475 : vector<16xf32>
      %get3A_477 = arith.constant 416 : index
      %get3A_478 = tpu.vector_load %arg7[%get3A_477] {strides = array<i32>} : memref<512xf32, #tpu.memory_space<vmem>>, vector<16xf32>,
      %get3A_479 = arith.constant 1 : i32
      %get3A_480 = arith.index_cast %get3A_479 : i32 to index
      %get3A_481 = arith.constant 416 : index
      %get3A_482 = tpu.vector_load %arg8[%get3A_480, %get3A_481] {strides = array<i32>} : memref<8x512xf32, #tpu.memory_space<vmem>>, vector<16xf32>,
      %mul3A_483 = arith.mulf %get3A_478, %get3A_482 : vector<16xf32>
      %add3A_484 = arith.addf %add3A_476, %mul3A_483 : vector<16xf32>
      %get3A_485 = arith.constant 432 : index
      %get3A_486 = tpu.vector_load %arg7[%get3A_485] {strides = array<i32>} : memref<512xf32, #tpu.memory_space<vmem>>, vector<16xf32>,
      %get3A_487 = arith.constant 1 : i32
      %get3A_488 = arith.index_cast %get3A_487 : i32 to index
      %get3A_489 = arith.constant 432 : index
      %get3A_490 = tpu.vector_load %arg8[%get3A_488, %get3A_489] {strides = array<i32>} : memref<8x512xf32, #tpu.memory_space<vmem>>, vector<16xf32>,
      %mul3A_491 = arith.mulf %get3A_486, %get3A_490 : vector<16xf32>
      %add3A_492 = arith.addf %add3A_484, %mul3A_491 : vector<16xf32>
      %get3A_493 = arith.constant 448 : index
      %get3A_494 = tpu.vector_load %arg7[%get3A_493] {strides = array<i32>} : memref<512xf32, #tpu.memory_space<vmem>>, vector<16xf32>,
      %get3A_495 = arith.constant 1 : i32
      %get3A_496 = arith.index_cast %get3A_495 : i32 to index
      %get3A_497 = arith.constant 448 : index
      %get3A_498 = tpu.vector_load %arg8[%get3A_496, %get3A_497] {strides = array<i32>} : memref<8x512xf32, #tpu.memory_space<vmem>>, vector<16xf32>,
      %mul3A_499 = arith.mulf %get3A_494, %get3A_498 : vector<16xf32>
      %add3A_500 = arith.addf %add3A_492, %mul3A_499 : vector<16xf32>
      %get3A_501 = arith.constant 464 : index
      %get3A_502 = tpu.vector_load %arg7[%get3A_501] {strides = array<i32>} : memref<512xf32, #tpu.memory_space<vmem>>, vector<16xf32>,
      %get3A_503 = arith.constant 1 : i32
      %get3A_504 = arith.index_cast %get3A_503 : i32 to index
      %get3A_505 = arith.constant 464 : index
      %get3A_506 = tpu.vector_load %arg8[%get3A_504, %get3A_505] {strides = array<i32>} : memref<8x512xf32, #tpu.memory_space<vmem>>, vector<16xf32>,
      %mul3A_507 = arith.mulf %get3A_502, %get3A_506 : vector<16xf32>
      %add3A_508 = arith.addf %add3A_500, %mul3A_507 : vector<16xf32>
      %get3A_509 = arith.constant 480 : index
      %get3A_510 = tpu.vector_load %arg7[%get3A_509] {strides = array<i32>} : memref<512xf32, #tpu.memory_space<vmem>>, vector<16xf32>,
      %get3A_511 = arith.constant 1 : i32
      %get3A_512 = arith.index_cast %get3A_511 : i32 to index
      %get3A_513 = arith.constant 480 : index
      %get3A_514 = tpu.vector_load %arg8[%get3A_512, %get3A_513] {strides = array<i32>} : memref<8x512xf32, #tpu.memory_space<vmem>>, vector<16xf32>,
      %mul3A_515 = arith.mulf %get3A_510, %get3A_514 : vector<16xf32>
      %add3A_516 = arith.addf %add3A_508, %mul3A_515 : vector<16xf32>
      %get3A_517 = arith.constant 496 : index
      %get3A_518 = tpu.vector_load %arg7[%get3A_517] {strides = array<i32>} : memref<512xf32, #tpu.memory_space<vmem>>, vector<16xf32>,
      %get3A_519 = arith.constant 1 : i32
      %get3A_520 = arith.index_cast %get3A_519 : i32 to index
      %get3A_521 = arith.constant 496 : index
      %get3A_522 = tpu.vector_load %arg8[%get3A_520, %get3A_521] {strides = array<i32>} : memref<8x512xf32, #tpu.memory_space<vmem>>, vector<16xf32>,
      %mul3A_523 = arith.mulf %get3A_518, %get3A_522 : vector<16xf32>
      %add3A_524 = arith.addf %add3A_516, %mul3A_523 : vector<16xf32>
      %reduce_sum3A_525 = arith.constant true
      %reduce_sum3A_526 = vector.broadcast %reduce_sum3A_525 : i1 to vector<16xi1>
      %reduce_sum3A_527 = tpu.scan <sum>, %add3A_524 masked %reduce_sum3A_526 : vector<16xf32>, vector<16xi1> -> vector<16xf32>
      %reduce_sum3A_528 = vector.extract %reduce_sum3A_527[15] : f32 from vector<16xf32>
      %eq3A_529 = arith.constant 1 : i32
      %eq3A_530 = vector.broadcast %eq3A_529 : i32 to vector<16xi32>
      %eq3A_531 = arith.cmpi eq, %iota3A, %eq3A_530 : vector<16xi32>
      %broadcast_in_dim3A_532 = vector.broadcast %reduce_sum3A_528 : f32 to vector<16xf32>
      %select_n3A_533 = arith.select %eq3A_531, %broadcast_in_dim3A_532, %select_n3A : vector<16xi1>, vector<16xf32>
      %broadcast_in_dim3A_534 = arith.constant 0.000000e+00 : f32
      %broadcast_in_dim3A_535 = vector.broadcast %broadcast_in_dim3A_534 : f32 to vector<16xf32>
      %get3A_536 = arith.constant 0 : index
      %get3A_537 = tpu.vector_load %arg7[%get3A_536] {strides = array<i32>} : memref<512xf32, #tpu.memory_space<vmem>>, vector<16xf32>,
      %get3A_538 = arith.constant 2 : i32
      %get3A_539 = arith.index_cast %get3A_538 : i32 to index
      %get3A_540 = arith.constant 0 : index
      %get3A_541 = tpu.vector_load %arg8[%get3A_539, %get3A_540] {strides = array<i32>} : memref<8x512xf32, #tpu.memory_space<vmem>>, vector<16xf32>,
      %mul3A_542 = arith.mulf %get3A_537, %get3A_541 : vector<16xf32>
      %add3A_543 = arith.addf %broadcast_in_dim3A_535, %mul3A_542 : vector<16xf32>
      %get3A_544 = arith.constant 16 : index
      %get3A_545 = tpu.vector_load %arg7[%get3A_544] {strides = array<i32>} : memref<512xf32, #tpu.memory_space<vmem>>, vector<16xf32>,
      %get3A_546 = arith.constant 2 : i32
      %get3A_547 = arith.index_cast %get3A_546 : i32 to index
      %get3A_548 = arith.constant 16 : index
      %get3A_549 = tpu.vector_load %arg8[%get3A_547, %get3A_548] {strides = array<i32>} : memref<8x512xf32, #tpu.memory_space<vmem>>, vector<16xf32>,
      %mul3A_550 = arith.mulf %get3A_545, %get3A_549 : vector<16xf32>
      %add3A_551 = arith.addf %add3A_543, %mul3A_550 : vector<16xf32>
      %get3A_552 = arith.constant 32 : index
      %get3A_553 = tpu.vector_load %arg7[%get3A_552] {strides = array<i32>} : memref<512xf32, #tpu.memory_space<vmem>>, vector<16xf32>,
      %get3A_554 = arith.constant 2 : i32
      %get3A_555 = arith.index_cast %get3A_554 : i32 to index
      %get3A_556 = arith.constant 32 : index
      %get3A_557 = tpu.vector_load %arg8[%get3A_555, %get3A_556] {strides = array<i32>} : memref<8x512xf32, #tpu.memory_space<vmem>>, vector<16xf32>,
      %mul3A_558 = arith.mulf %get3A_553, %get3A_557 : vector<16xf32>
      %add3A_559 = arith.addf %add3A_551, %mul3A_558 : vector<16xf32>
      %get3A_560 = arith.constant 48 : index
      %get3A_561 = tpu.vector_load %arg7[%get3A_560] {strides = array<i32>} : memref<512xf32, #tpu.memory_space<vmem>>, vector<16xf32>,
      %get3A_562 = arith.constant 2 : i32
      %get3A_563 = arith.index_cast %get3A_562 : i32 to index
      %get3A_564 = arith.constant 48 : index
      %get3A_565 = tpu.vector_load %arg8[%get3A_563, %get3A_564] {strides = array<i32>} : memref<8x512xf32, #tpu.memory_space<vmem>>, vector<16xf32>,
      %mul3A_566 = arith.mulf %get3A_561, %get3A_565 : vector<16xf32>
      %add3A_567 = arith.addf %add3A_559, %mul3A_566 : vector<16xf32>
      %get3A_568 = arith.constant 64 : index
      %get3A_569 = tpu.vector_load %arg7[%get3A_568] {strides = array<i32>} : memref<512xf32, #tpu.memory_space<vmem>>, vector<16xf32>,
      %get3A_570 = arith.constant 2 : i32
      %get3A_571 = arith.index_cast %get3A_570 : i32 to index
      %get3A_572 = arith.constant 64 : index
      %get3A_573 = tpu.vector_load %arg8[%get3A_571, %get3A_572] {strides = array<i32>} : memref<8x512xf32, #tpu.memory_space<vmem>>, vector<16xf32>,
      %mul3A_574 = arith.mulf %get3A_569, %get3A_573 : vector<16xf32>
      %add3A_575 = arith.addf %add3A_567, %mul3A_574 : vector<16xf32>
      %get3A_576 = arith.constant 80 : index
      %get3A_577 = tpu.vector_load %arg7[%get3A_576] {strides = array<i32>} : memref<512xf32, #tpu.memory_space<vmem>>, vector<16xf32>,
      %get3A_578 = arith.constant 2 : i32
      %get3A_579 = arith.index_cast %get3A_578 : i32 to index
      %get3A_580 = arith.constant 80 : index
      %get3A_581 = tpu.vector_load %arg8[%get3A_579, %get3A_580] {strides = array<i32>} : memref<8x512xf32, #tpu.memory_space<vmem>>, vector<16xf32>,
      %mul3A_582 = arith.mulf %get3A_577, %get3A_581 : vector<16xf32>
      %add3A_583 = arith.addf %add3A_575, %mul3A_582 : vector<16xf32>
      %get3A_584 = arith.constant 96 : index
      %get3A_585 = tpu.vector_load %arg7[%get3A_584] {strides = array<i32>} : memref<512xf32, #tpu.memory_space<vmem>>, vector<16xf32>,
      %get3A_586 = arith.constant 2 : i32
      %get3A_587 = arith.index_cast %get3A_586 : i32 to index
      %get3A_588 = arith.constant 96 : index
      %get3A_589 = tpu.vector_load %arg8[%get3A_587, %get3A_588] {strides = array<i32>} : memref<8x512xf32, #tpu.memory_space<vmem>>, vector<16xf32>,
      %mul3A_590 = arith.mulf %get3A_585, %get3A_589 : vector<16xf32>
      %add3A_591 = arith.addf %add3A_583, %mul3A_590 : vector<16xf32>
      %get3A_592 = arith.constant 112 : index
      %get3A_593 = tpu.vector_load %arg7[%get3A_592] {strides = array<i32>} : memref<512xf32, #tpu.memory_space<vmem>>, vector<16xf32>,
      %get3A_594 = arith.constant 2 : i32
      %get3A_595 = arith.index_cast %get3A_594 : i32 to index
      %get3A_596 = arith.constant 112 : index
      %get3A_597 = tpu.vector_load %arg8[%get3A_595, %get3A_596] {strides = array<i32>} : memref<8x512xf32, #tpu.memory_space<vmem>>, vector<16xf32>,
      %mul3A_598 = arith.mulf %get3A_593, %get3A_597 : vector<16xf32>
      %add3A_599 = arith.addf %add3A_591, %mul3A_598 : vector<16xf32>
      %get3A_600 = arith.constant 128 : index
      %get3A_601 = tpu.vector_load %arg7[%get3A_600] {strides = array<i32>} : memref<512xf32, #tpu.memory_space<vmem>>, vector<16xf32>,
      %get3A_602 = arith.constant 2 : i32
      %get3A_603 = arith.index_cast %get3A_602 : i32 to index
      %get3A_604 = arith.constant 128 : index
      %get3A_605 = tpu.vector_load %arg8[%get3A_603, %get3A_604] {strides = array<i32>} : memref<8x512xf32, #tpu.memory_space<vmem>>, vector<16xf32>,
      %mul3A_606 = arith.mulf %get3A_601, %get3A_605 : vector<16xf32>
      %add3A_607 = arith.addf %add3A_599, %mul3A_606 : vector<16xf32>
      %get3A_608 = arith.constant 144 : index
      %get3A_609 = tpu.vector_load %arg7[%get3A_608] {strides = array<i32>} : memref<512xf32, #tpu.memory_space<vmem>>, vector<16xf32>,
      %get3A_610 = arith.constant 2 : i32
      %get3A_611 = arith.index_cast %get3A_610 : i32 to index
      %get3A_612 = arith.constant 144 : index
      %get3A_613 = tpu.vector_load %arg8[%get3A_611, %get3A_612] {strides = array<i32>} : memref<8x512xf32, #tpu.memory_space<vmem>>, vector<16xf32>,
      %mul3A_614 = arith.mulf %get3A_609, %get3A_613 : vector<16xf32>
      %add3A_615 = arith.addf %add3A_607, %mul3A_614 : vector<16xf32>
      %get3A_616 = arith.constant 160 : index
      %get3A_617 = tpu.vector_load %arg7[%get3A_616] {strides = array<i32>} : memref<512xf32, #tpu.memory_space<vmem>>, vector<16xf32>,
      %get3A_618 = arith.constant 2 : i32
      %get3A_619 = arith.index_cast %get3A_618 : i32 to index
      %get3A_620 = arith.constant 160 : index
      %get3A_621 = tpu.vector_load %arg8[%get3A_619, %get3A_620] {strides = array<i32>} : memref<8x512xf32, #tpu.memory_space<vmem>>, vector<16xf32>,
      %mul3A_622 = arith.mulf %get3A_617, %get3A_621 : vector<16xf32>
      %add3A_623 = arith.addf %add3A_615, %mul3A_622 : vector<16xf32>
      %get3A_624 = arith.constant 176 : index
      %get3A_625 = tpu.vector_load %arg7[%get3A_624] {strides = array<i32>} : memref<512xf32, #tpu.memory_space<vmem>>, vector<16xf32>,
      %get3A_626 = arith.constant 2 : i32
      %get3A_627 = arith.index_cast %get3A_626 : i32 to index
      %get3A_628 = arith.constant 176 : index
      %get3A_629 = tpu.vector_load %arg8[%get3A_627, %get3A_628] {strides = array<i32>} : memref<8x512xf32, #tpu.memory_space<vmem>>, vector<16xf32>,
      %mul3A_630 = arith.mulf %get3A_625, %get3A_629 : vector<16xf32>
      %add3A_631 = arith.addf %add3A_623, %mul3A_630 : vector<16xf32>
      %get3A_632 = arith.constant 192 : index
      %get3A_633 = tpu.vector_load %arg7[%get3A_632] {strides = array<i32>} : memref<512xf32, #tpu.memory_space<vmem>>, vector<16xf32>,
      %get3A_634 = arith.constant 2 : i32
      %get3A_635 = arith.index_cast %get3A_634 : i32 to index
      %get3A_636 = arith.constant 192 : index
      %get3A_637 = tpu.vector_load %arg8[%get3A_635, %get3A_636] {strides = array<i32>} : memref<8x512xf32, #tpu.memory_space<vmem>>, vector<16xf32>,
      %mul3A_638 = arith.mulf %get3A_633, %get3A_637 : vector<16xf32>
      %add3A_639 = arith.addf %add3A_631, %mul3A_638 : vector<16xf32>
      %get3A_640 = arith.constant 208 : index
      %get3A_641 = tpu.vector_load %arg7[%get3A_640] {strides = array<i32>} : memref<512xf32, #tpu.memory_space<vmem>>, vector<16xf32>,
      %get3A_642 = arith.constant 2 : i32
      %get3A_643 = arith.index_cast %get3A_642 : i32 to index
      %get3A_644 = arith.constant 208 : index
      %get3A_645 = tpu.vector_load %arg8[%get3A_643, %get3A_644] {strides = array<i32>} : memref<8x512xf32, #tpu.memory_space<vmem>>, vector<16xf32>,
      %mul3A_646 = arith.mulf %get3A_641, %get3A_645 : vector<16xf32>
      %add3A_647 = arith.addf %add3A_639, %mul3A_646 : vector<16xf32>
      %get3A_648 = arith.constant 224 : index
      %get3A_649 = tpu.vector_load %arg7[%get3A_648] {strides = array<i32>} : memref<512xf32, #tpu.memory_space<vmem>>, vector<16xf32>,
      %get3A_650 = arith.constant 2 : i32
      %get3A_651 = arith.index_cast %get3A_650 : i32 to index
      %get3A_652 = arith.constant 224 : index
      %get3A_653 = tpu.vector_load %arg8[%get3A_651, %get3A_652] {strides = array<i32>} : memref<8x512xf32, #tpu.memory_space<vmem>>, vector<16xf32>,
      %mul3A_654 = arith.mulf %get3A_649, %get3A_653 : vector<16xf32>
      %add3A_655 = arith.addf %add3A_647, %mul3A_654 : vector<16xf32>
      %get3A_656 = arith.constant 240 : index
      %get3A_657 = tpu.vector_load %arg7[%get3A_656] {strides = array<i32>} : memref<512xf32, #tpu.memory_space<vmem>>, vector<16xf32>,
      %get3A_658 = arith.constant 2 : i32
      %get3A_659 = arith.index_cast %get3A_658 : i32 to index
      %get3A_660 = arith.constant 240 : index
      %get3A_661 = tpu.vector_load %arg8[%get3A_659, %get3A_660] {strides = array<i32>} : memref<8x512xf32, #tpu.memory_space<vmem>>, vector<16xf32>,
      %mul3A_662 = arith.mulf %get3A_657, %get3A_661 : vector<16xf32>
      %add3A_663 = arith.addf %add3A_655, %mul3A_662 : vector<16xf32>
      %get3A_664 = arith.constant 256 : index
      %get3A_665 = tpu.vector_load %arg7[%get3A_664] {strides = array<i32>} : memref<512xf32, #tpu.memory_space<vmem>>, vector<16xf32>,
      %get3A_666 = arith.constant 2 : i32
      %get3A_667 = arith.index_cast %get3A_666 : i32 to index
      %get3A_668 = arith.constant 256 : index
      %get3A_669 = tpu.vector_load %arg8[%get3A_667, %get3A_668] {strides = array<i32>} : memref<8x512xf32, #tpu.memory_space<vmem>>, vector<16xf32>,
      %mul3A_670 = arith.mulf %get3A_665, %get3A_669 : vector<16xf32>
      %add3A_671 = arith.addf %add3A_663, %mul3A_670 : vector<16xf32>
      %get3A_672 = arith.constant 272 : index
      %get3A_673 = tpu.vector_load %arg7[%get3A_672] {strides = array<i32>} : memref<512xf32, #tpu.memory_space<vmem>>, vector<16xf32>,
      %get3A_674 = arith.constant 2 : i32
      %get3A_675 = arith.index_cast %get3A_674 : i32 to index
      %get3A_676 = arith.constant 272 : index
      %get3A_677 = tpu.vector_load %arg8[%get3A_675, %get3A_676] {strides = array<i32>} : memref<8x512xf32, #tpu.memory_space<vmem>>, vector<16xf32>,
      %mul3A_678 = arith.mulf %get3A_673, %get3A_677 : vector<16xf32>
      %add3A_679 = arith.addf %add3A_671, %mul3A_678 : vector<16xf32>
      %get3A_680 = arith.constant 288 : index
      %get3A_681 = tpu.vector_load %arg7[%get3A_680] {strides = array<i32>} : memref<512xf32, #tpu.memory_space<vmem>>, vector<16xf32>,
      %get3A_682 = arith.constant 2 : i32
      %get3A_683 = arith.index_cast %get3A_682 : i32 to index
      %get3A_684 = arith.constant 288 : index
      %get3A_685 = tpu.vector_load %arg8[%get3A_683, %get3A_684] {strides = array<i32>} : memref<8x512xf32, #tpu.memory_space<vmem>>, vector<16xf32>,
      %mul3A_686 = arith.mulf %get3A_681, %get3A_685 : vector<16xf32>
      %add3A_687 = arith.addf %add3A_679, %mul3A_686 : vector<16xf32>
      %get3A_688 = arith.constant 304 : index
      %get3A_689 = tpu.vector_load %arg7[%get3A_688] {strides = array<i32>} : memref<512xf32, #tpu.memory_space<vmem>>, vector<16xf32>,
      %get3A_690 = arith.constant 2 : i32
      %get3A_691 = arith.index_cast %get3A_690 : i32 to index
      %get3A_692 = arith.constant 304 : index
      %get3A_693 = tpu.vector_load %arg8[%get3A_691, %get3A_692] {strides = array<i32>} : memref<8x512xf32, #tpu.memory_space<vmem>>, vector<16xf32>,
      %mul3A_694 = arith.mulf %get3A_689, %get3A_693 : vector<16xf32>
      %add3A_695 = arith.addf %add3A_687, %mul3A_694 : vector<16xf32>
      %get3A_696 = arith.constant 320 : index
      %get3A_697 = tpu.vector_load %arg7[%get3A_696] {strides = array<i32>} : memref<512xf32, #tpu.memory_space<vmem>>, vector<16xf32>,
      %get3A_698 = arith.constant 2 : i32
      %get3A_699 = arith.index_cast %get3A_698 : i32 to index
      %get3A_700 = arith.constant 320 : index
      %get3A_701 = tpu.vector_load %arg8[%get3A_699, %get3A_700] {strides = array<i32>} : memref<8x512xf32, #tpu.memory_space<vmem>>, vector<16xf32>,
      %mul3A_702 = arith.mulf %get3A_697, %get3A_701 : vector<16xf32>
      %add3A_703 = arith.addf %add3A_695, %mul3A_702 : vector<16xf32>
      %get3A_704 = arith.constant 336 : index
      %get3A_705 = tpu.vector_load %arg7[%get3A_704] {strides = array<i32>} : memref<512xf32, #tpu.memory_space<vmem>>, vector<16xf32>,
      %get3A_706 = arith.constant 2 : i32
      %get3A_707 = arith.index_cast %get3A_706 : i32 to index
      %get3A_708 = arith.constant 336 : index
      %get3A_709 = tpu.vector_load %arg8[%get3A_707, %get3A_708] {strides = array<i32>} : memref<8x512xf32, #tpu.memory_space<vmem>>, vector<16xf32>,
      %mul3A_710 = arith.mulf %get3A_705, %get3A_709 : vector<16xf32>
      %add3A_711 = arith.addf %add3A_703, %mul3A_710 : vector<16xf32>
      %get3A_712 = arith.constant 352 : index
      %get3A_713 = tpu.vector_load %arg7[%get3A_712] {strides = array<i32>} : memref<512xf32, #tpu.memory_space<vmem>>, vector<16xf32>,
      %get3A_714 = arith.constant 2 : i32
      %get3A_715 = arith.index_cast %get3A_714 : i32 to index
      %get3A_716 = arith.constant 352 : index
      %get3A_717 = tpu.vector_load %arg8[%get3A_715, %get3A_716] {strides = array<i32>} : memref<8x512xf32, #tpu.memory_space<vmem>>, vector<16xf32>,
      %mul3A_718 = arith.mulf %get3A_713, %get3A_717 : vector<16xf32>
      %add3A_719 = arith.addf %add3A_711, %mul3A_718 : vector<16xf32>
      %get3A_720 = arith.constant 368 : index
      %get3A_721 = tpu.vector_load %arg7[%get3A_720] {strides = array<i32>} : memref<512xf32, #tpu.memory_space<vmem>>, vector<16xf32>,
      %get3A_722 = arith.constant 2 : i32
      %get3A_723 = arith.index_cast %get3A_722 : i32 to index
      %get3A_724 = arith.constant 368 : index
      %get3A_725 = tpu.vector_load %arg8[%get3A_723, %get3A_724] {strides = array<i32>} : memref<8x512xf32, #tpu.memory_space<vmem>>, vector<16xf32>,
      %mul3A_726 = arith.mulf %get3A_721, %get3A_725 : vector<16xf32>
      %add3A_727 = arith.addf %add3A_719, %mul3A_726 : vector<16xf32>
      %get3A_728 = arith.constant 384 : index
      %get3A_729 = tpu.vector_load %arg7[%get3A_728] {strides = array<i32>} : memref<512xf32, #tpu.memory_space<vmem>>, vector<16xf32>,
      %get3A_730 = arith.constant 2 : i32
      %get3A_731 = arith.index_cast %get3A_730 : i32 to index
      %get3A_732 = arith.constant 384 : index
      %get3A_733 = tpu.vector_load %arg8[%get3A_731, %get3A_732] {strides = array<i32>} : memref<8x512xf32, #tpu.memory_space<vmem>>, vector<16xf32>,
      %mul3A_734 = arith.mulf %get3A_729, %get3A_733 : vector<16xf32>
      %add3A_735 = arith.addf %add3A_727, %mul3A_734 : vector<16xf32>
      %get3A_736 = arith.constant 400 : index
      %get3A_737 = tpu.vector_load %arg7[%get3A_736] {strides = array<i32>} : memref<512xf32, #tpu.memory_space<vmem>>, vector<16xf32>,
      %get3A_738 = arith.constant 2 : i32
      %get3A_739 = arith.index_cast %get3A_738 : i32 to index
      %get3A_740 = arith.constant 400 : index
      %get3A_741 = tpu.vector_load %arg8[%get3A_739, %get3A_740] {strides = array<i32>} : memref<8x512xf32, #tpu.memory_space<vmem>>, vector<16xf32>,
      %mul3A_742 = arith.mulf %get3A_737, %get3A_741 : vector<16xf32>
      %add3A_743 = arith.addf %add3A_735, %mul3A_742 : vector<16xf32>
      %get3A_744 = arith.constant 416 : index
      %get3A_745 = tpu.vector_load %arg7[%get3A_744] {strides = array<i32>} : memref<512xf32, #tpu.memory_space<vmem>>, vector<16xf32>,
      %get3A_746 = arith.constant 2 : i32
      %get3A_747 = arith.index_cast %get3A_746 : i32 to index
      %get3A_748 = arith.constant 416 : index
      %get3A_749 = tpu.vector_load %arg8[%get3A_747, %get3A_748] {strides = array<i32>} : memref<8x512xf32, #tpu.memory_space<vmem>>, vector<16xf32>,
      %mul3A_750 = arith.mulf %get3A_745, %get3A_749 : vector<16xf32>
      %add3A_751 = arith.addf %add3A_743, %mul3A_750 : vector<16xf32>
      %get3A_752 = arith.constant 432 : index
      %get3A_753 = tpu.vector_load %arg7[%get3A_752] {strides = array<i32>} : memref<512xf32, #tpu.memory_space<vmem>>, vector<16xf32>,
      %get3A_754 = arith.constant 2 : i32
      %get3A_755 = arith.index_cast %get3A_754 : i32 to index
      %get3A_756 = arith.constant 432 : index
      %get3A_757 = tpu.vector_load %arg8[%get3A_755, %get3A_756] {strides = array<i32>} : memref<8x512xf32, #tpu.memory_space<vmem>>, vector<16xf32>,
      %mul3A_758 = arith.mulf %get3A_753, %get3A_757 : vector<16xf32>
      %add3A_759 = arith.addf %add3A_751, %mul3A_758 : vector<16xf32>
      %get3A_760 = arith.constant 448 : index
      %get3A_761 = tpu.vector_load %arg7[%get3A_760] {strides = array<i32>} : memref<512xf32, #tpu.memory_space<vmem>>, vector<16xf32>,
      %get3A_762 = arith.constant 2 : i32
      %get3A_763 = arith.index_cast %get3A_762 : i32 to index
      %get3A_764 = arith.constant 448 : index
      %get3A_765 = tpu.vector_load %arg8[%get3A_763, %get3A_764] {strides = array<i32>} : memref<8x512xf32, #tpu.memory_space<vmem>>, vector<16xf32>,
      %mul3A_766 = arith.mulf %get3A_761, %get3A_765 : vector<16xf32>
      %add3A_767 = arith.addf %add3A_759, %mul3A_766 : vector<16xf32>
      %get3A_768 = arith.constant 464 : index
      %get3A_769 = tpu.vector_load %arg7[%get3A_768] {strides = array<i32>} : memref<512xf32, #tpu.memory_space<vmem>>, vector<16xf32>,
      %get3A_770 = arith.constant 2 : i32
      %get3A_771 = arith.index_cast %get3A_770 : i32 to index
      %get3A_772 = arith.constant 464 : index
      %get3A_773 = tpu.vector_load %arg8[%get3A_771, %get3A_772] {strides = array<i32>} : memref<8x512xf32, #tpu.memory_space<vmem>>, vector<16xf32>,
      %mul3A_774 = arith.mulf %get3A_769, %get3A_773 : vector<16xf32>
      %add3A_775 = arith.addf %add3A_767, %mul3A_774 : vector<16xf32>
      %get3A_776 = arith.constant 480 : index
      %get3A_777 = tpu.vector_load %arg7[%get3A_776] {strides = array<i32>} : memref<512xf32, #tpu.memory_space<vmem>>, vector<16xf32>,
      %get3A_778 = arith.constant 2 : i32
      %get3A_779 = arith.index_cast %get3A_778 : i32 to index
      %get3A_780 = arith.constant 480 : index
      %get3A_781 = tpu.vector_load %arg8[%get3A_779, %get3A_780] {strides = array<i32>} : memref<8x512xf32, #tpu.memory_space<vmem>>, vector<16xf32>,
      %mul3A_782 = arith.mulf %get3A_777, %get3A_781 : vector<16xf32>
      %add3A_783 = arith.addf %add3A_775, %mul3A_782 : vector<16xf32>
      %get3A_784 = arith.constant 496 : index
      %get3A_785 = tpu.vector_load %arg7[%get3A_784] {strides = array<i32>} : memref<512xf32, #tpu.memory_space<vmem>>, vector<16xf32>,
      %get3A_786 = arith.constant 2 : i32
      %get3A_787 = arith.index_cast %get3A_786 : i32 to index
      %get3A_788 = arith.constant 496 : index
      %get3A_789 = tpu.vector_load %arg8[%get3A_787, %get3A_788] {strides = array<i32>} : memref<8x512xf32, #tpu.memory_space<vmem>>, vector<16xf32>,
      %mul3A_790 = arith.mulf %get3A_785, %get3A_789 : vector<16xf32>
      %add3A_791 = arith.addf %add3A_783, %mul3A_790 : vector<16xf32>
      %reduce_sum3A_792 = arith.constant true
      %reduce_sum3A_793 = vector.broadcast %reduce_sum3A_792 : i1 to vector<16xi1>
      %reduce_sum3A_794 = tpu.scan <sum>, %add3A_791 masked %reduce_sum3A_793 : vector<16xf32>, vector<16xi1> -> vector<16xf32>
      %reduce_sum3A_795 = vector.extract %reduce_sum3A_794[15] : f32 from vector<16xf32>
      %eq3A_796 = arith.constant 2 : i32
      %eq3A_797 = vector.broadcast %eq3A_796 : i32 to vector<16xi32>
      %eq3A_798 = arith.cmpi eq, %iota3A, %eq3A_797 : vector<16xi32>
      %broadcast_in_dim3A_799 = vector.broadcast %reduce_sum3A_795 : f32 to vector<16xf32>
      %select_n3A_800 = arith.select %eq3A_798, %broadcast_in_dim3A_799, %select_n3A_533 : vector<16xi1>, vector<16xf32>
      %broadcast_in_dim3A_801 = arith.constant 0.000000e+00 : f32
      %broadcast_in_dim3A_802 = vector.broadcast %broadcast_in_dim3A_801 : f32 to vector<16xf32>
      %get3A_803 = arith.constant 0 : index
      %get3A_804 = tpu.vector_load %arg7[%get3A_803] {strides = array<i32>} : memref<512xf32, #tpu.memory_space<vmem>>, vector<16xf32>,
      %get3A_805 = arith.constant 3 : i32
      %get3A_806 = arith.index_cast %get3A_805 : i32 to index
      %get3A_807 = arith.constant 0 : index
      %get3A_808 = tpu.vector_load %arg8[%get3A_806, %get3A_807] {strides = array<i32>} : memref<8x512xf32, #tpu.memory_space<vmem>>, vector<16xf32>,
      %mul3A_809 = arith.mulf %get3A_804, %get3A_808 : vector<16xf32>
      %add3A_810 = arith.addf %broadcast_in_dim3A_802, %mul3A_809 : vector<16xf32>
      %get3A_811 = arith.constant 16 : index
      %get3A_812 = tpu.vector_load %arg7[%get3A_811] {strides = array<i32>} : memref<512xf32, #tpu.memory_space<vmem>>, vector<16xf32>,
      %get3A_813 = arith.constant 3 : i32
      %get3A_814 = arith.index_cast %get3A_813 : i32 to index
      %get3A_815 = arith.constant 16 : index
      %get3A_816 = tpu.vector_load %arg8[%get3A_814, %get3A_815] {strides = array<i32>} : memref<8x512xf32, #tpu.memory_space<vmem>>, vector<16xf32>,
      %mul3A_817 = arith.mulf %get3A_812, %get3A_816 : vector<16xf32>
      %add3A_818 = arith.addf %add3A_810, %mul3A_817 : vector<16xf32>
      %get3A_819 = arith.constant 32 : index
      %get3A_820 = tpu.vector_load %arg7[%get3A_819] {strides = array<i32>} : memref<512xf32, #tpu.memory_space<vmem>>, vector<16xf32>,
      %get3A_821 = arith.constant 3 : i32
      %get3A_822 = arith.index_cast %get3A_821 : i32 to index
      %get3A_823 = arith.constant 32 : index
      %get3A_824 = tpu.vector_load %arg8[%get3A_822, %get3A_823] {strides = array<i32>} : memref<8x512xf32, #tpu.memory_space<vmem>>, vector<16xf32>,
      %mul3A_825 = arith.mulf %get3A_820, %get3A_824 : vector<16xf32>
      %add3A_826 = arith.addf %add3A_818, %mul3A_825 : vector<16xf32>
      %get3A_827 = arith.constant 48 : index
      %get3A_828 = tpu.vector_load %arg7[%get3A_827] {strides = array<i32>} : memref<512xf32, #tpu.memory_space<vmem>>, vector<16xf32>,
      %get3A_829 = arith.constant 3 : i32
      %get3A_830 = arith.index_cast %get3A_829 : i32 to index
      %get3A_831 = arith.constant 48 : index
      %get3A_832 = tpu.vector_load %arg8[%get3A_830, %get3A_831] {strides = array<i32>} : memref<8x512xf32, #tpu.memory_space<vmem>>, vector<16xf32>,
      %mul3A_833 = arith.mulf %get3A_828, %get3A_832 : vector<16xf32>
      %add3A_834 = arith.addf %add3A_826, %mul3A_833 : vector<16xf32>
      %get3A_835 = arith.constant 64 : index
      %get3A_836 = tpu.vector_load %arg7[%get3A_835] {strides = array<i32>} : memref<512xf32, #tpu.memory_space<vmem>>, vector<16xf32>,
      %get3A_837 = arith.constant 3 : i32
      %get3A_838 = arith.index_cast %get3A_837 : i32 to index
      %get3A_839 = arith.constant 64 : index
      %get3A_840 = tpu.vector_load %arg8[%get3A_838, %get3A_839] {strides = array<i32>} : memref<8x512xf32, #tpu.memory_space<vmem>>, vector<16xf32>,
      %mul3A_841 = arith.mulf %get3A_836, %get3A_840 : vector<16xf32>
      %add3A_842 = arith.addf %add3A_834, %mul3A_841 : vector<16xf32>
      %get3A_843 = arith.constant 80 : index
      %get3A_844 = tpu.vector_load %arg7[%get3A_843] {strides = array<i32>} : memref<512xf32, #tpu.memory_space<vmem>>, vector<16xf32>,
      %get3A_845 = arith.constant 3 : i32
      %get3A_846 = arith.index_cast %get3A_845 : i32 to index
      %get3A_847 = arith.constant 80 : index
      %get3A_848 = tpu.vector_load %arg8[%get3A_846, %get3A_847] {strides = array<i32>} : memref<8x512xf32, #tpu.memory_space<vmem>>, vector<16xf32>,
      %mul3A_849 = arith.mulf %get3A_844, %get3A_848 : vector<16xf32>
      %add3A_850 = arith.addf %add3A_842, %mul3A_849 : vector<16xf32>
      %get3A_851 = arith.constant 96 : index
      %get3A_852 = tpu.vector_load %arg7[%get3A_851] {strides = array<i32>} : memref<512xf32, #tpu.memory_space<vmem>>, vector<16xf32>,
      %get3A_853 = arith.constant 3 : i32
      %get3A_854 = arith.index_cast %get3A_853 : i32 to index
      %get3A_855 = arith.constant 96 : index
      %get3A_856 = tpu.vector_load %arg8[%get3A_854, %get3A_855] {strides = array<i32>} : memref<8x512xf32, #tpu.memory_space<vmem>>, vector<16xf32>,
      %mul3A_857 = arith.mulf %get3A_852, %get3A_856 : vector<16xf32>
      %add3A_858 = arith.addf %add3A_850, %mul3A_857 : vector<16xf32>
      %get3A_859 = arith.constant 112 : index
      %get3A_860 = tpu.vector_load %arg7[%get3A_859] {strides = array<i32>} : memref<512xf32, #tpu.memory_space<vmem>>, vector<16xf32>,
      %get3A_861 = arith.constant 3 : i32
      %get3A_862 = arith.index_cast %get3A_861 : i32 to index
      %get3A_863 = arith.constant 112 : index
      %get3A_864 = tpu.vector_load %arg8[%get3A_862, %get3A_863] {strides = array<i32>} : memref<8x512xf32, #tpu.memory_space<vmem>>, vector<16xf32>,
      %mul3A_865 = arith.mulf %get3A_860, %get3A_864 : vector<16xf32>
      %add3A_866 = arith.addf %add3A_858, %mul3A_865 : vector<16xf32>
      %get3A_867 = arith.constant 128 : index
      %get3A_868 = tpu.vector_load %arg7[%get3A_867] {strides = array<i32>} : memref<512xf32, #tpu.memory_space<vmem>>, vector<16xf32>,
      %get3A_869 = arith.constant 3 : i32
      %get3A_870 = arith.index_cast %get3A_869 : i32 to index
      %get3A_871 = arith.constant 128 : index
      %get3A_872 = tpu.vector_load %arg8[%get3A_870, %get3A_871] {strides = array<i32>} : memref<8x512xf32, #tpu.memory_space<vmem>>, vector<16xf32>,
      %mul3A_873 = arith.mulf %get3A_868, %get3A_872 : vector<16xf32>
      %add3A_874 = arith.addf %add3A_866, %mul3A_873 : vector<16xf32>
      %get3A_875 = arith.constant 144 : index
      %get3A_876 = tpu.vector_load %arg7[%get3A_875] {strides = array<i32>} : memref<512xf32, #tpu.memory_space<vmem>>, vector<16xf32>,
      %get3A_877 = arith.constant 3 : i32
      %get3A_878 = arith.index_cast %get3A_877 : i32 to index
      %get3A_879 = arith.constant 144 : index
      %get3A_880 = tpu.vector_load %arg8[%get3A_878, %get3A_879] {strides = array<i32>} : memref<8x512xf32, #tpu.memory_space<vmem>>, vector<16xf32>,
      %mul3A_881 = arith.mulf %get3A_876, %get3A_880 : vector<16xf32>
      %add3A_882 = arith.addf %add3A_874, %mul3A_881 : vector<16xf32>
      %get3A_883 = arith.constant 160 : index
      %get3A_884 = tpu.vector_load %arg7[%get3A_883] {strides = array<i32>} : memref<512xf32, #tpu.memory_space<vmem>>, vector<16xf32>,
      %get3A_885 = arith.constant 3 : i32
      %get3A_886 = arith.index_cast %get3A_885 : i32 to index
      %get3A_887 = arith.constant 160 : index
      %get3A_888 = tpu.vector_load %arg8[%get3A_886, %get3A_887] {strides = array<i32>} : memref<8x512xf32, #tpu.memory_space<vmem>>, vector<16xf32>,
      %mul3A_889 = arith.mulf %get3A_884, %get3A_888 : vector<16xf32>
      %add3A_890 = arith.addf %add3A_882, %mul3A_889 : vector<16xf32>
      %get3A_891 = arith.constant 176 : index
      %get3A_892 = tpu.vector_load %arg7[%get3A_891] {strides = array<i32>} : memref<512xf32, #tpu.memory_space<vmem>>, vector<16xf32>,
      %get3A_893 = arith.constant 3 : i32
      %get3A_894 = arith.index_cast %get3A_893 : i32 to index
      %get3A_895 = arith.constant 176 : index
      %get3A_896 = tpu.vector_load %arg8[%get3A_894, %get3A_895] {strides = array<i32>} : memref<8x512xf32, #tpu.memory_space<vmem>>, vector<16xf32>,
      %mul3A_897 = arith.mulf %get3A_892, %get3A_896 : vector<16xf32>
      %add3A_898 = arith.addf %add3A_890, %mul3A_897 : vector<16xf32>
      %get3A_899 = arith.constant 192 : index
      %get3A_900 = tpu.vector_load %arg7[%get3A_899] {strides = array<i32>} : memref<512xf32, #tpu.memory_space<vmem>>, vector<16xf32>,
      %get3A_901 = arith.constant 3 : i32
      %get3A_902 = arith.index_cast %get3A_901 : i32 to index
      %get3A_903 = arith.constant 192 : index
      %get3A_904 = tpu.vector_load %arg8[%get3A_902, %get3A_903] {strides = array<i32>} : memref<8x512xf32, #tpu.memory_space<vmem>>, vector<16xf32>,
      %mul3A_905 = arith.mulf %get3A_900, %get3A_904 : vector<16xf32>
      %add3A_906 = arith.addf %add3A_898, %mul3A_905 : vector<16xf32>
      %get3A_907 = arith.constant 208 : index
      %get3A_908 = tpu.vector_load %arg7[%get3A_907] {strides = array<i32>} : memref<512xf32, #tpu.memory_space<vmem>>, vector<16xf32>,
      %get3A_909 = arith.constant 3 : i32
      %get3A_910 = arith.index_cast %get3A_909 : i32 to index
      %get3A_911 = arith.constant 208 : index
      %get3A_912 = tpu.vector_load %arg8[%get3A_910, %get3A_911] {strides = array<i32>} : memref<8x512xf32, #tpu.memory_space<vmem>>, vector<16xf32>,
      %mul3A_913 = arith.mulf %get3A_908, %get3A_912 : vector<16xf32>
      %add3A_914 = arith.addf %add3A_906, %mul3A_913 : vector<16xf32>
      %get3A_915 = arith.constant 224 : index
      %get3A_916 = tpu.vector_load %arg7[%get3A_915] {strides = array<i32>} : memref<512xf32, #tpu.memory_space<vmem>>, vector<16xf32>,
      %get3A_917 = arith.constant 3 : i32
      %get3A_918 = arith.index_cast %get3A_917 : i32 to index
      %get3A_919 = arith.constant 224 : index
      %get3A_920 = tpu.vector_load %arg8[%get3A_918, %get3A_919] {strides = array<i32>} : memref<8x512xf32, #tpu.memory_space<vmem>>, vector<16xf32>,
      %mul3A_921 = arith.mulf %get3A_916, %get3A_920 : vector<16xf32>
      %add3A_922 = arith.addf %add3A_914, %mul3A_921 : vector<16xf32>
      %get3A_923 = arith.constant 240 : index
      %get3A_924 = tpu.vector_load %arg7[%get3A_923] {strides = array<i32>} : memref<512xf32, #tpu.memory_space<vmem>>, vector<16xf32>,
      %get3A_925 = arith.constant 3 : i32
      %get3A_926 = arith.index_cast %get3A_925 : i32 to index
      %get3A_927 = arith.constant 240 : index
      %get3A_928 = tpu.vector_load %arg8[%get3A_926, %get3A_927] {strides = array<i32>} : memref<8x512xf32, #tpu.memory_space<vmem>>, vector<16xf32>,
      %mul3A_929 = arith.mulf %get3A_924, %get3A_928 : vector<16xf32>
      %add3A_930 = arith.addf %add3A_922, %mul3A_929 : vector<16xf32>
      %get3A_931 = arith.constant 256 : index
      %get3A_932 = tpu.vector_load %arg7[%get3A_931] {strides = array<i32>} : memref<512xf32, #tpu.memory_space<vmem>>, vector<16xf32>,
      %get3A_933 = arith.constant 3 : i32
      %get3A_934 = arith.index_cast %get3A_933 : i32 to index
      %get3A_935 = arith.constant 256 : index
      %get3A_936 = tpu.vector_load %arg8[%get3A_934, %get3A_935] {strides = array<i32>} : memref<8x512xf32, #tpu.memory_space<vmem>>, vector<16xf32>,
      %mul3A_937 = arith.mulf %get3A_932, %get3A_936 : vector<16xf32>
      %add3A_938 = arith.addf %add3A_930, %mul3A_937 : vector<16xf32>
      %get3A_939 = arith.constant 272 : index
      %get3A_940 = tpu.vector_load %arg7[%get3A_939] {strides = array<i32>} : memref<512xf32, #tpu.memory_space<vmem>>, vector<16xf32>,
      %get3A_941 = arith.constant 3 : i32
      %get3A_942 = arith.index_cast %get3A_941 : i32 to index
      %get3A_943 = arith.constant 272 : index
      %get3A_944 = tpu.vector_load %arg8[%get3A_942, %get3A_943] {strides = array<i32>} : memref<8x512xf32, #tpu.memory_space<vmem>>, vector<16xf32>,
      %mul3A_945 = arith.mulf %get3A_940, %get3A_944 : vector<16xf32>
      %add3A_946 = arith.addf %add3A_938, %mul3A_945 : vector<16xf32>
      %get3A_947 = arith.constant 288 : index
      %get3A_948 = tpu.vector_load %arg7[%get3A_947] {strides = array<i32>} : memref<512xf32, #tpu.memory_space<vmem>>, vector<16xf32>,
      %get3A_949 = arith.constant 3 : i32
      %get3A_950 = arith.index_cast %get3A_949 : i32 to index
      %get3A_951 = arith.constant 288 : index
      %get3A_952 = tpu.vector_load %arg8[%get3A_950, %get3A_951] {strides = array<i32>} : memref<8x512xf32, #tpu.memory_space<vmem>>, vector<16xf32>,
      %mul3A_953 = arith.mulf %get3A_948, %get3A_952 : vector<16xf32>
      %add3A_954 = arith.addf %add3A_946, %mul3A_953 : vector<16xf32>
      %get3A_955 = arith.constant 304 : index
      %get3A_956 = tpu.vector_load %arg7[%get3A_955] {strides = array<i32>} : memref<512xf32, #tpu.memory_space<vmem>>, vector<16xf32>,
      %get3A_957 = arith.constant 3 : i32
      %get3A_958 = arith.index_cast %get3A_957 : i32 to index
      %get3A_959 = arith.constant 304 : index
      %get3A_960 = tpu.vector_load %arg8[%get3A_958, %get3A_959] {strides = array<i32>} : memref<8x512xf32, #tpu.memory_space<vmem>>, vector<16xf32>,
      %mul3A_961 = arith.mulf %get3A_956, %get3A_960 : vector<16xf32>
      %add3A_962 = arith.addf %add3A_954, %mul3A_961 : vector<16xf32>
      %get3A_963 = arith.constant 320 : index
      %get3A_964 = tpu.vector_load %arg7[%get3A_963] {strides = array<i32>} : memref<512xf32, #tpu.memory_space<vmem>>, vector<16xf32>,
      %get3A_965 = arith.constant 3 : i32
      %get3A_966 = arith.index_cast %get3A_965 : i32 to index
      %get3A_967 = arith.constant 320 : index
      %get3A_968 = tpu.vector_load %arg8[%get3A_966, %get3A_967] {strides = array<i32>} : memref<8x512xf32, #tpu.memory_space<vmem>>, vector<16xf32>,
      %mul3A_969 = arith.mulf %get3A_964, %get3A_968 : vector<16xf32>
      %add3A_970 = arith.addf %add3A_962, %mul3A_969 : vector<16xf32>
      %get3A_971 = arith.constant 336 : index
      %get3A_972 = tpu.vector_load %arg7[%get3A_971] {strides = array<i32>} : memref<512xf32, #tpu.memory_space<vmem>>, vector<16xf32>,
      %get3A_973 = arith.constant 3 : i32
      %get3A_974 = arith.index_cast %get3A_973 : i32 to index
      %get3A_975 = arith.constant 336 : index
      %get3A_976 = tpu.vector_load %arg8[%get3A_974, %get3A_975] {strides = array<i32>} : memref<8x512xf32, #tpu.memory_space<vmem>>, vector<16xf32>,
      %mul3A_977 = arith.mulf %get3A_972, %get3A_976 : vector<16xf32>
      %add3A_978 = arith.addf %add3A_970, %mul3A_977 : vector<16xf32>
      %get3A_979 = arith.constant 352 : index
      %get3A_980 = tpu.vector_load %arg7[%get3A_979] {strides = array<i32>} : memref<512xf32, #tpu.memory_space<vmem>>, vector<16xf32>,
      %get3A_981 = arith.constant 3 : i32
      %get3A_982 = arith.index_cast %get3A_981 : i32 to index
      %get3A_983 = arith.constant 352 : index
      %get3A_984 = tpu.vector_load %arg8[%get3A_982, %get3A_983] {strides = array<i32>} : memref<8x512xf32, #tpu.memory_space<vmem>>, vector<16xf32>,
      %mul3A_985 = arith.mulf %get3A_980, %get3A_984 : vector<16xf32>
      %add3A_986 = arith.addf %add3A_978, %mul3A_985 : vector<16xf32>
      %get3A_987 = arith.constant 368 : index
      %get3A_988 = tpu.vector_load %arg7[%get3A_987] {strides = array<i32>} : memref<512xf32, #tpu.memory_space<vmem>>, vector<16xf32>,
      %get3A_989 = arith.constant 3 : i32
      %get3A_990 = arith.index_cast %get3A_989 : i32 to index
      %get3A_991 = arith.constant 368 : index
      %get3A_992 = tpu.vector_load %arg8[%get3A_990, %get3A_991] {strides = array<i32>} : memref<8x512xf32, #tpu.memory_space<vmem>>, vector<16xf32>,
      %mul3A_993 = arith.mulf %get3A_988, %get3A_992 : vector<16xf32>
      %add3A_994 = arith.addf %add3A_986, %mul3A_993 : vector<16xf32>
      %get3A_995 = arith.constant 384 : index
      %get3A_996 = tpu.vector_load %arg7[%get3A_995] {strides = array<i32>} : memref<512xf32, #tpu.memory_space<vmem>>, vector<16xf32>,
      %get3A_997 = arith.constant 3 : i32
      %get3A_998 = arith.index_cast %get3A_997 : i32 to index
      %get3A_999 = arith.constant 384 : index
      %get3A_1000 = tpu.vector_load %arg8[%get3A_998, %get3A_999] {strides = array<i32>} : memref<8x512xf32, #tpu.memory_space<vmem>>, vector<16xf32>,
      %mul3A_1001 = arith.mulf %get3A_996, %get3A_1000 : vector<16xf32>
      %add3A_1002 = arith.addf %add3A_994, %mul3A_1001 : vector<16xf32>
      %get3A_1003 = arith.constant 400 : index
      %get3A_1004 = tpu.vector_load %arg7[%get3A_1003] {strides = array<i32>} : memref<512xf32, #tpu.memory_space<vmem>>, vector<16xf32>,
      %get3A_1005 = arith.constant 3 : i32
      %get3A_1006 = arith.index_cast %get3A_1005 : i32 to index
      %get3A_1007 = arith.constant 400 : index
      %get3A_1008 = tpu.vector_load %arg8[%get3A_1006, %get3A_1007] {strides = array<i32>} : memref<8x512xf32, #tpu.memory_space<vmem>>, vector<16xf32>,
      %mul3A_1009 = arith.mulf %get3A_1004, %get3A_1008 : vector<16xf32>
      %add3A_1010 = arith.addf %add3A_1002, %mul3A_1009 : vector<16xf32>
      %get3A_1011 = arith.constant 416 : index
      %get3A_1012 = tpu.vector_load %arg7[%get3A_1011] {strides = array<i32>} : memref<512xf32, #tpu.memory_space<vmem>>, vector<16xf32>,
      %get3A_1013 = arith.constant 3 : i32
      %get3A_1014 = arith.index_cast %get3A_1013 : i32 to index
      %get3A_1015 = arith.constant 416 : index
      %get3A_1016 = tpu.vector_load %arg8[%get3A_1014, %get3A_1015] {strides = array<i32>} : memref<8x512xf32, #tpu.memory_space<vmem>>, vector<16xf32>,
      %mul3A_1017 = arith.mulf %get3A_1012, %get3A_1016 : vector<16xf32>
      %add3A_1018 = arith.addf %add3A_1010, %mul3A_1017 : vector<16xf32>
      %get3A_1019 = arith.constant 432 : index
      %get3A_1020 = tpu.vector_load %arg7[%get3A_1019] {strides = array<i32>} : memref<512xf32, #tpu.memory_space<vmem>>, vector<16xf32>,
      %get3A_1021 = arith.constant 3 : i32
      %get3A_1022 = arith.index_cast %get3A_1021 : i32 to index
      %get3A_1023 = arith.constant 432 : index
      %get3A_1024 = tpu.vector_load %arg8[%get3A_1022, %get3A_1023] {strides = array<i32>} : memref<8x512xf32, #tpu.memory_space<vmem>>, vector<16xf32>,
      %mul3A_1025 = arith.mulf %get3A_1020, %get3A_1024 : vector<16xf32>
      %add3A_1026 = arith.addf %add3A_1018, %mul3A_1025 : vector<16xf32>
      %get3A_1027 = arith.constant 448 : index
      %get3A_1028 = tpu.vector_load %arg7[%get3A_1027] {strides = array<i32>} : memref<512xf32, #tpu.memory_space<vmem>>, vector<16xf32>,
      %get3A_1029 = arith.constant 3 : i32
      %get3A_1030 = arith.index_cast %get3A_1029 : i32 to index
      %get3A_1031 = arith.constant 448 : index
      %get3A_1032 = tpu.vector_load %arg8[%get3A_1030, %get3A_1031] {strides = array<i32>} : memref<8x512xf32, #tpu.memory_space<vmem>>, vector<16xf32>,
      %mul3A_1033 = arith.mulf %get3A_1028, %get3A_1032 : vector<16xf32>
      %add3A_1034 = arith.addf %add3A_1026, %mul3A_1033 : vector<16xf32>
      %get3A_1035 = arith.constant 464 : index
      %get3A_1036 = tpu.vector_load %arg7[%get3A_1035] {strides = array<i32>} : memref<512xf32, #tpu.memory_space<vmem>>, vector<16xf32>,
      %get3A_1037 = arith.constant 3 : i32
      %get3A_1038 = arith.index_cast %get3A_1037 : i32 to index
      %get3A_1039 = arith.constant 464 : index
      %get3A_1040 = tpu.vector_load %arg8[%get3A_1038, %get3A_1039] {strides = array<i32>} : memref<8x512xf32, #tpu.memory_space<vmem>>, vector<16xf32>,
      %mul3A_1041 = arith.mulf %get3A_1036, %get3A_1040 : vector<16xf32>
      %add3A_1042 = arith.addf %add3A_1034, %mul3A_1041 : vector<16xf32>
      %get3A_1043 = arith.constant 480 : index
      %get3A_1044 = tpu.vector_load %arg7[%get3A_1043] {strides = array<i32>} : memref<512xf32, #tpu.memory_space<vmem>>, vector<16xf32>,
      %get3A_1045 = arith.constant 3 : i32
      %get3A_1046 = arith.index_cast %get3A_1045 : i32 to index
      %get3A_1047 = arith.constant 480 : index
      %get3A_1048 = tpu.vector_load %arg8[%get3A_1046, %get3A_1047] {strides = array<i32>} : memref<8x512xf32, #tpu.memory_space<vmem>>, vector<16xf32>,
      %mul3A_1049 = arith.mulf %get3A_1044, %get3A_1048 : vector<16xf32>
      %add3A_1050 = arith.addf %add3A_1042, %mul3A_1049 : vector<16xf32>
      %get3A_1051 = arith.constant 496 : index
      %get3A_1052 = tpu.vector_load %arg7[%get3A_1051] {strides = array<i32>} : memref<512xf32, #tpu.memory_space<vmem>>, vector<16xf32>,
      %get3A_1053 = arith.constant 3 : i32
      %get3A_1054 = arith.index_cast %get3A_1053 : i32 to index
      %get3A_1055 = arith.constant 496 : index
      %get3A_1056 = tpu.vector_load %arg8[%get3A_1054, %get3A_1055] {strides = array<i32>} : memref<8x512xf32, #tpu.memory_space<vmem>>, vector<16xf32>,
      %mul3A_1057 = arith.mulf %get3A_1052, %get3A_1056 : vector<16xf32>
      %add3A_1058 = arith.addf %add3A_1050, %mul3A_1057 : vector<16xf32>
      %reduce_sum3A_1059 = arith.constant true
      %reduce_sum3A_1060 = vector.broadcast %reduce_sum3A_1059 : i1 to vector<16xi1>
      %reduce_sum3A_1061 = tpu.scan <sum>, %add3A_1058 masked %reduce_sum3A_1060 : vector<16xf32>, vector<16xi1> -> vector<16xf32>
      %reduce_sum3A_1062 = vector.extract %reduce_sum3A_1061[15] : f32 from vector<16xf32>
      %eq3A_1063 = arith.constant 3 : i32
      %eq3A_1064 = vector.broadcast %eq3A_1063 : i32 to vector<16xi32>
      %eq3A_1065 = arith.cmpi eq, %iota3A, %eq3A_1064 : vector<16xi32>
      %broadcast_in_dim3A_1066 = vector.broadcast %reduce_sum3A_1062 : f32 to vector<16xf32>
      %select_n3A_1067 = arith.select %eq3A_1065, %broadcast_in_dim3A_1066, %select_n3A_800 : vector<16xi1>, vector<16xf32>
      %broadcast_in_dim3A_1068 = arith.constant 0.000000e+00 : f32
      %broadcast_in_dim3A_1069 = vector.broadcast %broadcast_in_dim3A_1068 : f32 to vector<16xf32>
      %get3A_1070 = arith.constant 0 : index
      %get3A_1071 = tpu.vector_load %arg7[%get3A_1070] {strides = array<i32>} : memref<512xf32, #tpu.memory_space<vmem>>, vector<16xf32>,
      %get3A_1072 = arith.constant 4 : i32
      %get3A_1073 = arith.index_cast %get3A_1072 : i32 to index
      %get3A_1074 = arith.constant 0 : index
      %get3A_1075 = tpu.vector_load %arg8[%get3A_1073, %get3A_1074] {strides = array<i32>} : memref<8x512xf32, #tpu.memory_space<vmem>>, vector<16xf32>,
      %mul3A_1076 = arith.mulf %get3A_1071, %get3A_1075 : vector<16xf32>
      %add3A_1077 = arith.addf %broadcast_in_dim3A_1069, %mul3A_1076 : vector<16xf32>
      %get3A_1078 = arith.constant 16 : index
      %get3A_1079 = tpu.vector_load %arg7[%get3A_1078] {strides = array<i32>} : memref<512xf32, #tpu.memory_space<vmem>>, vector<16xf32>,
      %get3A_1080 = arith.constant 4 : i32
      %get3A_1081 = arith.index_cast %get3A_1080 : i32 to index
      %get3A_1082 = arith.constant 16 : index
      %get3A_1083 = tpu.vector_load %arg8[%get3A_1081, %get3A_1082] {strides = array<i32>} : memref<8x512xf32, #tpu.memory_space<vmem>>, vector<16xf32>,
      %mul3A_1084 = arith.mulf %get3A_1079, %get3A_1083 : vector<16xf32>
      %add3A_1085 = arith.addf %add3A_1077, %mul3A_1084 : vector<16xf32>
      %get3A_1086 = arith.constant 32 : index
      %get3A_1087 = tpu.vector_load %arg7[%get3A_1086] {strides = array<i32>} : memref<512xf32, #tpu.memory_space<vmem>>, vector<16xf32>,
      %get3A_1088 = arith.constant 4 : i32
      %get3A_1089 = arith.index_cast %get3A_1088 : i32 to index
      %get3A_1090 = arith.constant 32 : index
      %get3A_1091 = tpu.vector_load %arg8[%get3A_1089, %get3A_1090] {strides = array<i32>} : memref<8x512xf32, #tpu.memory_space<vmem>>, vector<16xf32>,
      %mul3A_1092 = arith.mulf %get3A_1087, %get3A_1091 : vector<16xf32>
      %add3A_1093 = arith.addf %add3A_1085, %mul3A_1092 : vector<16xf32>
      %get3A_1094 = arith.constant 48 : index
      %get3A_1095 = tpu.vector_load %arg7[%get3A_1094] {strides = array<i32>} : memref<512xf32, #tpu.memory_space<vmem>>, vector<16xf32>,
      %get3A_1096 = arith.constant 4 : i32
      %get3A_1097 = arith.index_cast %get3A_1096 : i32 to index
      %get3A_1098 = arith.constant 48 : index
      %get3A_1099 = tpu.vector_load %arg8[%get3A_1097, %get3A_1098] {strides = array<i32>} : memref<8x512xf32, #tpu.memory_space<vmem>>, vector<16xf32>,
      %mul3A_1100 = arith.mulf %get3A_1095, %get3A_1099 : vector<16xf32>
      %add3A_1101 = arith.addf %add3A_1093, %mul3A_1100 : vector<16xf32>
      %get3A_1102 = arith.constant 64 : index
      %get3A_1103 = tpu.vector_load %arg7[%get3A_1102] {strides = array<i32>} : memref<512xf32, #tpu.memory_space<vmem>>, vector<16xf32>,
      %get3A_1104 = arith.constant 4 : i32
      %get3A_1105 = arith.index_cast %get3A_1104 : i32 to index
      %get3A_1106 = arith.constant 64 : index
      %get3A_1107 = tpu.vector_load %arg8[%get3A_1105, %get3A_1106] {strides = array<i32>} : memref<8x512xf32, #tpu.memory_space<vmem>>, vector<16xf32>,
      %mul3A_1108 = arith.mulf %get3A_1103, %get3A_1107 : vector<16xf32>
      %add3A_1109 = arith.addf %add3A_1101, %mul3A_1108 : vector<16xf32>
      %get3A_1110 = arith.constant 80 : index
      %get3A_1111 = tpu.vector_load %arg7[%get3A_1110] {strides = array<i32>} : memref<512xf32, #tpu.memory_space<vmem>>, vector<16xf32>,
      %get3A_1112 = arith.constant 4 : i32
      %get3A_1113 = arith.index_cast %get3A_1112 : i32 to index
      %get3A_1114 = arith.constant 80 : index
      %get3A_1115 = tpu.vector_load %arg8[%get3A_1113, %get3A_1114] {strides = array<i32>} : memref<8x512xf32, #tpu.memory_space<vmem>>, vector<16xf32>,
      %mul3A_1116 = arith.mulf %get3A_1111, %get3A_1115 : vector<16xf32>
      %add3A_1117 = arith.addf %add3A_1109, %mul3A_1116 : vector<16xf32>
      %get3A_1118 = arith.constant 96 : index
      %get3A_1119 = tpu.vector_load %arg7[%get3A_1118] {strides = array<i32>} : memref<512xf32, #tpu.memory_space<vmem>>, vector<16xf32>,
      %get3A_1120 = arith.constant 4 : i32
      %get3A_1121 = arith.index_cast %get3A_1120 : i32 to index
      %get3A_1122 = arith.constant 96 : index
      %get3A_1123 = tpu.vector_load %arg8[%get3A_1121, %get3A_1122] {strides = array<i32>} : memref<8x512xf32, #tpu.memory_space<vmem>>, vector<16xf32>,
      %mul3A_1124 = arith.mulf %get3A_1119, %get3A_1123 : vector<16xf32>
      %add3A_1125 = arith.addf %add3A_1117, %mul3A_1124 : vector<16xf32>
      %get3A_1126 = arith.constant 112 : index
      %get3A_1127 = tpu.vector_load %arg7[%get3A_1126] {strides = array<i32>} : memref<512xf32, #tpu.memory_space<vmem>>, vector<16xf32>,
      %get3A_1128 = arith.constant 4 : i32
      %get3A_1129 = arith.index_cast %get3A_1128 : i32 to index
      %get3A_1130 = arith.constant 112 : index
      %get3A_1131 = tpu.vector_load %arg8[%get3A_1129, %get3A_1130] {strides = array<i32>} : memref<8x512xf32, #tpu.memory_space<vmem>>, vector<16xf32>,
      %mul3A_1132 = arith.mulf %get3A_1127, %get3A_1131 : vector<16xf32>
      %add3A_1133 = arith.addf %add3A_1125, %mul3A_1132 : vector<16xf32>
      %get3A_1134 = arith.constant 128 : index
      %get3A_1135 = tpu.vector_load %arg7[%get3A_1134] {strides = array<i32>} : memref<512xf32, #tpu.memory_space<vmem>>, vector<16xf32>,
      %get3A_1136 = arith.constant 4 : i32
      %get3A_1137 = arith.index_cast %get3A_1136 : i32 to index
      %get3A_1138 = arith.constant 128 : index
      %get3A_1139 = tpu.vector_load %arg8[%get3A_1137, %get3A_1138] {strides = array<i32>} : memref<8x512xf32, #tpu.memory_space<vmem>>, vector<16xf32>,
      %mul3A_1140 = arith.mulf %get3A_1135, %get3A_1139 : vector<16xf32>
      %add3A_1141 = arith.addf %add3A_1133, %mul3A_1140 : vector<16xf32>
      %get3A_1142 = arith.constant 144 : index
      %get3A_1143 = tpu.vector_load %arg7[%get3A_1142] {strides = array<i32>} : memref<512xf32, #tpu.memory_space<vmem>>, vector<16xf32>,
      %get3A_1144 = arith.constant 4 : i32
      %get3A_1145 = arith.index_cast %get3A_1144 : i32 to index
      %get3A_1146 = arith.constant 144 : index
      %get3A_1147 = tpu.vector_load %arg8[%get3A_1145, %get3A_1146] {strides = array<i32>} : memref<8x512xf32, #tpu.memory_space<vmem>>, vector<16xf32>,
      %mul3A_1148 = arith.mulf %get3A_1143, %get3A_1147 : vector<16xf32>
      %add3A_1149 = arith.addf %add3A_1141, %mul3A_1148 : vector<16xf32>
      %get3A_1150 = arith.constant 160 : index
      %get3A_1151 = tpu.vector_load %arg7[%get3A_1150] {strides = array<i32>} : memref<512xf32, #tpu.memory_space<vmem>>, vector<16xf32>,
      %get3A_1152 = arith.constant 4 : i32
      %get3A_1153 = arith.index_cast %get3A_1152 : i32 to index
      %get3A_1154 = arith.constant 160 : index
      %get3A_1155 = tpu.vector_load %arg8[%get3A_1153, %get3A_1154] {strides = array<i32>} : memref<8x512xf32, #tpu.memory_space<vmem>>, vector<16xf32>,
      %mul3A_1156 = arith.mulf %get3A_1151, %get3A_1155 : vector<16xf32>
      %add3A_1157 = arith.addf %add3A_1149, %mul3A_1156 : vector<16xf32>
      %get3A_1158 = arith.constant 176 : index
      %get3A_1159 = tpu.vector_load %arg7[%get3A_1158] {strides = array<i32>} : memref<512xf32, #tpu.memory_space<vmem>>, vector<16xf32>,
      %get3A_1160 = arith.constant 4 : i32
      %get3A_1161 = arith.index_cast %get3A_1160 : i32 to index
      %get3A_1162 = arith.constant 176 : index
      %get3A_1163 = tpu.vector_load %arg8[%get3A_1161, %get3A_1162] {strides = array<i32>} : memref<8x512xf32, #tpu.memory_space<vmem>>, vector<16xf32>,
      %mul3A_1164 = arith.mulf %get3A_1159, %get3A_1163 : vector<16xf32>
      %add3A_1165 = arith.addf %add3A_1157, %mul3A_1164 : vector<16xf32>
      %get3A_1166 = arith.constant 192 : index
      %get3A_1167 = tpu.vector_load %arg7[%get3A_1166] {strides = array<i32>} : memref<512xf32, #tpu.memory_space<vmem>>, vector<16xf32>,
      %get3A_1168 = arith.constant 4 : i32
      %get3A_1169 = arith.index_cast %get3A_1168 : i32 to index
      %get3A_1170 = arith.constant 192 : index
      %get3A_1171 = tpu.vector_load %arg8[%get3A_1169, %get3A_1170] {strides = array<i32>} : memref<8x512xf32, #tpu.memory_space<vmem>>, vector<16xf32>,
      %mul3A_1172 = arith.mulf %get3A_1167, %get3A_1171 : vector<16xf32>
      %add3A_1173 = arith.addf %add3A_1165, %mul3A_1172 : vector<16xf32>
      %get3A_1174 = arith.constant 208 : index
      %get3A_1175 = tpu.vector_load %arg7[%get3A_1174] {strides = array<i32>} : memref<512xf32, #tpu.memory_space<vmem>>, vector<16xf32>,
      %get3A_1176 = arith.constant 4 : i32
      %get3A_1177 = arith.index_cast %get3A_1176 : i32 to index
      %get3A_1178 = arith.constant 208 : index
      %get3A_1179 = tpu.vector_load %arg8[%get3A_1177, %get3A_1178] {strides = array<i32>} : memref<8x512xf32, #tpu.memory_space<vmem>>, vector<16xf32>,
      %mul3A_1180 = arith.mulf %get3A_1175, %get3A_1179 : vector<16xf32>
      %add3A_1181 = arith.addf %add3A_1173, %mul3A_1180 : vector<16xf32>
      %get3A_1182 = arith.constant 224 : index
      %get3A_1183 = tpu.vector_load %arg7[%get3A_1182] {strides = array<i32>} : memref<512xf32, #tpu.memory_space<vmem>>, vector<16xf32>,
      %get3A_1184 = arith.constant 4 : i32
      %get3A_1185 = arith.index_cast %get3A_1184 : i32 to index
      %get3A_1186 = arith.constant 224 : index
      %get3A_1187 = tpu.vector_load %arg8[%get3A_1185, %get3A_1186] {strides = array<i32>} : memref<8x512xf32, #tpu.memory_space<vmem>>, vector<16xf32>,
      %mul3A_1188 = arith.mulf %get3A_1183, %get3A_1187 : vector<16xf32>
      %add3A_1189 = arith.addf %add3A_1181, %mul3A_1188 : vector<16xf32>
      %get3A_1190 = arith.constant 240 : index
      %get3A_1191 = tpu.vector_load %arg7[%get3A_1190] {strides = array<i32>} : memref<512xf32, #tpu.memory_space<vmem>>, vector<16xf32>,
      %get3A_1192 = arith.constant 4 : i32
      %get3A_1193 = arith.index_cast %get3A_1192 : i32 to index
      %get3A_1194 = arith.constant 240 : index
      %get3A_1195 = tpu.vector_load %arg8[%get3A_1193, %get3A_1194] {strides = array<i32>} : memref<8x512xf32, #tpu.memory_space<vmem>>, vector<16xf32>,
      %mul3A_1196 = arith.mulf %get3A_1191, %get3A_1195 : vector<16xf32>
      %add3A_1197 = arith.addf %add3A_1189, %mul3A_1196 : vector<16xf32>
      %get3A_1198 = arith.constant 256 : index
      %get3A_1199 = tpu.vector_load %arg7[%get3A_1198] {strides = array<i32>} : memref<512xf32, #tpu.memory_space<vmem>>, vector<16xf32>,
      %get3A_1200 = arith.constant 4 : i32
      %get3A_1201 = arith.index_cast %get3A_1200 : i32 to index
      %get3A_1202 = arith.constant 256 : index
      %get3A_1203 = tpu.vector_load %arg8[%get3A_1201, %get3A_1202] {strides = array<i32>} : memref<8x512xf32, #tpu.memory_space<vmem>>, vector<16xf32>,
      %mul3A_1204 = arith.mulf %get3A_1199, %get3A_1203 : vector<16xf32>
      %add3A_1205 = arith.addf %add3A_1197, %mul3A_1204 : vector<16xf32>
      %get3A_1206 = arith.constant 272 : index
      %get3A_1207 = tpu.vector_load %arg7[%get3A_1206] {strides = array<i32>} : memref<512xf32, #tpu.memory_space<vmem>>, vector<16xf32>,
      %get3A_1208 = arith.constant 4 : i32
      %get3A_1209 = arith.index_cast %get3A_1208 : i32 to index
      %get3A_1210 = arith.constant 272 : index
      %get3A_1211 = tpu.vector_load %arg8[%get3A_1209, %get3A_1210] {strides = array<i32>} : memref<8x512xf32, #tpu.memory_space<vmem>>, vector<16xf32>,
      %mul3A_1212 = arith.mulf %get3A_1207, %get3A_1211 : vector<16xf32>
      %add3A_1213 = arith.addf %add3A_1205, %mul3A_1212 : vector<16xf32>
      %get3A_1214 = arith.constant 288 : index
      %get3A_1215 = tpu.vector_load %arg7[%get3A_1214] {strides = array<i32>} : memref<512xf32, #tpu.memory_space<vmem>>, vector<16xf32>,
      %get3A_1216 = arith.constant 4 : i32
      %get3A_1217 = arith.index_cast %get3A_1216 : i32 to index
      %get3A_1218 = arith.constant 288 : index
      %get3A_1219 = tpu.vector_load %arg8[%get3A_1217, %get3A_1218] {strides = array<i32>} : memref<8x512xf32, #tpu.memory_space<vmem>>, vector<16xf32>,
      %mul3A_1220 = arith.mulf %get3A_1215, %get3A_1219 : vector<16xf32>
      %add3A_1221 = arith.addf %add3A_1213, %mul3A_1220 : vector<16xf32>
      %get3A_1222 = arith.constant 304 : index
      %get3A_1223 = tpu.vector_load %arg7[%get3A_1222] {strides = array<i32>} : memref<512xf32, #tpu.memory_space<vmem>>, vector<16xf32>,
      %get3A_1224 = arith.constant 4 : i32
      %get3A_1225 = arith.index_cast %get3A_1224 : i32 to index
      %get3A_1226 = arith.constant 304 : index
      %get3A_1227 = tpu.vector_load %arg8[%get3A_1225, %get3A_1226] {strides = array<i32>} : memref<8x512xf32, #tpu.memory_space<vmem>>, vector<16xf32>,
      %mul3A_1228 = arith.mulf %get3A_1223, %get3A_1227 : vector<16xf32>
      %add3A_1229 = arith.addf %add3A_1221, %mul3A_1228 : vector<16xf32>
      %get3A_1230 = arith.constant 320 : index
      %get3A_1231 = tpu.vector_load %arg7[%get3A_1230] {strides = array<i32>} : memref<512xf32, #tpu.memory_space<vmem>>, vector<16xf32>,
      %get3A_1232 = arith.constant 4 : i32
      %get3A_1233 = arith.index_cast %get3A_1232 : i32 to index
      %get3A_1234 = arith.constant 320 : index
      %get3A_1235 = tpu.vector_load %arg8[%get3A_1233, %get3A_1234] {strides = array<i32>} : memref<8x512xf32, #tpu.memory_space<vmem>>, vector<16xf32>,
      %mul3A_1236 = arith.mulf %get3A_1231, %get3A_1235 : vector<16xf32>
      %add3A_1237 = arith.addf %add3A_1229, %mul3A_1236 : vector<16xf32>
      %get3A_1238 = arith.constant 336 : index
      %get3A_1239 = tpu.vector_load %arg7[%get3A_1238] {strides = array<i32>} : memref<512xf32, #tpu.memory_space<vmem>>, vector<16xf32>,
      %get3A_1240 = arith.constant 4 : i32
      %get3A_1241 = arith.index_cast %get3A_1240 : i32 to index
      %get3A_1242 = arith.constant 336 : index
      %get3A_1243 = tpu.vector_load %arg8[%get3A_1241, %get3A_1242] {strides = array<i32>} : memref<8x512xf32, #tpu.memory_space<vmem>>, vector<16xf32>,
      %mul3A_1244 = arith.mulf %get3A_1239, %get3A_1243 : vector<16xf32>
      %add3A_1245 = arith.addf %add3A_1237, %mul3A_1244 : vector<16xf32>
      %get3A_1246 = arith.constant 352 : index
      %get3A_1247 = tpu.vector_load %arg7[%get3A_1246] {strides = array<i32>} : memref<512xf32, #tpu.memory_space<vmem>>, vector<16xf32>,
      %get3A_1248 = arith.constant 4 : i32
      %get3A_1249 = arith.index_cast %get3A_1248 : i32 to index
      %get3A_1250 = arith.constant 352 : index
      %get3A_1251 = tpu.vector_load %arg8[%get3A_1249, %get3A_1250] {strides = array<i32>} : memref<8x512xf32, #tpu.memory_space<vmem>>, vector<16xf32>,
      %mul3A_1252 = arith.mulf %get3A_1247, %get3A_1251 : vector<16xf32>
      %add3A_1253 = arith.addf %add3A_1245, %mul3A_1252 : vector<16xf32>
      %get3A_1254 = arith.constant 368 : index
      %get3A_1255 = tpu.vector_load %arg7[%get3A_1254] {strides = array<i32>} : memref<512xf32, #tpu.memory_space<vmem>>, vector<16xf32>,
      %get3A_1256 = arith.constant 4 : i32
      %get3A_1257 = arith.index_cast %get3A_1256 : i32 to index
      %get3A_1258 = arith.constant 368 : index
      %get3A_1259 = tpu.vector_load %arg8[%get3A_1257, %get3A_1258] {strides = array<i32>} : memref<8x512xf32, #tpu.memory_space<vmem>>, vector<16xf32>,
      %mul3A_1260 = arith.mulf %get3A_1255, %get3A_1259 : vector<16xf32>
      %add3A_1261 = arith.addf %add3A_1253, %mul3A_1260 : vector<16xf32>
      %get3A_1262 = arith.constant 384 : index
      %get3A_1263 = tpu.vector_load %arg7[%get3A_1262] {strides = array<i32>} : memref<512xf32, #tpu.memory_space<vmem>>, vector<16xf32>,
      %get3A_1264 = arith.constant 4 : i32
      %get3A_1265 = arith.index_cast %get3A_1264 : i32 to index
      %get3A_1266 = arith.constant 384 : index
      %get3A_1267 = tpu.vector_load %arg8[%get3A_1265, %get3A_1266] {strides = array<i32>} : memref<8x512xf32, #tpu.memory_space<vmem>>, vector<16xf32>,
      %mul3A_1268 = arith.mulf %get3A_1263, %get3A_1267 : vector<16xf32>
      %add3A_1269 = arith.addf %add3A_1261, %mul3A_1268 : vector<16xf32>
      %get3A_1270 = arith.constant 400 : index
      %get3A_1271 = tpu.vector_load %arg7[%get3A_1270] {strides = array<i32>} : memref<512xf32, #tpu.memory_space<vmem>>, vector<16xf32>,
      %get3A_1272 = arith.constant 4 : i32
      %get3A_1273 = arith.index_cast %get3A_1272 : i32 to index
      %get3A_1274 = arith.constant 400 : index
      %get3A_1275 = tpu.vector_load %arg8[%get3A_1273, %get3A_1274] {strides = array<i32>} : memref<8x512xf32, #tpu.memory_space<vmem>>, vector<16xf32>,
      %mul3A_1276 = arith.mulf %get3A_1271, %get3A_1275 : vector<16xf32>
      %add3A_1277 = arith.addf %add3A_1269, %mul3A_1276 : vector<16xf32>
      %get3A_1278 = arith.constant 416 : index
      %get3A_1279 = tpu.vector_load %arg7[%get3A_1278] {strides = array<i32>} : memref<512xf32, #tpu.memory_space<vmem>>, vector<16xf32>,
      %get3A_1280 = arith.constant 4 : i32
      %get3A_1281 = arith.index_cast %get3A_1280 : i32 to index
      %get3A_1282 = arith.constant 416 : index
      %get3A_1283 = tpu.vector_load %arg8[%get3A_1281, %get3A_1282] {strides = array<i32>} : memref<8x512xf32, #tpu.memory_space<vmem>>, vector<16xf32>,
      %mul3A_1284 = arith.mulf %get3A_1279, %get3A_1283 : vector<16xf32>
      %add3A_1285 = arith.addf %add3A_1277, %mul3A_1284 : vector<16xf32>
      %get3A_1286 = arith.constant 432 : index
      %get3A_1287 = tpu.vector_load %arg7[%get3A_1286] {strides = array<i32>} : memref<512xf32, #tpu.memory_space<vmem>>, vector<16xf32>,
      %get3A_1288 = arith.constant 4 : i32
      %get3A_1289 = arith.index_cast %get3A_1288 : i32 to index
      %get3A_1290 = arith.constant 432 : index
      %get3A_1291 = tpu.vector_load %arg8[%get3A_1289, %get3A_1290] {strides = array<i32>} : memref<8x512xf32, #tpu.memory_space<vmem>>, vector<16xf32>,
      %mul3A_1292 = arith.mulf %get3A_1287, %get3A_1291 : vector<16xf32>
      %add3A_1293 = arith.addf %add3A_1285, %mul3A_1292 : vector<16xf32>
      %get3A_1294 = arith.constant 448 : index
      %get3A_1295 = tpu.vector_load %arg7[%get3A_1294] {strides = array<i32>} : memref<512xf32, #tpu.memory_space<vmem>>, vector<16xf32>,
      %get3A_1296 = arith.constant 4 : i32
      %get3A_1297 = arith.index_cast %get3A_1296 : i32 to index
      %get3A_1298 = arith.constant 448 : index
      %get3A_1299 = tpu.vector_load %arg8[%get3A_1297, %get3A_1298] {strides = array<i32>} : memref<8x512xf32, #tpu.memory_space<vmem>>, vector<16xf32>,
      %mul3A_1300 = arith.mulf %get3A_1295, %get3A_1299 : vector<16xf32>
      %add3A_1301 = arith.addf %add3A_1293, %mul3A_1300 : vector<16xf32>
      %get3A_1302 = arith.constant 464 : index
      %get3A_1303 = tpu.vector_load %arg7[%get3A_1302] {strides = array<i32>} : memref<512xf32, #tpu.memory_space<vmem>>, vector<16xf32>,
      %get3A_1304 = arith.constant 4 : i32
      %get3A_1305 = arith.index_cast %get3A_1304 : i32 to index
      %get3A_1306 = arith.constant 464 : index
      %get3A_1307 = tpu.vector_load %arg8[%get3A_1305, %get3A_1306] {strides = array<i32>} : memref<8x512xf32, #tpu.memory_space<vmem>>, vector<16xf32>,
      %mul3A_1308 = arith.mulf %get3A_1303, %get3A_1307 : vector<16xf32>
      %add3A_1309 = arith.addf %add3A_1301, %mul3A_1308 : vector<16xf32>
      %get3A_1310 = arith.constant 480 : index
      %get3A_1311 = tpu.vector_load %arg7[%get3A_1310] {strides = array<i32>} : memref<512xf32, #tpu.memory_space<vmem>>, vector<16xf32>,
      %get3A_1312 = arith.constant 4 : i32
      %get3A_1313 = arith.index_cast %get3A_1312 : i32 to index
      %get3A_1314 = arith.constant 480 : index
      %get3A_1315 = tpu.vector_load %arg8[%get3A_1313, %get3A_1314] {strides = array<i32>} : memref<8x512xf32, #tpu.memory_space<vmem>>, vector<16xf32>,
      %mul3A_1316 = arith.mulf %get3A_1311, %get3A_1315 : vector<16xf32>
      %add3A_1317 = arith.addf %add3A_1309, %mul3A_1316 : vector<16xf32>
      %get3A_1318 = arith.constant 496 : index
      %get3A_1319 = tpu.vector_load %arg7[%get3A_1318] {strides = array<i32>} : memref<512xf32, #tpu.memory_space<vmem>>, vector<16xf32>,
      %get3A_1320 = arith.constant 4 : i32
      %get3A_1321 = arith.index_cast %get3A_1320 : i32 to index
      %get3A_1322 = arith.constant 496 : index
      %get3A_1323 = tpu.vector_load %arg8[%get3A_1321, %get3A_1322] {strides = array<i32>} : memref<8x512xf32, #tpu.memory_space<vmem>>, vector<16xf32>,
      %mul3A_1324 = arith.mulf %get3A_1319, %get3A_1323 : vector<16xf32>
      %add3A_1325 = arith.addf %add3A_1317, %mul3A_1324 : vector<16xf32>
      %reduce_sum3A_1326 = arith.constant true
      %reduce_sum3A_1327 = vector.broadcast %reduce_sum3A_1326 : i1 to vector<16xi1>
      %reduce_sum3A_1328 = tpu.scan <sum>, %add3A_1325 masked %reduce_sum3A_1327 : vector<16xf32>, vector<16xi1> -> vector<16xf32>
      %reduce_sum3A_1329 = vector.extract %reduce_sum3A_1328[15] : f32 from vector<16xf32>
      %eq3A_1330 = arith.constant 4 : i32
      %eq3A_1331 = vector.broadcast %eq3A_1330 : i32 to vector<16xi32>
      %eq3A_1332 = arith.cmpi eq, %iota3A, %eq3A_1331 : vector<16xi32>
      %broadcast_in_dim3A_1333 = vector.broadcast %reduce_sum3A_1329 : f32 to vector<16xf32>
      %select_n3A_1334 = arith.select %eq3A_1332, %broadcast_in_dim3A_1333, %select_n3A_1067 : vector<16xi1>, vector<16xf32>
      %broadcast_in_dim3A_1335 = arith.constant 0.000000e+00 : f32
      %broadcast_in_dim3A_1336 = vector.broadcast %broadcast_in_dim3A_1335 : f32 to vector<16xf32>
      %get3A_1337 = arith.constant 0 : index
      %get3A_1338 = tpu.vector_load %arg7[%get3A_1337] {strides = array<i32>} : memref<512xf32, #tpu.memory_space<vmem>>, vector<16xf32>,
      %get3A_1339 = arith.constant 5 : i32
      %get3A_1340 = arith.index_cast %get3A_1339 : i32 to index
      %get3A_1341 = arith.constant 0 : index
      %get3A_1342 = tpu.vector_load %arg8[%get3A_1340, %get3A_1341] {strides = array<i32>} : memref<8x512xf32, #tpu.memory_space<vmem>>, vector<16xf32>,
      %mul3A_1343 = arith.mulf %get3A_1338, %get3A_1342 : vector<16xf32>
      %add3A_1344 = arith.addf %broadcast_in_dim3A_1336, %mul3A_1343 : vector<16xf32>
      %get3A_1345 = arith.constant 16 : index
      %get3A_1346 = tpu.vector_load %arg7[%get3A_1345] {strides = array<i32>} : memref<512xf32, #tpu.memory_space<vmem>>, vector<16xf32>,
      %get3A_1347 = arith.constant 5 : i32
      %get3A_1348 = arith.index_cast %get3A_1347 : i32 to index
      %get3A_1349 = arith.constant 16 : index
      %get3A_1350 = tpu.vector_load %arg8[%get3A_1348, %get3A_1349] {strides = array<i32>} : memref<8x512xf32, #tpu.memory_space<vmem>>, vector<16xf32>,
      %mul3A_1351 = arith.mulf %get3A_1346, %get3A_1350 : vector<16xf32>
      %add3A_1352 = arith.addf %add3A_1344, %mul3A_1351 : vector<16xf32>
      %get3A_1353 = arith.constant 32 : index
      %get3A_1354 = tpu.vector_load %arg7[%get3A_1353] {strides = array<i32>} : memref<512xf32, #tpu.memory_space<vmem>>, vector<16xf32>,
      %get3A_1355 = arith.constant 5 : i32
      %get3A_1356 = arith.index_cast %get3A_1355 : i32 to index
      %get3A_1357 = arith.constant 32 : index
      %get3A_1358 = tpu.vector_load %arg8[%get3A_1356, %get3A_1357] {strides = array<i32>} : memref<8x512xf32, #tpu.memory_space<vmem>>, vector<16xf32>,
      %mul3A_1359 = arith.mulf %get3A_1354, %get3A_1358 : vector<16xf32>
      %add3A_1360 = arith.addf %add3A_1352, %mul3A_1359 : vector<16xf32>
      %get3A_1361 = arith.constant 48 : index
      %get3A_1362 = tpu.vector_load %arg7[%get3A_1361] {strides = array<i32>} : memref<512xf32, #tpu.memory_space<vmem>>, vector<16xf32>,
      %get3A_1363 = arith.constant 5 : i32
      %get3A_1364 = arith.index_cast %get3A_1363 : i32 to index
      %get3A_1365 = arith.constant 48 : index
      %get3A_1366 = tpu.vector_load %arg8[%get3A_1364, %get3A_1365] {strides = array<i32>} : memref<8x512xf32, #tpu.memory_space<vmem>>, vector<16xf32>,
      %mul3A_1367 = arith.mulf %get3A_1362, %get3A_1366 : vector<16xf32>
      %add3A_1368 = arith.addf %add3A_1360, %mul3A_1367 : vector<16xf32>
      %get3A_1369 = arith.constant 64 : index
      %get3A_1370 = tpu.vector_load %arg7[%get3A_1369] {strides = array<i32>} : memref<512xf32, #tpu.memory_space<vmem>>, vector<16xf32>,
      %get3A_1371 = arith.constant 5 : i32
      %get3A_1372 = arith.index_cast %get3A_1371 : i32 to index
      %get3A_1373 = arith.constant 64 : index
      %get3A_1374 = tpu.vector_load %arg8[%get3A_1372, %get3A_1373] {strides = array<i32>} : memref<8x512xf32, #tpu.memory_space<vmem>>, vector<16xf32>,
      %mul3A_1375 = arith.mulf %get3A_1370, %get3A_1374 : vector<16xf32>
      %add3A_1376 = arith.addf %add3A_1368, %mul3A_1375 : vector<16xf32>
      %get3A_1377 = arith.constant 80 : index
      %get3A_1378 = tpu.vector_load %arg7[%get3A_1377] {strides = array<i32>} : memref<512xf32, #tpu.memory_space<vmem>>, vector<16xf32>,
      %get3A_1379 = arith.constant 5 : i32
      %get3A_1380 = arith.index_cast %get3A_1379 : i32 to index
      %get3A_1381 = arith.constant 80 : index
      %get3A_1382 = tpu.vector_load %arg8[%get3A_1380, %get3A_1381] {strides = array<i32>} : memref<8x512xf32, #tpu.memory_space<vmem>>, vector<16xf32>,
      %mul3A_1383 = arith.mulf %get3A_1378, %get3A_1382 : vector<16xf32>
      %add3A_1384 = arith.addf %add3A_1376, %mul3A_1383 : vector<16xf32>
      %get3A_1385 = arith.constant 96 : index
      %get3A_1386 = tpu.vector_load %arg7[%get3A_1385] {strides = array<i32>} : memref<512xf32, #tpu.memory_space<vmem>>, vector<16xf32>,
      %get3A_1387 = arith.constant 5 : i32
      %get3A_1388 = arith.index_cast %get3A_1387 : i32 to index
      %get3A_1389 = arith.constant 96 : index
      %get3A_1390 = tpu.vector_load %arg8[%get3A_1388, %get3A_1389] {strides = array<i32>} : memref<8x512xf32, #tpu.memory_space<vmem>>, vector<16xf32>,
      %mul3A_1391 = arith.mulf %get3A_1386, %get3A_1390 : vector<16xf32>
      %add3A_1392 = arith.addf %add3A_1384, %mul3A_1391 : vector<16xf32>
      %get3A_1393 = arith.constant 112 : index
      %get3A_1394 = tpu.vector_load %arg7[%get3A_1393] {strides = array<i32>} : memref<512xf32, #tpu.memory_space<vmem>>, vector<16xf32>,
      %get3A_1395 = arith.constant 5 : i32
      %get3A_1396 = arith.index_cast %get3A_1395 : i32 to index
      %get3A_1397 = arith.constant 112 : index
      %get3A_1398 = tpu.vector_load %arg8[%get3A_1396, %get3A_1397] {strides = array<i32>} : memref<8x512xf32, #tpu.memory_space<vmem>>, vector<16xf32>,
      %mul3A_1399 = arith.mulf %get3A_1394, %get3A_1398 : vector<16xf32>
      %add3A_1400 = arith.addf %add3A_1392, %mul3A_1399 : vector<16xf32>
      %get3A_1401 = arith.constant 128 : index
      %get3A_1402 = tpu.vector_load %arg7[%get3A_1401] {strides = array<i32>} : memref<512xf32, #tpu.memory_space<vmem>>, vector<16xf32>,
      %get3A_1403 = arith.constant 5 : i32
      %get3A_1404 = arith.index_cast %get3A_1403 : i32 to index
      %get3A_1405 = arith.constant 128 : index
      %get3A_1406 = tpu.vector_load %arg8[%get3A_1404, %get3A_1405] {strides = array<i32>} : memref<8x512xf32, #tpu.memory_space<vmem>>, vector<16xf32>,
      %mul3A_1407 = arith.mulf %get3A_1402, %get3A_1406 : vector<16xf32>
      %add3A_1408 = arith.addf %add3A_1400, %mul3A_1407 : vector<16xf32>
      %get3A_1409 = arith.constant 144 : index
      %get3A_1410 = tpu.vector_load %arg7[%get3A_1409] {strides = array<i32>} : memref<512xf32, #tpu.memory_space<vmem>>, vector<16xf32>,
      %get3A_1411 = arith.constant 5 : i32
      %get3A_1412 = arith.index_cast %get3A_1411 : i32 to index
      %get3A_1413 = arith.constant 144 : index
      %get3A_1414 = tpu.vector_load %arg8[%get3A_1412, %get3A_1413] {strides = array<i32>} : memref<8x512xf32, #tpu.memory_space<vmem>>, vector<16xf32>,
      %mul3A_1415 = arith.mulf %get3A_1410, %get3A_1414 : vector<16xf32>
      %add3A_1416 = arith.addf %add3A_1408, %mul3A_1415 : vector<16xf32>
      %get3A_1417 = arith.constant 160 : index
      %get3A_1418 = tpu.vector_load %arg7[%get3A_1417] {strides = array<i32>} : memref<512xf32, #tpu.memory_space<vmem>>, vector<16xf32>,
      %get3A_1419 = arith.constant 5 : i32
      %get3A_1420 = arith.index_cast %get3A_1419 : i32 to index
      %get3A_1421 = arith.constant 160 : index
      %get3A_1422 = tpu.vector_load %arg8[%get3A_1420, %get3A_1421] {strides = array<i32>} : memref<8x512xf32, #tpu.memory_space<vmem>>, vector<16xf32>,
      %mul3A_1423 = arith.mulf %get3A_1418, %get3A_1422 : vector<16xf32>
      %add3A_1424 = arith.addf %add3A_1416, %mul3A_1423 : vector<16xf32>
      %get3A_1425 = arith.constant 176 : index
      %get3A_1426 = tpu.vector_load %arg7[%get3A_1425] {strides = array<i32>} : memref<512xf32, #tpu.memory_space<vmem>>, vector<16xf32>,
      %get3A_1427 = arith.constant 5 : i32
      %get3A_1428 = arith.index_cast %get3A_1427 : i32 to index
      %get3A_1429 = arith.constant 176 : index
      %get3A_1430 = tpu.vector_load %arg8[%get3A_1428, %get3A_1429] {strides = array<i32>} : memref<8x512xf32, #tpu.memory_space<vmem>>, vector<16xf32>,
      %mul3A_1431 = arith.mulf %get3A_1426, %get3A_1430 : vector<16xf32>
      %add3A_1432 = arith.addf %add3A_1424, %mul3A_1431 : vector<16xf32>
      %get3A_1433 = arith.constant 192 : index
      %get3A_1434 = tpu.vector_load %arg7[%get3A_1433] {strides = array<i32>} : memref<512xf32, #tpu.memory_space<vmem>>, vector<16xf32>,
      %get3A_1435 = arith.constant 5 : i32
      %get3A_1436 = arith.index_cast %get3A_1435 : i32 to index
      %get3A_1437 = arith.constant 192 : index
      %get3A_1438 = tpu.vector_load %arg8[%get3A_1436, %get3A_1437] {strides = array<i32>} : memref<8x512xf32, #tpu.memory_space<vmem>>, vector<16xf32>,
      %mul3A_1439 = arith.mulf %get3A_1434, %get3A_1438 : vector<16xf32>
      %add3A_1440 = arith.addf %add3A_1432, %mul3A_1439 : vector<16xf32>
      %get3A_1441 = arith.constant 208 : index
      %get3A_1442 = tpu.vector_load %arg7[%get3A_1441] {strides = array<i32>} : memref<512xf32, #tpu.memory_space<vmem>>, vector<16xf32>,
      %get3A_1443 = arith.constant 5 : i32
      %get3A_1444 = arith.index_cast %get3A_1443 : i32 to index
      %get3A_1445 = arith.constant 208 : index
      %get3A_1446 = tpu.vector_load %arg8[%get3A_1444, %get3A_1445] {strides = array<i32>} : memref<8x512xf32, #tpu.memory_space<vmem>>, vector<16xf32>,
      %mul3A_1447 = arith.mulf %get3A_1442, %get3A_1446 : vector<16xf32>
      %add3A_1448 = arith.addf %add3A_1440, %mul3A_1447 : vector<16xf32>
      %get3A_1449 = arith.constant 224 : index
      %get3A_1450 = tpu.vector_load %arg7[%get3A_1449] {strides = array<i32>} : memref<512xf32, #tpu.memory_space<vmem>>, vector<16xf32>,
      %get3A_1451 = arith.constant 5 : i32
      %get3A_1452 = arith.index_cast %get3A_1451 : i32 to index
      %get3A_1453 = arith.constant 224 : index
      %get3A_1454 = tpu.vector_load %arg8[%get3A_1452, %get3A_1453] {strides = array<i32>} : memref<8x512xf32, #tpu.memory_space<vmem>>, vector<16xf32>,
      %mul3A_1455 = arith.mulf %get3A_1450, %get3A_1454 : vector<16xf32>
      %add3A_1456 = arith.addf %add3A_1448, %mul3A_1455 : vector<16xf32>
      %get3A_1457 = arith.constant 240 : index
      %get3A_1458 = tpu.vector_load %arg7[%get3A_1457] {strides = array<i32>} : memref<512xf32, #tpu.memory_space<vmem>>, vector<16xf32>,
      %get3A_1459 = arith.constant 5 : i32
      %get3A_1460 = arith.index_cast %get3A_1459 : i32 to index
      %get3A_1461 = arith.constant 240 : index
      %get3A_1462 = tpu.vector_load %arg8[%get3A_1460, %get3A_1461] {strides = array<i32>} : memref<8x512xf32, #tpu.memory_space<vmem>>, vector<16xf32>,
      %mul3A_1463 = arith.mulf %get3A_1458, %get3A_1462 : vector<16xf32>
      %add3A_1464 = arith.addf %add3A_1456, %mul3A_1463 : vector<16xf32>
      %get3A_1465 = arith.constant 256 : index
      %get3A_1466 = tpu.vector_load %arg7[%get3A_1465] {strides = array<i32>} : memref<512xf32, #tpu.memory_space<vmem>>, vector<16xf32>,
      %get3A_1467 = arith.constant 5 : i32
      %get3A_1468 = arith.index_cast %get3A_1467 : i32 to index
      %get3A_1469 = arith.constant 256 : index
      %get3A_1470 = tpu.vector_load %arg8[%get3A_1468, %get3A_1469] {strides = array<i32>} : memref<8x512xf32, #tpu.memory_space<vmem>>, vector<16xf32>,
      %mul3A_1471 = arith.mulf %get3A_1466, %get3A_1470 : vector<16xf32>
      %add3A_1472 = arith.addf %add3A_1464, %mul3A_1471 : vector<16xf32>
      %get3A_1473 = arith.constant 272 : index
      %get3A_1474 = tpu.vector_load %arg7[%get3A_1473] {strides = array<i32>} : memref<512xf32, #tpu.memory_space<vmem>>, vector<16xf32>,
      %get3A_1475 = arith.constant 5 : i32
      %get3A_1476 = arith.index_cast %get3A_1475 : i32 to index
      %get3A_1477 = arith.constant 272 : index
      %get3A_1478 = tpu.vector_load %arg8[%get3A_1476, %get3A_1477] {strides = array<i32>} : memref<8x512xf32, #tpu.memory_space<vmem>>, vector<16xf32>,
      %mul3A_1479 = arith.mulf %get3A_1474, %get3A_1478 : vector<16xf32>
      %add3A_1480 = arith.addf %add3A_1472, %mul3A_1479 : vector<16xf32>
      %get3A_1481 = arith.constant 288 : index
      %get3A_1482 = tpu.vector_load %arg7[%get3A_1481] {strides = array<i32>} : memref<512xf32, #tpu.memory_space<vmem>>, vector<16xf32>,
      %get3A_1483 = arith.constant 5 : i32
      %get3A_1484 = arith.index_cast %get3A_1483 : i32 to index
      %get3A_1485 = arith.constant 288 : index
      %get3A_1486 = tpu.vector_load %arg8[%get3A_1484, %get3A_1485] {strides = array<i32>} : memref<8x512xf32, #tpu.memory_space<vmem>>, vector<16xf32>,
      %mul3A_1487 = arith.mulf %get3A_1482, %get3A_1486 : vector<16xf32>
      %add3A_1488 = arith.addf %add3A_1480, %mul3A_1487 : vector<16xf32>
      %get3A_1489 = arith.constant 304 : index
      %get3A_1490 = tpu.vector_load %arg7[%get3A_1489] {strides = array<i32>} : memref<512xf32, #tpu.memory_space<vmem>>, vector<16xf32>,
      %get3A_1491 = arith.constant 5 : i32
      %get3A_1492 = arith.index_cast %get3A_1491 : i32 to index
      %get3A_1493 = arith.constant 304 : index
      %get3A_1494 = tpu.vector_load %arg8[%get3A_1492, %get3A_1493] {strides = array<i32>} : memref<8x512xf32, #tpu.memory_space<vmem>>, vector<16xf32>,
      %mul3A_1495 = arith.mulf %get3A_1490, %get3A_1494 : vector<16xf32>
      %add3A_1496 = arith.addf %add3A_1488, %mul3A_1495 : vector<16xf32>
      %get3A_1497 = arith.constant 320 : index
      %get3A_1498 = tpu.vector_load %arg7[%get3A_1497] {strides = array<i32>} : memref<512xf32, #tpu.memory_space<vmem>>, vector<16xf32>,
      %get3A_1499 = arith.constant 5 : i32
      %get3A_1500 = arith.index_cast %get3A_1499 : i32 to index
      %get3A_1501 = arith.constant 320 : index
      %get3A_1502 = tpu.vector_load %arg8[%get3A_1500, %get3A_1501] {strides = array<i32>} : memref<8x512xf32, #tpu.memory_space<vmem>>, vector<16xf32>,
      %mul3A_1503 = arith.mulf %get3A_1498, %get3A_1502 : vector<16xf32>
      %add3A_1504 = arith.addf %add3A_1496, %mul3A_1503 : vector<16xf32>
      %get3A_1505 = arith.constant 336 : index
      %get3A_1506 = tpu.vector_load %arg7[%get3A_1505] {strides = array<i32>} : memref<512xf32, #tpu.memory_space<vmem>>, vector<16xf32>,
      %get3A_1507 = arith.constant 5 : i32
      %get3A_1508 = arith.index_cast %get3A_1507 : i32 to index
      %get3A_1509 = arith.constant 336 : index
      %get3A_1510 = tpu.vector_load %arg8[%get3A_1508, %get3A_1509] {strides = array<i32>} : memref<8x512xf32, #tpu.memory_space<vmem>>, vector<16xf32>,
      %mul3A_1511 = arith.mulf %get3A_1506, %get3A_1510 : vector<16xf32>
      %add3A_1512 = arith.addf %add3A_1504, %mul3A_1511 : vector<16xf32>
      %get3A_1513 = arith.constant 352 : index
      %get3A_1514 = tpu.vector_load %arg7[%get3A_1513] {strides = array<i32>} : memref<512xf32, #tpu.memory_space<vmem>>, vector<16xf32>,
      %get3A_1515 = arith.constant 5 : i32
      %get3A_1516 = arith.index_cast %get3A_1515 : i32 to index
      %get3A_1517 = arith.constant 352 : index
      %get3A_1518 = tpu.vector_load %arg8[%get3A_1516, %get3A_1517] {strides = array<i32>} : memref<8x512xf32, #tpu.memory_space<vmem>>, vector<16xf32>,
      %mul3A_1519 = arith.mulf %get3A_1514, %get3A_1518 : vector<16xf32>
      %add3A_1520 = arith.addf %add3A_1512, %mul3A_1519 : vector<16xf32>
      %get3A_1521 = arith.constant 368 : index
      %get3A_1522 = tpu.vector_load %arg7[%get3A_1521] {strides = array<i32>} : memref<512xf32, #tpu.memory_space<vmem>>, vector<16xf32>,
      %get3A_1523 = arith.constant 5 : i32
      %get3A_1524 = arith.index_cast %get3A_1523 : i32 to index
      %get3A_1525 = arith.constant 368 : index
      %get3A_1526 = tpu.vector_load %arg8[%get3A_1524, %get3A_1525] {strides = array<i32>} : memref<8x512xf32, #tpu.memory_space<vmem>>, vector<16xf32>,
      %mul3A_1527 = arith.mulf %get3A_1522, %get3A_1526 : vector<16xf32>
      %add3A_1528 = arith.addf %add3A_1520, %mul3A_1527 : vector<16xf32>
      %get3A_1529 = arith.constant 384 : index
      %get3A_1530 = tpu.vector_load %arg7[%get3A_1529] {strides = array<i32>} : memref<512xf32, #tpu.memory_space<vmem>>, vector<16xf32>,
      %get3A_1531 = arith.constant 5 : i32
      %get3A_1532 = arith.index_cast %get3A_1531 : i32 to index
      %get3A_1533 = arith.constant 384 : index
      %get3A_1534 = tpu.vector_load %arg8[%get3A_1532, %get3A_1533] {strides = array<i32>} : memref<8x512xf32, #tpu.memory_space<vmem>>, vector<16xf32>,
      %mul3A_1535 = arith.mulf %get3A_1530, %get3A_1534 : vector<16xf32>
      %add3A_1536 = arith.addf %add3A_1528, %mul3A_1535 : vector<16xf32>
      %get3A_1537 = arith.constant 400 : index
      %get3A_1538 = tpu.vector_load %arg7[%get3A_1537] {strides = array<i32>} : memref<512xf32, #tpu.memory_space<vmem>>, vector<16xf32>,
      %get3A_1539 = arith.constant 5 : i32
      %get3A_1540 = arith.index_cast %get3A_1539 : i32 to index
      %get3A_1541 = arith.constant 400 : index
      %get3A_1542 = tpu.vector_load %arg8[%get3A_1540, %get3A_1541] {strides = array<i32>} : memref<8x512xf32, #tpu.memory_space<vmem>>, vector<16xf32>,
      %mul3A_1543 = arith.mulf %get3A_1538, %get3A_1542 : vector<16xf32>
      %add3A_1544 = arith.addf %add3A_1536, %mul3A_1543 : vector<16xf32>
      %get3A_1545 = arith.constant 416 : index
      %get3A_1546 = tpu.vector_load %arg7[%get3A_1545] {strides = array<i32>} : memref<512xf32, #tpu.memory_space<vmem>>, vector<16xf32>,
      %get3A_1547 = arith.constant 5 : i32
      %get3A_1548 = arith.index_cast %get3A_1547 : i32 to index
      %get3A_1549 = arith.constant 416 : index
      %get3A_1550 = tpu.vector_load %arg8[%get3A_1548, %get3A_1549] {strides = array<i32>} : memref<8x512xf32, #tpu.memory_space<vmem>>, vector<16xf32>,
      %mul3A_1551 = arith.mulf %get3A_1546, %get3A_1550 : vector<16xf32>
      %add3A_1552 = arith.addf %add3A_1544, %mul3A_1551 : vector<16xf32>
      %get3A_1553 = arith.constant 432 : index
      %get3A_1554 = tpu.vector_load %arg7[%get3A_1553] {strides = array<i32>} : memref<512xf32, #tpu.memory_space<vmem>>, vector<16xf32>,
      %get3A_1555 = arith.constant 5 : i32
      %get3A_1556 = arith.index_cast %get3A_1555 : i32 to index
      %get3A_1557 = arith.constant 432 : index
      %get3A_1558 = tpu.vector_load %arg8[%get3A_1556, %get3A_1557] {strides = array<i32>} : memref<8x512xf32, #tpu.memory_space<vmem>>, vector<16xf32>,
      %mul3A_1559 = arith.mulf %get3A_1554, %get3A_1558 : vector<16xf32>
      %add3A_1560 = arith.addf %add3A_1552, %mul3A_1559 : vector<16xf32>
      %get3A_1561 = arith.constant 448 : index
      %get3A_1562 = tpu.vector_load %arg7[%get3A_1561] {strides = array<i32>} : memref<512xf32, #tpu.memory_space<vmem>>, vector<16xf32>,
      %get3A_1563 = arith.constant 5 : i32
      %get3A_1564 = arith.index_cast %get3A_1563 : i32 to index
      %get3A_1565 = arith.constant 448 : index
      %get3A_1566 = tpu.vector_load %arg8[%get3A_1564, %get3A_1565] {strides = array<i32>} : memref<8x512xf32, #tpu.memory_space<vmem>>, vector<16xf32>,
      %mul3A_1567 = arith.mulf %get3A_1562, %get3A_1566 : vector<16xf32>
      %add3A_1568 = arith.addf %add3A_1560, %mul3A_1567 : vector<16xf32>
      %get3A_1569 = arith.constant 464 : index
      %get3A_1570 = tpu.vector_load %arg7[%get3A_1569] {strides = array<i32>} : memref<512xf32, #tpu.memory_space<vmem>>, vector<16xf32>,
      %get3A_1571 = arith.constant 5 : i32
      %get3A_1572 = arith.index_cast %get3A_1571 : i32 to index
      %get3A_1573 = arith.constant 464 : index
      %get3A_1574 = tpu.vector_load %arg8[%get3A_1572, %get3A_1573] {strides = array<i32>} : memref<8x512xf32, #tpu.memory_space<vmem>>, vector<16xf32>,
      %mul3A_1575 = arith.mulf %get3A_1570, %get3A_1574 : vector<16xf32>
      %add3A_1576 = arith.addf %add3A_1568, %mul3A_1575 : vector<16xf32>
      %get3A_1577 = arith.constant 480 : index
      %get3A_1578 = tpu.vector_load %arg7[%get3A_1577] {strides = array<i32>} : memref<512xf32, #tpu.memory_space<vmem>>, vector<16xf32>,
      %get3A_1579 = arith.constant 5 : i32
      %get3A_1580 = arith.index_cast %get3A_1579 : i32 to index
      %get3A_1581 = arith.constant 480 : index
      %get3A_1582 = tpu.vector_load %arg8[%get3A_1580, %get3A_1581] {strides = array<i32>} : memref<8x512xf32, #tpu.memory_space<vmem>>, vector<16xf32>,
      %mul3A_1583 = arith.mulf %get3A_1578, %get3A_1582 : vector<16xf32>
      %add3A_1584 = arith.addf %add3A_1576, %mul3A_1583 : vector<16xf32>
      %get3A_1585 = arith.constant 496 : index
      %get3A_1586 = tpu.vector_load %arg7[%get3A_1585] {strides = array<i32>} : memref<512xf32, #tpu.memory_space<vmem>>, vector<16xf32>,
      %get3A_1587 = arith.constant 5 : i32
      %get3A_1588 = arith.index_cast %get3A_1587 : i32 to index
      %get3A_1589 = arith.constant 496 : index
      %get3A_1590 = tpu.vector_load %arg8[%get3A_1588, %get3A_1589] {strides = array<i32>} : memref<8x512xf32, #tpu.memory_space<vmem>>, vector<16xf32>,
      %mul3A_1591 = arith.mulf %get3A_1586, %get3A_1590 : vector<16xf32>
      %add3A_1592 = arith.addf %add3A_1584, %mul3A_1591 : vector<16xf32>
      %reduce_sum3A_1593 = arith.constant true
      %reduce_sum3A_1594 = vector.broadcast %reduce_sum3A_1593 : i1 to vector<16xi1>
      %reduce_sum3A_1595 = tpu.scan <sum>, %add3A_1592 masked %reduce_sum3A_1594 : vector<16xf32>, vector<16xi1> -> vector<16xf32>
      %reduce_sum3A_1596 = vector.extract %reduce_sum3A_1595[15] : f32 from vector<16xf32>
      %eq3A_1597 = arith.constant 5 : i32
      %eq3A_1598 = vector.broadcast %eq3A_1597 : i32 to vector<16xi32>
      %eq3A_1599 = arith.cmpi eq, %iota3A, %eq3A_1598 : vector<16xi32>
      %broadcast_in_dim3A_1600 = vector.broadcast %reduce_sum3A_1596 : f32 to vector<16xf32>
      %select_n3A_1601 = arith.select %eq3A_1599, %broadcast_in_dim3A_1600, %select_n3A_1334 : vector<16xi1>, vector<16xf32>
      %broadcast_in_dim3A_1602 = arith.constant 0.000000e+00 : f32
      %broadcast_in_dim3A_1603 = vector.broadcast %broadcast_in_dim3A_1602 : f32 to vector<16xf32>
      %get3A_1604 = arith.constant 0 : index
      %get3A_1605 = tpu.vector_load %arg7[%get3A_1604] {strides = array<i32>} : memref<512xf32, #tpu.memory_space<vmem>>, vector<16xf32>,
      %get3A_1606 = arith.constant 6 : i32
      %get3A_1607 = arith.index_cast %get3A_1606 : i32 to index
      %get3A_1608 = arith.constant 0 : index
      %get3A_1609 = tpu.vector_load %arg8[%get3A_1607, %get3A_1608] {strides = array<i32>} : memref<8x512xf32, #tpu.memory_space<vmem>>, vector<16xf32>,
      %mul3A_1610 = arith.mulf %get3A_1605, %get3A_1609 : vector<16xf32>
      %add3A_1611 = arith.addf %broadcast_in_dim3A_1603, %mul3A_1610 : vector<16xf32>
      %get3A_1612 = arith.constant 16 : index
      %get3A_1613 = tpu.vector_load %arg7[%get3A_1612] {strides = array<i32>} : memref<512xf32, #tpu.memory_space<vmem>>, vector<16xf32>,
      %get3A_1614 = arith.constant 6 : i32
      %get3A_1615 = arith.index_cast %get3A_1614 : i32 to index
      %get3A_1616 = arith.constant 16 : index
      %get3A_1617 = tpu.vector_load %arg8[%get3A_1615, %get3A_1616] {strides = array<i32>} : memref<8x512xf32, #tpu.memory_space<vmem>>, vector<16xf32>,
      %mul3A_1618 = arith.mulf %get3A_1613, %get3A_1617 : vector<16xf32>
      %add3A_1619 = arith.addf %add3A_1611, %mul3A_1618 : vector<16xf32>
      %get3A_1620 = arith.constant 32 : index
      %get3A_1621 = tpu.vector_load %arg7[%get3A_1620] {strides = array<i32>} : memref<512xf32, #tpu.memory_space<vmem>>, vector<16xf32>,
      %get3A_1622 = arith.constant 6 : i32
      %get3A_1623 = arith.index_cast %get3A_1622 : i32 to index
      %get3A_1624 = arith.constant 32 : index
      %get3A_1625 = tpu.vector_load %arg8[%get3A_1623, %get3A_1624] {strides = array<i32>} : memref<8x512xf32, #tpu.memory_space<vmem>>, vector<16xf32>,
      %mul3A_1626 = arith.mulf %get3A_1621, %get3A_1625 : vector<16xf32>
      %add3A_1627 = arith.addf %add3A_1619, %mul3A_1626 : vector<16xf32>
      %get3A_1628 = arith.constant 48 : index
      %get3A_1629 = tpu.vector_load %arg7[%get3A_1628] {strides = array<i32>} : memref<512xf32, #tpu.memory_space<vmem>>, vector<16xf32>,
      %get3A_1630 = arith.constant 6 : i32
      %get3A_1631 = arith.index_cast %get3A_1630 : i32 to index
      %get3A_1632 = arith.constant 48 : index
      %get3A_1633 = tpu.vector_load %arg8[%get3A_1631, %get3A_1632] {strides = array<i32>} : memref<8x512xf32, #tpu.memory_space<vmem>>, vector<16xf32>,
      %mul3A_1634 = arith.mulf %get3A_1629, %get3A_1633 : vector<16xf32>
      %add3A_1635 = arith.addf %add3A_1627, %mul3A_1634 : vector<16xf32>
      %get3A_1636 = arith.constant 64 : index
      %get3A_1637 = tpu.vector_load %arg7[%get3A_1636] {strides = array<i32>} : memref<512xf32, #tpu.memory_space<vmem>>, vector<16xf32>,
      %get3A_1638 = arith.constant 6 : i32
      %get3A_1639 = arith.index_cast %get3A_1638 : i32 to index
      %get3A_1640 = arith.constant 64 : index
      %get3A_1641 = tpu.vector_load %arg8[%get3A_1639, %get3A_1640] {strides = array<i32>} : memref<8x512xf32, #tpu.memory_space<vmem>>, vector<16xf32>,
      %mul3A_1642 = arith.mulf %get3A_1637, %get3A_1641 : vector<16xf32>
      %add3A_1643 = arith.addf %add3A_1635, %mul3A_1642 : vector<16xf32>
      %get3A_1644 = arith.constant 80 : index
      %get3A_1645 = tpu.vector_load %arg7[%get3A_1644] {strides = array<i32>} : memref<512xf32, #tpu.memory_space<vmem>>, vector<16xf32>,
      %get3A_1646 = arith.constant 6 : i32
      %get3A_1647 = arith.index_cast %get3A_1646 : i32 to index
      %get3A_1648 = arith.constant 80 : index
      %get3A_1649 = tpu.vector_load %arg8[%get3A_1647, %get3A_1648] {strides = array<i32>} : memref<8x512xf32, #tpu.memory_space<vmem>>, vector<16xf32>,
      %mul3A_1650 = arith.mulf %get3A_1645, %get3A_1649 : vector<16xf32>
      %add3A_1651 = arith.addf %add3A_1643, %mul3A_1650 : vector<16xf32>
      %get3A_1652 = arith.constant 96 : index
      %get3A_1653 = tpu.vector_load %arg7[%get3A_1652] {strides = array<i32>} : memref<512xf32, #tpu.memory_space<vmem>>, vector<16xf32>,
      %get3A_1654 = arith.constant 6 : i32
      %get3A_1655 = arith.index_cast %get3A_1654 : i32 to index
      %get3A_1656 = arith.constant 96 : index
      %get3A_1657 = tpu.vector_load %arg8[%get3A_1655, %get3A_1656] {strides = array<i32>} : memref<8x512xf32, #tpu.memory_space<vmem>>, vector<16xf32>,
      %mul3A_1658 = arith.mulf %get3A_1653, %get3A_1657 : vector<16xf32>
      %add3A_1659 = arith.addf %add3A_1651, %mul3A_1658 : vector<16xf32>
      %get3A_1660 = arith.constant 112 : index
      %get3A_1661 = tpu.vector_load %arg7[%get3A_1660] {strides = array<i32>} : memref<512xf32, #tpu.memory_space<vmem>>, vector<16xf32>,
      %get3A_1662 = arith.constant 6 : i32
      %get3A_1663 = arith.index_cast %get3A_1662 : i32 to index
      %get3A_1664 = arith.constant 112 : index
      %get3A_1665 = tpu.vector_load %arg8[%get3A_1663, %get3A_1664] {strides = array<i32>} : memref<8x512xf32, #tpu.memory_space<vmem>>, vector<16xf32>,
      %mul3A_1666 = arith.mulf %get3A_1661, %get3A_1665 : vector<16xf32>
      %add3A_1667 = arith.addf %add3A_1659, %mul3A_1666 : vector<16xf32>
      %get3A_1668 = arith.constant 128 : index
      %get3A_1669 = tpu.vector_load %arg7[%get3A_1668] {strides = array<i32>} : memref<512xf32, #tpu.memory_space<vmem>>, vector<16xf32>,
      %get3A_1670 = arith.constant 6 : i32
      %get3A_1671 = arith.index_cast %get3A_1670 : i32 to index
      %get3A_1672 = arith.constant 128 : index
      %get3A_1673 = tpu.vector_load %arg8[%get3A_1671, %get3A_1672] {strides = array<i32>} : memref<8x512xf32, #tpu.memory_space<vmem>>, vector<16xf32>,
      %mul3A_1674 = arith.mulf %get3A_1669, %get3A_1673 : vector<16xf32>
      %add3A_1675 = arith.addf %add3A_1667, %mul3A_1674 : vector<16xf32>
      %get3A_1676 = arith.constant 144 : index
      %get3A_1677 = tpu.vector_load %arg7[%get3A_1676] {strides = array<i32>} : memref<512xf32, #tpu.memory_space<vmem>>, vector<16xf32>,
      %get3A_1678 = arith.constant 6 : i32
      %get3A_1679 = arith.index_cast %get3A_1678 : i32 to index
      %get3A_1680 = arith.constant 144 : index
      %get3A_1681 = tpu.vector_load %arg8[%get3A_1679, %get3A_1680] {strides = array<i32>} : memref<8x512xf32, #tpu.memory_space<vmem>>, vector<16xf32>,
      %mul3A_1682 = arith.mulf %get3A_1677, %get3A_1681 : vector<16xf32>
      %add3A_1683 = arith.addf %add3A_1675, %mul3A_1682 : vector<16xf32>
      %get3A_1684 = arith.constant 160 : index
      %get3A_1685 = tpu.vector_load %arg7[%get3A_1684] {strides = array<i32>} : memref<512xf32, #tpu.memory_space<vmem>>, vector<16xf32>,
      %get3A_1686 = arith.constant 6 : i32
      %get3A_1687 = arith.index_cast %get3A_1686 : i32 to index
      %get3A_1688 = arith.constant 160 : index
      %get3A_1689 = tpu.vector_load %arg8[%get3A_1687, %get3A_1688] {strides = array<i32>} : memref<8x512xf32, #tpu.memory_space<vmem>>, vector<16xf32>,
      %mul3A_1690 = arith.mulf %get3A_1685, %get3A_1689 : vector<16xf32>
      %add3A_1691 = arith.addf %add3A_1683, %mul3A_1690 : vector<16xf32>
      %get3A_1692 = arith.constant 176 : index
      %get3A_1693 = tpu.vector_load %arg7[%get3A_1692] {strides = array<i32>} : memref<512xf32, #tpu.memory_space<vmem>>, vector<16xf32>,
      %get3A_1694 = arith.constant 6 : i32
      %get3A_1695 = arith.index_cast %get3A_1694 : i32 to index
      %get3A_1696 = arith.constant 176 : index
      %get3A_1697 = tpu.vector_load %arg8[%get3A_1695, %get3A_1696] {strides = array<i32>} : memref<8x512xf32, #tpu.memory_space<vmem>>, vector<16xf32>,
      %mul3A_1698 = arith.mulf %get3A_1693, %get3A_1697 : vector<16xf32>
      %add3A_1699 = arith.addf %add3A_1691, %mul3A_1698 : vector<16xf32>
      %get3A_1700 = arith.constant 192 : index
      %get3A_1701 = tpu.vector_load %arg7[%get3A_1700] {strides = array<i32>} : memref<512xf32, #tpu.memory_space<vmem>>, vector<16xf32>,
      %get3A_1702 = arith.constant 6 : i32
      %get3A_1703 = arith.index_cast %get3A_1702 : i32 to index
      %get3A_1704 = arith.constant 192 : index
      %get3A_1705 = tpu.vector_load %arg8[%get3A_1703, %get3A_1704] {strides = array<i32>} : memref<8x512xf32, #tpu.memory_space<vmem>>, vector<16xf32>,
      %mul3A_1706 = arith.mulf %get3A_1701, %get3A_1705 : vector<16xf32>
      %add3A_1707 = arith.addf %add3A_1699, %mul3A_1706 : vector<16xf32>
      %get3A_1708 = arith.constant 208 : index
      %get3A_1709 = tpu.vector_load %arg7[%get3A_1708] {strides = array<i32>} : memref<512xf32, #tpu.memory_space<vmem>>, vector<16xf32>,
      %get3A_1710 = arith.constant 6 : i32
      %get3A_1711 = arith.index_cast %get3A_1710 : i32 to index
      %get3A_1712 = arith.constant 208 : index
      %get3A_1713 = tpu.vector_load %arg8[%get3A_1711, %get3A_1712] {strides = array<i32>} : memref<8x512xf32, #tpu.memory_space<vmem>>, vector<16xf32>,
      %mul3A_1714 = arith.mulf %get3A_1709, %get3A_1713 : vector<16xf32>
      %add3A_1715 = arith.addf %add3A_1707, %mul3A_1714 : vector<16xf32>
      %get3A_1716 = arith.constant 224 : index
      %get3A_1717 = tpu.vector_load %arg7[%get3A_1716] {strides = array<i32>} : memref<512xf32, #tpu.memory_space<vmem>>, vector<16xf32>,
      %get3A_1718 = arith.constant 6 : i32
      %get3A_1719 = arith.index_cast %get3A_1718 : i32 to index
      %get3A_1720 = arith.constant 224 : index
      %get3A_1721 = tpu.vector_load %arg8[%get3A_1719, %get3A_1720] {strides = array<i32>} : memref<8x512xf32, #tpu.memory_space<vmem>>, vector<16xf32>,
      %mul3A_1722 = arith.mulf %get3A_1717, %get3A_1721 : vector<16xf32>
      %add3A_1723 = arith.addf %add3A_1715, %mul3A_1722 : vector<16xf32>
      %get3A_1724 = arith.constant 240 : index
      %get3A_1725 = tpu.vector_load %arg7[%get3A_1724] {strides = array<i32>} : memref<512xf32, #tpu.memory_space<vmem>>, vector<16xf32>,
      %get3A_1726 = arith.constant 6 : i32
      %get3A_1727 = arith.index_cast %get3A_1726 : i32 to index
      %get3A_1728 = arith.constant 240 : index
      %get3A_1729 = tpu.vector_load %arg8[%get3A_1727, %get3A_1728] {strides = array<i32>} : memref<8x512xf32, #tpu.memory_space<vmem>>, vector<16xf32>,
      %mul3A_1730 = arith.mulf %get3A_1725, %get3A_1729 : vector<16xf32>
      %add3A_1731 = arith.addf %add3A_1723, %mul3A_1730 : vector<16xf32>
      %get3A_1732 = arith.constant 256 : index
      %get3A_1733 = tpu.vector_load %arg7[%get3A_1732] {strides = array<i32>} : memref<512xf32, #tpu.memory_space<vmem>>, vector<16xf32>,
      %get3A_1734 = arith.constant 6 : i32
      %get3A_1735 = arith.index_cast %get3A_1734 : i32 to index
      %get3A_1736 = arith.constant 256 : index
      %get3A_1737 = tpu.vector_load %arg8[%get3A_1735, %get3A_1736] {strides = array<i32>} : memref<8x512xf32, #tpu.memory_space<vmem>>, vector<16xf32>,
      %mul3A_1738 = arith.mulf %get3A_1733, %get3A_1737 : vector<16xf32>
      %add3A_1739 = arith.addf %add3A_1731, %mul3A_1738 : vector<16xf32>
      %get3A_1740 = arith.constant 272 : index
      %get3A_1741 = tpu.vector_load %arg7[%get3A_1740] {strides = array<i32>} : memref<512xf32, #tpu.memory_space<vmem>>, vector<16xf32>,
      %get3A_1742 = arith.constant 6 : i32
      %get3A_1743 = arith.index_cast %get3A_1742 : i32 to index
      %get3A_1744 = arith.constant 272 : index
      %get3A_1745 = tpu.vector_load %arg8[%get3A_1743, %get3A_1744] {strides = array<i32>} : memref<8x512xf32, #tpu.memory_space<vmem>>, vector<16xf32>,
      %mul3A_1746 = arith.mulf %get3A_1741, %get3A_1745 : vector<16xf32>
      %add3A_1747 = arith.addf %add3A_1739, %mul3A_1746 : vector<16xf32>
      %get3A_1748 = arith.constant 288 : index
      %get3A_1749 = tpu.vector_load %arg7[%get3A_1748] {strides = array<i32>} : memref<512xf32, #tpu.memory_space<vmem>>, vector<16xf32>,
      %get3A_1750 = arith.constant 6 : i32
      %get3A_1751 = arith.index_cast %get3A_1750 : i32 to index
      %get3A_1752 = arith.constant 288 : index
      %get3A_1753 = tpu.vector_load %arg8[%get3A_1751, %get3A_1752] {strides = array<i32>} : memref<8x512xf32, #tpu.memory_space<vmem>>, vector<16xf32>,
      %mul3A_1754 = arith.mulf %get3A_1749, %get3A_1753 : vector<16xf32>
      %add3A_1755 = arith.addf %add3A_1747, %mul3A_1754 : vector<16xf32>
      %get3A_1756 = arith.constant 304 : index
      %get3A_1757 = tpu.vector_load %arg7[%get3A_1756] {strides = array<i32>} : memref<512xf32, #tpu.memory_space<vmem>>, vector<16xf32>,
      %get3A_1758 = arith.constant 6 : i32
      %get3A_1759 = arith.index_cast %get3A_1758 : i32 to index
      %get3A_1760 = arith.constant 304 : index
      %get3A_1761 = tpu.vector_load %arg8[%get3A_1759, %get3A_1760] {strides = array<i32>} : memref<8x512xf32, #tpu.memory_space<vmem>>, vector<16xf32>,
      %mul3A_1762 = arith.mulf %get3A_1757, %get3A_1761 : vector<16xf32>
      %add3A_1763 = arith.addf %add3A_1755, %mul3A_1762 : vector<16xf32>
      %get3A_1764 = arith.constant 320 : index
      %get3A_1765 = tpu.vector_load %arg7[%get3A_1764] {strides = array<i32>} : memref<512xf32, #tpu.memory_space<vmem>>, vector<16xf32>,
      %get3A_1766 = arith.constant 6 : i32
      %get3A_1767 = arith.index_cast %get3A_1766 : i32 to index
      %get3A_1768 = arith.constant 320 : index
      %get3A_1769 = tpu.vector_load %arg8[%get3A_1767, %get3A_1768] {strides = array<i32>} : memref<8x512xf32, #tpu.memory_space<vmem>>, vector<16xf32>,
      %mul3A_1770 = arith.mulf %get3A_1765, %get3A_1769 : vector<16xf32>
      %add3A_1771 = arith.addf %add3A_1763, %mul3A_1770 : vector<16xf32>
      %get3A_1772 = arith.constant 336 : index
      %get3A_1773 = tpu.vector_load %arg7[%get3A_1772] {strides = array<i32>} : memref<512xf32, #tpu.memory_space<vmem>>, vector<16xf32>,
      %get3A_1774 = arith.constant 6 : i32
      %get3A_1775 = arith.index_cast %get3A_1774 : i32 to index
      %get3A_1776 = arith.constant 336 : index
      %get3A_1777 = tpu.vector_load %arg8[%get3A_1775, %get3A_1776] {strides = array<i32>} : memref<8x512xf32, #tpu.memory_space<vmem>>, vector<16xf32>,
      %mul3A_1778 = arith.mulf %get3A_1773, %get3A_1777 : vector<16xf32>
      %add3A_1779 = arith.addf %add3A_1771, %mul3A_1778 : vector<16xf32>
      %get3A_1780 = arith.constant 352 : index
      %get3A_1781 = tpu.vector_load %arg7[%get3A_1780] {strides = array<i32>} : memref<512xf32, #tpu.memory_space<vmem>>, vector<16xf32>,
      %get3A_1782 = arith.constant 6 : i32
      %get3A_1783 = arith.index_cast %get3A_1782 : i32 to index
      %get3A_1784 = arith.constant 352 : index
      %get3A_1785 = tpu.vector_load %arg8[%get3A_1783, %get3A_1784] {strides = array<i32>} : memref<8x512xf32, #tpu.memory_space<vmem>>, vector<16xf32>,
      %mul3A_1786 = arith.mulf %get3A_1781, %get3A_1785 : vector<16xf32>
      %add3A_1787 = arith.addf %add3A_1779, %mul3A_1786 : vector<16xf32>
      %get3A_1788 = arith.constant 368 : index
      %get3A_1789 = tpu.vector_load %arg7[%get3A_1788] {strides = array<i32>} : memref<512xf32, #tpu.memory_space<vmem>>, vector<16xf32>,
      %get3A_1790 = arith.constant 6 : i32
      %get3A_1791 = arith.index_cast %get3A_1790 : i32 to index
      %get3A_1792 = arith.constant 368 : index
      %get3A_1793 = tpu.vector_load %arg8[%get3A_1791, %get3A_1792] {strides = array<i32>} : memref<8x512xf32, #tpu.memory_space<vmem>>, vector<16xf32>,
      %mul3A_1794 = arith.mulf %get3A_1789, %get3A_1793 : vector<16xf32>
      %add3A_1795 = arith.addf %add3A_1787, %mul3A_1794 : vector<16xf32>
      %get3A_1796 = arith.constant 384 : index
      %get3A_1797 = tpu.vector_load %arg7[%get3A_1796] {strides = array<i32>} : memref<512xf32, #tpu.memory_space<vmem>>, vector<16xf32>,
      %get3A_1798 = arith.constant 6 : i32
      %get3A_1799 = arith.index_cast %get3A_1798 : i32 to index
      %get3A_1800 = arith.constant 384 : index
      %get3A_1801 = tpu.vector_load %arg8[%get3A_1799, %get3A_1800] {strides = array<i32>} : memref<8x512xf32, #tpu.memory_space<vmem>>, vector<16xf32>,
      %mul3A_1802 = arith.mulf %get3A_1797, %get3A_1801 : vector<16xf32>
      %add3A_1803 = arith.addf %add3A_1795, %mul3A_1802 : vector<16xf32>
      %get3A_1804 = arith.constant 400 : index
      %get3A_1805 = tpu.vector_load %arg7[%get3A_1804] {strides = array<i32>} : memref<512xf32, #tpu.memory_space<vmem>>, vector<16xf32>,
      %get3A_1806 = arith.constant 6 : i32
      %get3A_1807 = arith.index_cast %get3A_1806 : i32 to index
      %get3A_1808 = arith.constant 400 : index
      %get3A_1809 = tpu.vector_load %arg8[%get3A_1807, %get3A_1808] {strides = array<i32>} : memref<8x512xf32, #tpu.memory_space<vmem>>, vector<16xf32>,
      %mul3A_1810 = arith.mulf %get3A_1805, %get3A_1809 : vector<16xf32>
      %add3A_1811 = arith.addf %add3A_1803, %mul3A_1810 : vector<16xf32>
      %get3A_1812 = arith.constant 416 : index
      %get3A_1813 = tpu.vector_load %arg7[%get3A_1812] {strides = array<i32>} : memref<512xf32, #tpu.memory_space<vmem>>, vector<16xf32>,
      %get3A_1814 = arith.constant 6 : i32
      %get3A_1815 = arith.index_cast %get3A_1814 : i32 to index
      %get3A_1816 = arith.constant 416 : index
      %get3A_1817 = tpu.vector_load %arg8[%get3A_1815, %get3A_1816] {strides = array<i32>} : memref<8x512xf32, #tpu.memory_space<vmem>>, vector<16xf32>,
      %mul3A_1818 = arith.mulf %get3A_1813, %get3A_1817 : vector<16xf32>
      %add3A_1819 = arith.addf %add3A_1811, %mul3A_1818 : vector<16xf32>
      %get3A_1820 = arith.constant 432 : index
      %get3A_1821 = tpu.vector_load %arg7[%get3A_1820] {strides = array<i32>} : memref<512xf32, #tpu.memory_space<vmem>>, vector<16xf32>,
      %get3A_1822 = arith.constant 6 : i32
      %get3A_1823 = arith.index_cast %get3A_1822 : i32 to index
      %get3A_1824 = arith.constant 432 : index
      %get3A_1825 = tpu.vector_load %arg8[%get3A_1823, %get3A_1824] {strides = array<i32>} : memref<8x512xf32, #tpu.memory_space<vmem>>, vector<16xf32>,
      %mul3A_1826 = arith.mulf %get3A_1821, %get3A_1825 : vector<16xf32>
      %add3A_1827 = arith.addf %add3A_1819, %mul3A_1826 : vector<16xf32>
      %get3A_1828 = arith.constant 448 : index
      %get3A_1829 = tpu.vector_load %arg7[%get3A_1828] {strides = array<i32>} : memref<512xf32, #tpu.memory_space<vmem>>, vector<16xf32>,
      %get3A_1830 = arith.constant 6 : i32
      %get3A_1831 = arith.index_cast %get3A_1830 : i32 to index
      %get3A_1832 = arith.constant 448 : index
      %get3A_1833 = tpu.vector_load %arg8[%get3A_1831, %get3A_1832] {strides = array<i32>} : memref<8x512xf32, #tpu.memory_space<vmem>>, vector<16xf32>,
      %mul3A_1834 = arith.mulf %get3A_1829, %get3A_1833 : vector<16xf32>
      %add3A_1835 = arith.addf %add3A_1827, %mul3A_1834 : vector<16xf32>
      %get3A_1836 = arith.constant 464 : index
      %get3A_1837 = tpu.vector_load %arg7[%get3A_1836] {strides = array<i32>} : memref<512xf32, #tpu.memory_space<vmem>>, vector<16xf32>,
      %get3A_1838 = arith.constant 6 : i32
      %get3A_1839 = arith.index_cast %get3A_1838 : i32 to index
      %get3A_1840 = arith.constant 464 : index
      %get3A_1841 = tpu.vector_load %arg8[%get3A_1839, %get3A_1840] {strides = array<i32>} : memref<8x512xf32, #tpu.memory_space<vmem>>, vector<16xf32>,
      %mul3A_1842 = arith.mulf %get3A_1837, %get3A_1841 : vector<16xf32>
      %add3A_1843 = arith.addf %add3A_1835, %mul3A_1842 : vector<16xf32>
      %get3A_1844 = arith.constant 480 : index
      %get3A_1845 = tpu.vector_load %arg7[%get3A_1844] {strides = array<i32>} : memref<512xf32, #tpu.memory_space<vmem>>, vector<16xf32>,
      %get3A_1846 = arith.constant 6 : i32
      %get3A_1847 = arith.index_cast %get3A_1846 : i32 to index
      %get3A_1848 = arith.constant 480 : index
      %get3A_1849 = tpu.vector_load %arg8[%get3A_1847, %get3A_1848] {strides = array<i32>} : memref<8x512xf32, #tpu.memory_space<vmem>>, vector<16xf32>,
      %mul3A_1850 = arith.mulf %get3A_1845, %get3A_1849 : vector<16xf32>
      %add3A_1851 = arith.addf %add3A_1843, %mul3A_1850 : vector<16xf32>
      %get3A_1852 = arith.constant 496 : index
      %get3A_1853 = tpu.vector_load %arg7[%get3A_1852] {strides = array<i32>} : memref<512xf32, #tpu.memory_space<vmem>>, vector<16xf32>,
      %get3A_1854 = arith.constant 6 : i32
      %get3A_1855 = arith.index_cast %get3A_1854 : i32 to index
      %get3A_1856 = arith.constant 496 : index
      %get3A_1857 = tpu.vector_load %arg8[%get3A_1855, %get3A_1856] {strides = array<i32>} : memref<8x512xf32, #tpu.memory_space<vmem>>, vector<16xf32>,
      %mul3A_1858 = arith.mulf %get3A_1853, %get3A_1857 : vector<16xf32>
      %add3A_1859 = arith.addf %add3A_1851, %mul3A_1858 : vector<16xf32>
      %reduce_sum3A_1860 = arith.constant true
      %reduce_sum3A_1861 = vector.broadcast %reduce_sum3A_1860 : i1 to vector<16xi1>
      %reduce_sum3A_1862 = tpu.scan <sum>, %add3A_1859 masked %reduce_sum3A_1861 : vector<16xf32>, vector<16xi1> -> vector<16xf32>
      %reduce_sum3A_1863 = vector.extract %reduce_sum3A_1862[15] : f32 from vector<16xf32>
      %eq3A_1864 = arith.constant 6 : i32
      %eq3A_1865 = vector.broadcast %eq3A_1864 : i32 to vector<16xi32>
      %eq3A_1866 = arith.cmpi eq, %iota3A, %eq3A_1865 : vector<16xi32>
      %broadcast_in_dim3A_1867 = vector.broadcast %reduce_sum3A_1863 : f32 to vector<16xf32>
      %select_n3A_1868 = arith.select %eq3A_1866, %broadcast_in_dim3A_1867, %select_n3A_1601 : vector<16xi1>, vector<16xf32>
      %broadcast_in_dim3A_1869 = arith.constant 0.000000e+00 : f32
      %broadcast_in_dim3A_1870 = vector.broadcast %broadcast_in_dim3A_1869 : f32 to vector<16xf32>
      %get3A_1871 = arith.constant 0 : index
      %get3A_1872 = tpu.vector_load %arg7[%get3A_1871] {strides = array<i32>} : memref<512xf32, #tpu.memory_space<vmem>>, vector<16xf32>,
      %get3A_1873 = arith.constant 7 : i32
      %get3A_1874 = arith.index_cast %get3A_1873 : i32 to index
      %get3A_1875 = arith.constant 0 : index
      %get3A_1876 = tpu.vector_load %arg8[%get3A_1874, %get3A_1875] {strides = array<i32>} : memref<8x512xf32, #tpu.memory_space<vmem>>, vector<16xf32>,
      %mul3A_1877 = arith.mulf %get3A_1872, %get3A_1876 : vector<16xf32>
      %add3A_1878 = arith.addf %broadcast_in_dim3A_1870, %mul3A_1877 : vector<16xf32>
      %get3A_1879 = arith.constant 16 : index
      %get3A_1880 = tpu.vector_load %arg7[%get3A_1879] {strides = array<i32>} : memref<512xf32, #tpu.memory_space<vmem>>, vector<16xf32>,
      %get3A_1881 = arith.constant 7 : i32
      %get3A_1882 = arith.index_cast %get3A_1881 : i32 to index
      %get3A_1883 = arith.constant 16 : index
      %get3A_1884 = tpu.vector_load %arg8[%get3A_1882, %get3A_1883] {strides = array<i32>} : memref<8x512xf32, #tpu.memory_space<vmem>>, vector<16xf32>,
      %mul3A_1885 = arith.mulf %get3A_1880, %get3A_1884 : vector<16xf32>
      %add3A_1886 = arith.addf %add3A_1878, %mul3A_1885 : vector<16xf32>
      %get3A_1887 = arith.constant 32 : index
      %get3A_1888 = tpu.vector_load %arg7[%get3A_1887] {strides = array<i32>} : memref<512xf32, #tpu.memory_space<vmem>>, vector<16xf32>,
      %get3A_1889 = arith.constant 7 : i32
      %get3A_1890 = arith.index_cast %get3A_1889 : i32 to index
      %get3A_1891 = arith.constant 32 : index
      %get3A_1892 = tpu.vector_load %arg8[%get3A_1890, %get3A_1891] {strides = array<i32>} : memref<8x512xf32, #tpu.memory_space<vmem>>, vector<16xf32>,
      %mul3A_1893 = arith.mulf %get3A_1888, %get3A_1892 : vector<16xf32>
      %add3A_1894 = arith.addf %add3A_1886, %mul3A_1893 : vector<16xf32>
      %get3A_1895 = arith.constant 48 : index
      %get3A_1896 = tpu.vector_load %arg7[%get3A_1895] {strides = array<i32>} : memref<512xf32, #tpu.memory_space<vmem>>, vector<16xf32>,
      %get3A_1897 = arith.constant 7 : i32
      %get3A_1898 = arith.index_cast %get3A_1897 : i32 to index
      %get3A_1899 = arith.constant 48 : index
      %get3A_1900 = tpu.vector_load %arg8[%get3A_1898, %get3A_1899] {strides = array<i32>} : memref<8x512xf32, #tpu.memory_space<vmem>>, vector<16xf32>,
      %mul3A_1901 = arith.mulf %get3A_1896, %get3A_1900 : vector<16xf32>
      %add3A_1902 = arith.addf %add3A_1894, %mul3A_1901 : vector<16xf32>
      %get3A_1903 = arith.constant 64 : index
      %get3A_1904 = tpu.vector_load %arg7[%get3A_1903] {strides = array<i32>} : memref<512xf32, #tpu.memory_space<vmem>>, vector<16xf32>,
      %get3A_1905 = arith.constant 7 : i32
      %get3A_1906 = arith.index_cast %get3A_1905 : i32 to index
      %get3A_1907 = arith.constant 64 : index
      %get3A_1908 = tpu.vector_load %arg8[%get3A_1906, %get3A_1907] {strides = array<i32>} : memref<8x512xf32, #tpu.memory_space<vmem>>, vector<16xf32>,
      %mul3A_1909 = arith.mulf %get3A_1904, %get3A_1908 : vector<16xf32>
      %add3A_1910 = arith.addf %add3A_1902, %mul3A_1909 : vector<16xf32>
      %get3A_1911 = arith.constant 80 : index
      %get3A_1912 = tpu.vector_load %arg7[%get3A_1911] {strides = array<i32>} : memref<512xf32, #tpu.memory_space<vmem>>, vector<16xf32>,
      %get3A_1913 = arith.constant 7 : i32
      %get3A_1914 = arith.index_cast %get3A_1913 : i32 to index
      %get3A_1915 = arith.constant 80 : index
      %get3A_1916 = tpu.vector_load %arg8[%get3A_1914, %get3A_1915] {strides = array<i32>} : memref<8x512xf32, #tpu.memory_space<vmem>>, vector<16xf32>,
      %mul3A_1917 = arith.mulf %get3A_1912, %get3A_1916 : vector<16xf32>
      %add3A_1918 = arith.addf %add3A_1910, %mul3A_1917 : vector<16xf32>
      %get3A_1919 = arith.constant 96 : index
      %get3A_1920 = tpu.vector_load %arg7[%get3A_1919] {strides = array<i32>} : memref<512xf32, #tpu.memory_space<vmem>>, vector<16xf32>,
      %get3A_1921 = arith.constant 7 : i32
      %get3A_1922 = arith.index_cast %get3A_1921 : i32 to index
      %get3A_1923 = arith.constant 96 : index
      %get3A_1924 = tpu.vector_load %arg8[%get3A_1922, %get3A_1923] {strides = array<i32>} : memref<8x512xf32, #tpu.memory_space<vmem>>, vector<16xf32>,
      %mul3A_1925 = arith.mulf %get3A_1920, %get3A_1924 : vector<16xf32>
      %add3A_1926 = arith.addf %add3A_1918, %mul3A_1925 : vector<16xf32>
      %get3A_1927 = arith.constant 112 : index
      %get3A_1928 = tpu.vector_load %arg7[%get3A_1927] {strides = array<i32>} : memref<512xf32, #tpu.memory_space<vmem>>, vector<16xf32>,
      %get3A_1929 = arith.constant 7 : i32
      %get3A_1930 = arith.index_cast %get3A_1929 : i32 to index
      %get3A_1931 = arith.constant 112 : index
      %get3A_1932 = tpu.vector_load %arg8[%get3A_1930, %get3A_1931] {strides = array<i32>} : memref<8x512xf32, #tpu.memory_space<vmem>>, vector<16xf32>,
      %mul3A_1933 = arith.mulf %get3A_1928, %get3A_1932 : vector<16xf32>
      %add3A_1934 = arith.addf %add3A_1926, %mul3A_1933 : vector<16xf32>
      %get3A_1935 = arith.constant 128 : index
      %get3A_1936 = tpu.vector_load %arg7[%get3A_1935] {strides = array<i32>} : memref<512xf32, #tpu.memory_space<vmem>>, vector<16xf32>,
      %get3A_1937 = arith.constant 7 : i32
      %get3A_1938 = arith.index_cast %get3A_1937 : i32 to index
      %get3A_1939 = arith.constant 128 : index
      %get3A_1940 = tpu.vector_load %arg8[%get3A_1938, %get3A_1939] {strides = array<i32>} : memref<8x512xf32, #tpu.memory_space<vmem>>, vector<16xf32>,
      %mul3A_1941 = arith.mulf %get3A_1936, %get3A_1940 : vector<16xf32>
      %add3A_1942 = arith.addf %add3A_1934, %mul3A_1941 : vector<16xf32>
      %get3A_1943 = arith.constant 144 : index
      %get3A_1944 = tpu.vector_load %arg7[%get3A_1943] {strides = array<i32>} : memref<512xf32, #tpu.memory_space<vmem>>, vector<16xf32>,
      %get3A_1945 = arith.constant 7 : i32
      %get3A_1946 = arith.index_cast %get3A_1945 : i32 to index
      %get3A_1947 = arith.constant 144 : index
      %get3A_1948 = tpu.vector_load %arg8[%get3A_1946, %get3A_1947] {strides = array<i32>} : memref<8x512xf32, #tpu.memory_space<vmem>>, vector<16xf32>,
      %mul3A_1949 = arith.mulf %get3A_1944, %get3A_1948 : vector<16xf32>
      %add3A_1950 = arith.addf %add3A_1942, %mul3A_1949 : vector<16xf32>
      %get3A_1951 = arith.constant 160 : index
      %get3A_1952 = tpu.vector_load %arg7[%get3A_1951] {strides = array<i32>} : memref<512xf32, #tpu.memory_space<vmem>>, vector<16xf32>,
      %get3A_1953 = arith.constant 7 : i32
      %get3A_1954 = arith.index_cast %get3A_1953 : i32 to index
      %get3A_1955 = arith.constant 160 : index
      %get3A_1956 = tpu.vector_load %arg8[%get3A_1954, %get3A_1955] {strides = array<i32>} : memref<8x512xf32, #tpu.memory_space<vmem>>, vector<16xf32>,
      %mul3A_1957 = arith.mulf %get3A_1952, %get3A_1956 : vector<16xf32>
      %add3A_1958 = arith.addf %add3A_1950, %mul3A_1957 : vector<16xf32>
      %get3A_1959 = arith.constant 176 : index
      %get3A_1960 = tpu.vector_load %arg7[%get3A_1959] {strides = array<i32>} : memref<512xf32, #tpu.memory_space<vmem>>, vector<16xf32>,
      %get3A_1961 = arith.constant 7 : i32
      %get3A_1962 = arith.index_cast %get3A_1961 : i32 to index
      %get3A_1963 = arith.constant 176 : index
      %get3A_1964 = tpu.vector_load %arg8[%get3A_1962, %get3A_1963] {strides = array<i32>} : memref<8x512xf32, #tpu.memory_space<vmem>>, vector<16xf32>,
      %mul3A_1965 = arith.mulf %get3A_1960, %get3A_1964 : vector<16xf32>
      %add3A_1966 = arith.addf %add3A_1958, %mul3A_1965 : vector<16xf32>
      %get3A_1967 = arith.constant 192 : index
      %get3A_1968 = tpu.vector_load %arg7[%get3A_1967] {strides = array<i32>} : memref<512xf32, #tpu.memory_space<vmem>>, vector<16xf32>,
      %get3A_1969 = arith.constant 7 : i32
      %get3A_1970 = arith.index_cast %get3A_1969 : i32 to index
      %get3A_1971 = arith.constant 192 : index
      %get3A_1972 = tpu.vector_load %arg8[%get3A_1970, %get3A_1971] {strides = array<i32>} : memref<8x512xf32, #tpu.memory_space<vmem>>, vector<16xf32>,
      %mul3A_1973 = arith.mulf %get3A_1968, %get3A_1972 : vector<16xf32>
      %add3A_1974 = arith.addf %add3A_1966, %mul3A_1973 : vector<16xf32>
      %get3A_1975 = arith.constant 208 : index
      %get3A_1976 = tpu.vector_load %arg7[%get3A_1975] {strides = array<i32>} : memref<512xf32, #tpu.memory_space<vmem>>, vector<16xf32>,
      %get3A_1977 = arith.constant 7 : i32
      %get3A_1978 = arith.index_cast %get3A_1977 : i32 to index
      %get3A_1979 = arith.constant 208 : index
      %get3A_1980 = tpu.vector_load %arg8[%get3A_1978, %get3A_1979] {strides = array<i32>} : memref<8x512xf32, #tpu.memory_space<vmem>>, vector<16xf32>,
      %mul3A_1981 = arith.mulf %get3A_1976, %get3A_1980 : vector<16xf32>
      %add3A_1982 = arith.addf %add3A_1974, %mul3A_1981 : vector<16xf32>
      %get3A_1983 = arith.constant 224 : index
      %get3A_1984 = tpu.vector_load %arg7[%get3A_1983] {strides = array<i32>} : memref<512xf32, #tpu.memory_space<vmem>>, vector<16xf32>,
      %get3A_1985 = arith.constant 7 : i32
      %get3A_1986 = arith.index_cast %get3A_1985 : i32 to index
      %get3A_1987 = arith.constant 224 : index
      %get3A_1988 = tpu.vector_load %arg8[%get3A_1986, %get3A_1987] {strides = array<i32>} : memref<8x512xf32, #tpu.memory_space<vmem>>, vector<16xf32>,
      %mul3A_1989 = arith.mulf %get3A_1984, %get3A_1988 : vector<16xf32>
      %add3A_1990 = arith.addf %add3A_1982, %mul3A_1989 : vector<16xf32>
      %get3A_1991 = arith.constant 240 : index
      %get3A_1992 = tpu.vector_load %arg7[%get3A_1991] {strides = array<i32>} : memref<512xf32, #tpu.memory_space<vmem>>, vector<16xf32>,
      %get3A_1993 = arith.constant 7 : i32
      %get3A_1994 = arith.index_cast %get3A_1993 : i32 to index
      %get3A_1995 = arith.constant 240 : index
      %get3A_1996 = tpu.vector_load %arg8[%get3A_1994, %get3A_1995] {strides = array<i32>} : memref<8x512xf32, #tpu.memory_space<vmem>>, vector<16xf32>,
      %mul3A_1997 = arith.mulf %get3A_1992, %get3A_1996 : vector<16xf32>
      %add3A_1998 = arith.addf %add3A_1990, %mul3A_1997 : vector<16xf32>
      %get3A_1999 = arith.constant 256 : index
      %get3A_2000 = tpu.vector_load %arg7[%get3A_1999] {strides = array<i32>} : memref<512xf32, #tpu.memory_space<vmem>>, vector<16xf32>,
      %get3A_2001 = arith.constant 7 : i32
      %get3A_2002 = arith.index_cast %get3A_2001 : i32 to index
      %get3A_2003 = arith.constant 256 : index
      %get3A_2004 = tpu.vector_load %arg8[%get3A_2002, %get3A_2003] {strides = array<i32>} : memref<8x512xf32, #tpu.memory_space<vmem>>, vector<16xf32>,
      %mul3A_2005 = arith.mulf %get3A_2000, %get3A_2004 : vector<16xf32>
      %add3A_2006 = arith.addf %add3A_1998, %mul3A_2005 : vector<16xf32>
      %get3A_2007 = arith.constant 272 : index
      %get3A_2008 = tpu.vector_load %arg7[%get3A_2007] {strides = array<i32>} : memref<512xf32, #tpu.memory_space<vmem>>, vector<16xf32>,
      %get3A_2009 = arith.constant 7 : i32
      %get3A_2010 = arith.index_cast %get3A_2009 : i32 to index
      %get3A_2011 = arith.constant 272 : index
      %get3A_2012 = tpu.vector_load %arg8[%get3A_2010, %get3A_2011] {strides = array<i32>} : memref<8x512xf32, #tpu.memory_space<vmem>>, vector<16xf32>,
      %mul3A_2013 = arith.mulf %get3A_2008, %get3A_2012 : vector<16xf32>
      %add3A_2014 = arith.addf %add3A_2006, %mul3A_2013 : vector<16xf32>
      %get3A_2015 = arith.constant 288 : index
      %get3A_2016 = tpu.vector_load %arg7[%get3A_2015] {strides = array<i32>} : memref<512xf32, #tpu.memory_space<vmem>>, vector<16xf32>,
      %get3A_2017 = arith.constant 7 : i32
      %get3A_2018 = arith.index_cast %get3A_2017 : i32 to index
      %get3A_2019 = arith.constant 288 : index
      %get3A_2020 = tpu.vector_load %arg8[%get3A_2018, %get3A_2019] {strides = array<i32>} : memref<8x512xf32, #tpu.memory_space<vmem>>, vector<16xf32>,
      %mul3A_2021 = arith.mulf %get3A_2016, %get3A_2020 : vector<16xf32>
      %add3A_2022 = arith.addf %add3A_2014, %mul3A_2021 : vector<16xf32>
      %get3A_2023 = arith.constant 304 : index
      %get3A_2024 = tpu.vector_load %arg7[%get3A_2023] {strides = array<i32>} : memref<512xf32, #tpu.memory_space<vmem>>, vector<16xf32>,
      %get3A_2025 = arith.constant 7 : i32
      %get3A_2026 = arith.index_cast %get3A_2025 : i32 to index
      %get3A_2027 = arith.constant 304 : index
      %get3A_2028 = tpu.vector_load %arg8[%get3A_2026, %get3A_2027] {strides = array<i32>} : memref<8x512xf32, #tpu.memory_space<vmem>>, vector<16xf32>,
      %mul3A_2029 = arith.mulf %get3A_2024, %get3A_2028 : vector<16xf32>
      %add3A_2030 = arith.addf %add3A_2022, %mul3A_2029 : vector<16xf32>
      %get3A_2031 = arith.constant 320 : index
      %get3A_2032 = tpu.vector_load %arg7[%get3A_2031] {strides = array<i32>} : memref<512xf32, #tpu.memory_space<vmem>>, vector<16xf32>,
      %get3A_2033 = arith.constant 7 : i32
      %get3A_2034 = arith.index_cast %get3A_2033 : i32 to index
      %get3A_2035 = arith.constant 320 : index
      %get3A_2036 = tpu.vector_load %arg8[%get3A_2034, %get3A_2035] {strides = array<i32>} : memref<8x512xf32, #tpu.memory_space<vmem>>, vector<16xf32>,
      %mul3A_2037 = arith.mulf %get3A_2032, %get3A_2036 : vector<16xf32>
      %add3A_2038 = arith.addf %add3A_2030, %mul3A_2037 : vector<16xf32>
      %get3A_2039 = arith.constant 336 : index
      %get3A_2040 = tpu.vector_load %arg7[%get3A_2039] {strides = array<i32>} : memref<512xf32, #tpu.memory_space<vmem>>, vector<16xf32>,
      %get3A_2041 = arith.constant 7 : i32
      %get3A_2042 = arith.index_cast %get3A_2041 : i32 to index
      %get3A_2043 = arith.constant 336 : index
      %get3A_2044 = tpu.vector_load %arg8[%get3A_2042, %get3A_2043] {strides = array<i32>} : memref<8x512xf32, #tpu.memory_space<vmem>>, vector<16xf32>,
      %mul3A_2045 = arith.mulf %get3A_2040, %get3A_2044 : vector<16xf32>
      %add3A_2046 = arith.addf %add3A_2038, %mul3A_2045 : vector<16xf32>
      %get3A_2047 = arith.constant 352 : index
      %get3A_2048 = tpu.vector_load %arg7[%get3A_2047] {strides = array<i32>} : memref<512xf32, #tpu.memory_space<vmem>>, vector<16xf32>,
      %get3A_2049 = arith.constant 7 : i32
      %get3A_2050 = arith.index_cast %get3A_2049 : i32 to index
      %get3A_2051 = arith.constant 352 : index
      %get3A_2052 = tpu.vector_load %arg8[%get3A_2050, %get3A_2051] {strides = array<i32>} : memref<8x512xf32, #tpu.memory_space<vmem>>, vector<16xf32>,
      %mul3A_2053 = arith.mulf %get3A_2048, %get3A_2052 : vector<16xf32>
      %add3A_2054 = arith.addf %add3A_2046, %mul3A_2053 : vector<16xf32>
      %get3A_2055 = arith.constant 368 : index
      %get3A_2056 = tpu.vector_load %arg7[%get3A_2055] {strides = array<i32>} : memref<512xf32, #tpu.memory_space<vmem>>, vector<16xf32>,
      %get3A_2057 = arith.constant 7 : i32
      %get3A_2058 = arith.index_cast %get3A_2057 : i32 to index
      %get3A_2059 = arith.constant 368 : index
      %get3A_2060 = tpu.vector_load %arg8[%get3A_2058, %get3A_2059] {strides = array<i32>} : memref<8x512xf32, #tpu.memory_space<vmem>>, vector<16xf32>,
      %mul3A_2061 = arith.mulf %get3A_2056, %get3A_2060 : vector<16xf32>
      %add3A_2062 = arith.addf %add3A_2054, %mul3A_2061 : vector<16xf32>
      %get3A_2063 = arith.constant 384 : index
      %get3A_2064 = tpu.vector_load %arg7[%get3A_2063] {strides = array<i32>} : memref<512xf32, #tpu.memory_space<vmem>>, vector<16xf32>,
      %get3A_2065 = arith.constant 7 : i32
      %get3A_2066 = arith.index_cast %get3A_2065 : i32 to index
      %get3A_2067 = arith.constant 384 : index
      %get3A_2068 = tpu.vector_load %arg8[%get3A_2066, %get3A_2067] {strides = array<i32>} : memref<8x512xf32, #tpu.memory_space<vmem>>, vector<16xf32>,
      %mul3A_2069 = arith.mulf %get3A_2064, %get3A_2068 : vector<16xf32>
      %add3A_2070 = arith.addf %add3A_2062, %mul3A_2069 : vector<16xf32>
      %get3A_2071 = arith.constant 400 : index
      %get3A_2072 = tpu.vector_load %arg7[%get3A_2071] {strides = array<i32>} : memref<512xf32, #tpu.memory_space<vmem>>, vector<16xf32>,
      %get3A_2073 = arith.constant 7 : i32
      %get3A_2074 = arith.index_cast %get3A_2073 : i32 to index
      %get3A_2075 = arith.constant 400 : index
      %get3A_2076 = tpu.vector_load %arg8[%get3A_2074, %get3A_2075] {strides = array<i32>} : memref<8x512xf32, #tpu.memory_space<vmem>>, vector<16xf32>,
      %mul3A_2077 = arith.mulf %get3A_2072, %get3A_2076 : vector<16xf32>
      %add3A_2078 = arith.addf %add3A_2070, %mul3A_2077 : vector<16xf32>
      %get3A_2079 = arith.constant 416 : index
      %get3A_2080 = tpu.vector_load %arg7[%get3A_2079] {strides = array<i32>} : memref<512xf32, #tpu.memory_space<vmem>>, vector<16xf32>,
      %get3A_2081 = arith.constant 7 : i32
      %get3A_2082 = arith.index_cast %get3A_2081 : i32 to index
      %get3A_2083 = arith.constant 416 : index
      %get3A_2084 = tpu.vector_load %arg8[%get3A_2082, %get3A_2083] {strides = array<i32>} : memref<8x512xf32, #tpu.memory_space<vmem>>, vector<16xf32>,
      %mul3A_2085 = arith.mulf %get3A_2080, %get3A_2084 : vector<16xf32>
      %add3A_2086 = arith.addf %add3A_2078, %mul3A_2085 : vector<16xf32>
      %get3A_2087 = arith.constant 432 : index
      %get3A_2088 = tpu.vector_load %arg7[%get3A_2087] {strides = array<i32>} : memref<512xf32, #tpu.memory_space<vmem>>, vector<16xf32>,
      %get3A_2089 = arith.constant 7 : i32
      %get3A_2090 = arith.index_cast %get3A_2089 : i32 to index
      %get3A_2091 = arith.constant 432 : index
      %get3A_2092 = tpu.vector_load %arg8[%get3A_2090, %get3A_2091] {strides = array<i32>} : memref<8x512xf32, #tpu.memory_space<vmem>>, vector<16xf32>,
      %mul3A_2093 = arith.mulf %get3A_2088, %get3A_2092 : vector<16xf32>
      %add3A_2094 = arith.addf %add3A_2086, %mul3A_2093 : vector<16xf32>
      %get3A_2095 = arith.constant 448 : index
      %get3A_2096 = tpu.vector_load %arg7[%get3A_2095] {strides = array<i32>} : memref<512xf32, #tpu.memory_space<vmem>>, vector<16xf32>,
      %get3A_2097 = arith.constant 7 : i32
      %get3A_2098 = arith.index_cast %get3A_2097 : i32 to index
      %get3A_2099 = arith.constant 448 : index
      %get3A_2100 = tpu.vector_load %arg8[%get3A_2098, %get3A_2099] {strides = array<i32>} : memref<8x512xf32, #tpu.memory_space<vmem>>, vector<16xf32>,
      %mul3A_2101 = arith.mulf %get3A_2096, %get3A_2100 : vector<16xf32>
      %add3A_2102 = arith.addf %add3A_2094, %mul3A_2101 : vector<16xf32>
      %get3A_2103 = arith.constant 464 : index
      %get3A_2104 = tpu.vector_load %arg7[%get3A_2103] {strides = array<i32>} : memref<512xf32, #tpu.memory_space<vmem>>, vector<16xf32>,
      %get3A_2105 = arith.constant 7 : i32
      %get3A_2106 = arith.index_cast %get3A_2105 : i32 to index
      %get3A_2107 = arith.constant 464 : index
      %get3A_2108 = tpu.vector_load %arg8[%get3A_2106, %get3A_2107] {strides = array<i32>} : memref<8x512xf32, #tpu.memory_space<vmem>>, vector<16xf32>,
      %mul3A_2109 = arith.mulf %get3A_2104, %get3A_2108 : vector<16xf32>
      %add3A_2110 = arith.addf %add3A_2102, %mul3A_2109 : vector<16xf32>
      %get3A_2111 = arith.constant 480 : index
      %get3A_2112 = tpu.vector_load %arg7[%get3A_2111] {strides = array<i32>} : memref<512xf32, #tpu.memory_space<vmem>>, vector<16xf32>,
      %get3A_2113 = arith.constant 7 : i32
      %get3A_2114 = arith.index_cast %get3A_2113 : i32 to index
      %get3A_2115 = arith.constant 480 : index
      %get3A_2116 = tpu.vector_load %arg8[%get3A_2114, %get3A_2115] {strides = array<i32>} : memref<8x512xf32, #tpu.memory_space<vmem>>, vector<16xf32>,
      %mul3A_2117 = arith.mulf %get3A_2112, %get3A_2116 : vector<16xf32>
      %add3A_2118 = arith.addf %add3A_2110, %mul3A_2117 : vector<16xf32>
      %get3A_2119 = arith.constant 496 : index
      %get3A_2120 = tpu.vector_load %arg7[%get3A_2119] {strides = array<i32>} : memref<512xf32, #tpu.memory_space<vmem>>, vector<16xf32>,
      %get3A_2121 = arith.constant 7 : i32
      %get3A_2122 = arith.index_cast %get3A_2121 : i32 to index
      %get3A_2123 = arith.constant 496 : index
      %get3A_2124 = tpu.vector_load %arg8[%get3A_2122, %get3A_2123] {strides = array<i32>} : memref<8x512xf32, #tpu.memory_space<vmem>>, vector<16xf32>,
      %mul3A_2125 = arith.mulf %get3A_2120, %get3A_2124 : vector<16xf32>
      %add3A_2126 = arith.addf %add3A_2118, %mul3A_2125 : vector<16xf32>
      %reduce_sum3A_2127 = arith.constant true
      %reduce_sum3A_2128 = vector.broadcast %reduce_sum3A_2127 : i1 to vector<16xi1>
      %reduce_sum3A_2129 = tpu.scan <sum>, %add3A_2126 masked %reduce_sum3A_2128 : vector<16xf32>, vector<16xi1> -> vector<16xf32>
      %reduce_sum3A_2130 = vector.extract %reduce_sum3A_2129[15] : f32 from vector<16xf32>
      %eq3A_2131 = arith.constant 7 : i32
      %eq3A_2132 = vector.broadcast %eq3A_2131 : i32 to vector<16xi32>
      %eq3A_2133 = arith.cmpi eq, %iota3A, %eq3A_2132 : vector<16xi32>
      %broadcast_in_dim3A_2134 = vector.broadcast %reduce_sum3A_2130 : f32 to vector<16xf32>
      %select_n3A_2135 = arith.select %eq3A_2133, %broadcast_in_dim3A_2134, %select_n3A_1868 : vector<16xi1>, vector<16xf32>
      %get3A_2136 = arith.constant 0 : index
      %get3A_2137 = tpu.vector_load %arg9[%get3A_2136] {strides = array<i32>} : memref<128xf32, #tpu.memory_space<vmem>>, vector<16xf32>,
      %add3A_2138 = arith.addf %select_n3A_2135, %get3A_2137 : vector<16xf32>
      %reduce_max3A = arith.constant true
      %reduce_max3A_2139 = vector.broadcast %reduce_max3A : i1 to vector<16xi1>
      %reduce_max3A_2140 = tpu.scan <max>, %add3A_2138 masked %reduce_max3A_2139 : vector<16xf32>, vector<16xi1> -> vector<16xf32>
      %reduce_max3A_2141 = vector.extract %reduce_max3A_2140[15] : f32 from vector<16xf32>
      %sub3A = vector.broadcast %reduce_max3A_2141 : f32 to vector<16xf32>
      %sub3A_2142 = arith.subf %add3A_2138, %sub3A : vector<16xf32>
      %exp3A = math.exp %sub3A_2142 : vector<16xf32>
      %reduce_sum3A_2143 = arith.constant true
      %reduce_sum3A_2144 = vector.broadcast %reduce_sum3A_2143 : i1 to vector<16xi1>
      %reduce_sum3A_2145 = tpu.scan <sum>, %exp3A masked %reduce_sum3A_2144 : vector<16xf32>, vector<16xi1> -> vector<16xf32>
      %reduce_sum3A_2146 = vector.extract %reduce_sum3A_2145[15] : f32 from vector<16xf32>
      %div3A = vector.broadcast %reduce_sum3A_2146 : f32 to vector<16xf32>
      %div3A_2147 = arith.divf %exp3A, %div3A : vector<16xf32>
      %masked_sort3A = arith.constant dense<true> : vector<16xi1>
      %masked_sort3A_2148, %masked_sort3A_2149, %masked_sort3A_2150 = tpu.sort %div3A_2147, %iota3A masked %masked_sort3A {descending = true} : (vector<16xf32>, vector<16xi32>, vector<16xi1>) -> (vector<16xi1>, vector<16xf32>, vector<16xi32>)
      %swap3A = arith.constant 0 : index
      %swap3A_2151 = tpu.vector_load %arg11[%swap3A] {strides = array<i32>} : memref<128xf32, #tpu.memory_space<vmem>>, vector<16xf32>,
      tpu.vector_store %arg11[%swap3A], %masked_sort3A_2149 {strides = array<i32>} : memref<128xf32, #tpu.memory_space<vmem>>, vector<16xf32>,
      %swap3A_2152 = arith.constant 0 : index
      %swap3A_2153 = tpu.vector_load %arg10[%swap3A_2152] {strides = array<i32>} : memref<128xi32, #tpu.memory_space<vmem>>, vector<16xi32>,
      tpu.vector_store %arg10[%swap3A_2152], %masked_sort3A_2150 {strides = array<i32>} : memref<128xi32, #tpu.memory_space<vmem>>, vector<16xi32>,
      %swap3A_2154 = arith.constant 16 : index
      %swap3A_2155 = tpu.vector_load %arg11[%swap3A_2154] {strides = array<i32>} : memref<128xf32, #tpu.memory_space<vmem>>, vector<16xf32>,
      tpu.vector_store %arg11[%swap3A_2154], %masked_sort3A_2149 {strides = array<i32>} : memref<128xf32, #tpu.memory_space<vmem>>, vector<16xf32>,
      %swap3A_2156 = arith.constant 16 : index
      %swap3A_2157 = tpu.vector_load %arg10[%swap3A_2156] {strides = array<i32>} : memref<128xi32, #tpu.memory_space<vmem>>, vector<16xi32>,
      tpu.vector_store %arg10[%swap3A_2156], %masked_sort3A_2150 {strides = array<i32>} : memref<128xi32, #tpu.memory_space<vmem>>, vector<16xi32>,
      %swap3A_2158 = arith.constant 32 : index
      %swap3A_2159 = tpu.vector_load %arg11[%swap3A_2158] {strides = array<i32>} : memref<128xf32, #tpu.memory_space<vmem>>, vector<16xf32>,
      tpu.vector_store %arg11[%swap3A_2158], %masked_sort3A_2149 {strides = array<i32>} : memref<128xf32, #tpu.memory_space<vmem>>, vector<16xf32>,
      %swap3A_2160 = arith.constant 32 : index
      %swap3A_2161 = tpu.vector_load %arg10[%swap3A_2160] {strides = array<i32>} : memref<128xi32, #tpu.memory_space<vmem>>, vector<16xi32>,
      tpu.vector_store %arg10[%swap3A_2160], %masked_sort3A_2150 {strides = array<i32>} : memref<128xi32, #tpu.memory_space<vmem>>, vector<16xi32>,
      %swap3A_2162 = arith.constant 48 : index
      %swap3A_2163 = tpu.vector_load %arg11[%swap3A_2162] {strides = array<i32>} : memref<128xf32, #tpu.memory_space<vmem>>, vector<16xf32>,
      tpu.vector_store %arg11[%swap3A_2162], %masked_sort3A_2149 {strides = array<i32>} : memref<128xf32, #tpu.memory_space<vmem>>, vector<16xf32>,
      %swap3A_2164 = arith.constant 48 : index
      %swap3A_2165 = tpu.vector_load %arg10[%swap3A_2164] {strides = array<i32>} : memref<128xi32, #tpu.memory_space<vmem>>, vector<16xi32>,
      tpu.vector_store %arg10[%swap3A_2164], %masked_sort3A_2150 {strides = array<i32>} : memref<128xi32, #tpu.memory_space<vmem>>, vector<16xi32>,
      %swap3A_2166 = arith.constant 64 : index
      %swap3A_2167 = tpu.vector_load %arg11[%swap3A_2166] {strides = array<i32>} : memref<128xf32, #tpu.memory_space<vmem>>, vector<16xf32>,
      tpu.vector_store %arg11[%swap3A_2166], %masked_sort3A_2149 {strides = array<i32>} : memref<128xf32, #tpu.memory_space<vmem>>, vector<16xf32>,
      %swap3A_2168 = arith.constant 64 : index
      %swap3A_2169 = tpu.vector_load %arg10[%swap3A_2168] {strides = array<i32>} : memref<128xi32, #tpu.memory_space<vmem>>, vector<16xi32>,
      tpu.vector_store %arg10[%swap3A_2168], %masked_sort3A_2150 {strides = array<i32>} : memref<128xi32, #tpu.memory_space<vmem>>, vector<16xi32>,
      %swap3A_2170 = arith.constant 80 : index
      %swap3A_2171 = tpu.vector_load %arg11[%swap3A_2170] {strides = array<i32>} : memref<128xf32, #tpu.memory_space<vmem>>, vector<16xf32>,
      tpu.vector_store %arg11[%swap3A_2170], %masked_sort3A_2149 {strides = array<i32>} : memref<128xf32, #tpu.memory_space<vmem>>, vector<16xf32>,
      %swap3A_2172 = arith.constant 80 : index
      %swap3A_2173 = tpu.vector_load %arg10[%swap3A_2172] {strides = array<i32>} : memref<128xi32, #tpu.memory_space<vmem>>, vector<16xi32>,
      tpu.vector_store %arg10[%swap3A_2172], %masked_sort3A_2150 {strides = array<i32>} : memref<128xi32, #tpu.memory_space<vmem>>, vector<16xi32>,
      %swap3A_2174 = arith.constant 96 : index
      %swap3A_2175 = tpu.vector_load %arg11[%swap3A_2174] {strides = array<i32>} : memref<128xf32, #tpu.memory_space<vmem>>, vector<16xf32>,
      tpu.vector_store %arg11[%swap3A_2174], %masked_sort3A_2149 {strides = array<i32>} : memref<128xf32, #tpu.memory_space<vmem>>, vector<16xf32>,
      %swap3A_2176 = arith.constant 96 : index
      %swap3A_2177 = tpu.vector_load %arg10[%swap3A_2176] {strides = array<i32>} : memref<128xi32, #tpu.memory_space<vmem>>, vector<16xi32>,
      tpu.vector_store %arg10[%swap3A_2176], %masked_sort3A_2150 {strides = array<i32>} : memref<128xi32, #tpu.memory_space<vmem>>, vector<16xi32>,
      %swap3A_2178 = arith.constant 112 : index
      %swap3A_2179 = tpu.vector_load %arg11[%swap3A_2178] {strides = array<i32>} : memref<128xf32, #tpu.memory_space<vmem>>, vector<16xf32>,
      tpu.vector_store %arg11[%swap3A_2178], %masked_sort3A_2149 {strides = array<i32>} : memref<128xf32, #tpu.memory_space<vmem>>, vector<16xf32>,
      %swap3A_2180 = arith.constant 112 : index
      %swap3A_2181 = tpu.vector_load %arg10[%swap3A_2180] {strides = array<i32>} : memref<128xi32, #tpu.memory_space<vmem>>, vector<16xi32>,
      tpu.vector_store %arg10[%swap3A_2180], %masked_sort3A_2150 {strides = array<i32>} : memref<128xi32, #tpu.memory_space<vmem>>, vector<16xi32>,
      "tpu.region"() ({
        %run_scoped3A = tpu.sem_alloc : memref<!tpu.dma_semaphore, #tpu.memory_space<semaphore_mem>>
        %dma_start3A = arith.constant 0 : i32
        %dma_start3A_2182 = tpu.memref_slice %arg6[%add3A, %dma_start3A] : memref<4x128xf32, #tpu.memory_space<hbm>> -> memref<1x128xf32, #tpu.memory_space<hbm>>
        %dma_start3A_2183 = tpu.memref_squeeze %dma_start3A_2182 : memref<1x128xf32, #tpu.memory_space<hbm>> -> memref<128xf32, #tpu.memory_space<hbm>>
        %dma_start3A_2184 = arith.constant 0 : i32
        %dma_start3A_2185 = tpu.memref_slice %arg6[%add3A, %dma_start3A_2184] : memref<4x128xf32, #tpu.memory_space<hbm>> -> memref<1x128xf32, #tpu.memory_space<hbm>>
        %dma_start3A_2186 = tpu.memref_squeeze %dma_start3A_2185 : memref<1x128xf32, #tpu.memory_space<hbm>> -> memref<128xf32, #tpu.memory_space<hbm>>
        tpu.enqueue_dma source(%arg11 : memref<128xf32, #tpu.memory_space<vmem>>) target(%dma_start3A_2186 : memref<128xf32, #tpu.memory_space<hbm>>) target_semaphore(%run_scoped3A : memref<!tpu.dma_semaphore, #tpu.memory_space<semaphore_mem>>)
        %dma_wait3A = arith.constant 0 : i32
        %dma_wait3A_2187 = tpu.memref_slice %arg6[%add3A, %dma_wait3A] : memref<4x128xf32, #tpu.memory_space<hbm>> -> memref<1x128xf32, #tpu.memory_space<hbm>>
        %dma_wait3A_2188 = tpu.memref_squeeze %dma_wait3A_2187 : memref<1x128xf32, #tpu.memory_space<hbm>> -> memref<128xf32, #tpu.memory_space<hbm>>
        %dma_wait3A_2189 = arith.constant 0 : i32
        %dma_wait3A_2190 = tpu.memref_slice %arg6[%add3A, %dma_wait3A_2189] : memref<4x128xf32, #tpu.memory_space<hbm>> -> memref<1x128xf32, #tpu.memory_space<hbm>>
        %dma_wait3A_2191 = tpu.memref_squeeze %dma_wait3A_2190 : memref<1x128xf32, #tpu.memory_space<hbm>> -> memref<128xf32, #tpu.memory_space<hbm>>
        tpu.wait_dma2 semaphore(%run_scoped3A : memref<!tpu.dma_semaphore, #tpu.memory_space<semaphore_mem>>) src(%arg11 : memref<128xf32, #tpu.memory_space<vmem>>) dst(%dma_wait3A_2191 : memref<128xf32, #tpu.memory_space<hbm>>)
        tpu.yield
      }) : () -> ()
      "tpu.region"() ({
        %run_scoped3A = tpu.sem_alloc : memref<!tpu.dma_semaphore, #tpu.memory_space<semaphore_mem>>
        %dma_start3A = arith.constant 0 : i32
        %dma_start3A_2182 = tpu.memref_slice %arg5[%add3A, %dma_start3A] : memref<4x128xi32, #tpu.memory_space<hbm>> -> memref<1x128xi32, #tpu.memory_space<hbm>>
        %dma_start3A_2183 = tpu.memref_squeeze %dma_start3A_2182 : memref<1x128xi32, #tpu.memory_space<hbm>> -> memref<128xi32, #tpu.memory_space<hbm>>
        %dma_start3A_2184 = arith.constant 0 : i32
        %dma_start3A_2185 = tpu.memref_slice %arg5[%add3A, %dma_start3A_2184] : memref<4x128xi32, #tpu.memory_space<hbm>> -> memref<1x128xi32, #tpu.memory_space<hbm>>
        %dma_start3A_2186 = tpu.memref_squeeze %dma_start3A_2185 : memref<1x128xi32, #tpu.memory_space<hbm>> -> memref<128xi32, #tpu.memory_space<hbm>>
        tpu.enqueue_dma source(%arg10 : memref<128xi32, #tpu.memory_space<vmem>>) target(%dma_start3A_2186 : memref<128xi32, #tpu.memory_space<hbm>>) target_semaphore(%run_scoped3A : memref<!tpu.dma_semaphore, #tpu.memory_space<semaphore_mem>>)
        %dma_wait3A = arith.constant 0 : i32
        %dma_wait3A_2187 = tpu.memref_slice %arg5[%add3A, %dma_wait3A] : memref<4x128xi32, #tpu.memory_space<hbm>> -> memref<1x128xi32, #tpu.memory_space<hbm>>
        %dma_wait3A_2188 = tpu.memref_squeeze %dma_wait3A_2187 : memref<1x128xi32, #tpu.memory_space<hbm>> -> memref<128xi32, #tpu.memory_space<hbm>>
        %dma_wait3A_2189 = arith.constant 0 : i32
        %dma_wait3A_2190 = tpu.memref_slice %arg5[%add3A, %dma_wait3A_2189] : memref<4x128xi32, #tpu.memory_space<hbm>> -> memref<1x128xi32, #tpu.memory_space<hbm>>
        %dma_wait3A_2191 = tpu.memref_squeeze %dma_wait3A_2190 : memref<1x128xi32, #tpu.memory_space<hbm>> -> memref<128xi32, #tpu.memory_space<hbm>>
        tpu.wait_dma2 semaphore(%run_scoped3A : memref<!tpu.dma_semaphore, #tpu.memory_space<semaphore_mem>>) src(%arg10 : memref<128xi32, #tpu.memory_space<vmem>>) dst(%dma_wait3A_2191 : memref<128xi32, #tpu.memory_space<hbm>>)
        tpu.yield
      }) : () -> ()
    } else {
    }
    return
  }
}

module attributes {stable_mosaic.version = 14 : i64} {
  func.func @_moe_body(%arg0: i32, %arg1: memref<4x2xi32, #tpu.memory_space<smem>>, %arg2: memref<4x2xf32, #tpu.memory_space<smem>>, %arg3: memref<1x96x3364xbf16, #tpu.memory_space<vmem>>, %arg4: memref<1x1x3364xf32, #tpu.memory_space<vmem>>, %arg5: memref<1x96x864xbf16, #tpu.memory_space<vmem>>, %arg6: memref<1x96x864xbf16, #tpu.memory_space<vmem>>, %arg7: memref<1x96x1xf32, #tpu.memory_space<vmem>>, %arg8: memref<1x96x1xf32, #tpu.memory_space<vmem>>, %arg9: memref<1x96x864xbf16, #tpu.memory_space<vmem>>, %arg10: memref<1x96x864xbf16, #tpu.memory_space<vmem>>, %arg11: memref<1x96x1xf32, #tpu.memory_space<vmem>>, %arg12: memref<1x96x1xf32, #tpu.memory_space<vmem>>, %arg13: memref<1x96x3364xf32, #tpu.memory_space<vmem>>, %arg14: memref<96x3584xbf16, #tpu.memory_space<vmem>>, %arg15: memref<864x3364xbf16, #tpu.memory_space<vmem>>, %arg16: memref<192x3584xbf16, #tpu.memory_space<vmem>>, %arg17: memref<864x3364xbf16, #tpu.memory_space<vmem>>, %arg18: memref<864x3364xbf16, #tpu.memory_space<vmem>>) attributes {dimension_semantics = [#tpu.dimension_semantics<arbitrary>], iteration_bounds = array<i64: 4>, scalar_prefetch = 2 : i64, scratch_operands = 5 : i64, tpu.core_type = #tpu.core_type<tc>, window_params = [{transform_indices = @transform_0, window_bounds = array<i64: 1, 96, 3364>}, {pipeline_mode = #tpu.pipeline_mode<synchronous>, transform_indices = @transform_1, window_bounds = array<i64: 1, 1, 3364>}, {transform_indices = @transform_2, window_bounds = array<i64: 1, 96, 864>}, {transform_indices = @transform_3, window_bounds = array<i64: 1, 96, 864>}, {transform_indices = @transform_4, window_bounds = array<i64: 1, 96, 1>}, {transform_indices = @transform_5, window_bounds = array<i64: 1, 96, 1>}, {transform_indices = @transform_6, window_bounds = array<i64: 1, 96, 864>}, {transform_indices = @transform_7, window_bounds = array<i64: 1, 96, 864>}, {transform_indices = @transform_8, window_bounds = array<i64: 1, 96, 1>}, {transform_indices = @transform_9, window_bounds = array<i64: 1, 96, 1>}, {transform_indices = @transform_10, window_bounds = array<i64: 1, 96, 3364>}]} {
    %get3A = arith.index_cast %arg0 : i32 to index
    %get3A_0 = arith.constant 0 : index
    %get3A_1 = memref.load %arg2[%get3A, %get3A_0] : memref<4x2xf32, #tpu.memory_space<smem>>
    %get3A_2 = arith.index_cast %arg0 : i32 to index
    %get3A_3 = arith.constant 1 : index
    %get3A_4 = memref.load %arg2[%get3A_2, %get3A_3] : memref<4x2xf32, #tpu.memory_space<smem>>
    %eq3A = arith.constant 0 : i32
    %eq3A_5 = arith.cmpi eq, %arg0, %eq3A : i32
    %convert_element_type3A = arith.extui %eq3A_5 : i1 to i32
    %cond3A = arith.constant 0 : i32
    %cond3A_6 = arith.cmpi ne, %convert_element_type3A, %cond3A : i32
    scf.if %cond3A_6 {
      %broadcast_in_dim3A_276 = arith.constant 0.000000e+00 : bf16
      %broadcast_in_dim3A_277 = vector.broadcast %broadcast_in_dim3A_276 : bf16 to vector<96x3584xbf16>
      %swap3A_278 = arith.constant 0 : index
      %swap3A_279 = arith.constant 0 : index
      %swap3A_280 = vector.load %arg14[%swap3A_278, %swap3A_279] : memref<96x3584xbf16, #tpu.memory_space<vmem>>, vector<96x3584xbf16>
      tpu.vector_store %arg14[%swap3A_278, %swap3A_279], %broadcast_in_dim3A_277 {strides = array<i32>} : memref<96x3584xbf16, #tpu.memory_space<vmem>>, vector<96x3584xbf16>,
      %broadcast_in_dim3A_281 = arith.constant 0.000000e+00 : bf16
      %broadcast_in_dim3A_282 = vector.broadcast %broadcast_in_dim3A_281 : bf16 to vector<192x3584xbf16>
      %swap3A_283 = arith.constant 0 : index
      %swap3A_284 = arith.constant 0 : index
      %swap3A_285 = vector.load %arg16[%swap3A_283, %swap3A_284] : memref<192x3584xbf16, #tpu.memory_space<vmem>>, vector<192x3584xbf16>
      tpu.vector_store %arg16[%swap3A_283, %swap3A_284], %broadcast_in_dim3A_282 {strides = array<i32>} : memref<192x3584xbf16, #tpu.memory_space<vmem>>, vector<192x3584xbf16>,
    } else {
    }
    %get3A_7 = arith.constant 0 : index
    %get3A_8 = arith.constant 0 : index
    %get3A_9 = arith.constant 0 : index
    %get3A_10 = vector.load %arg3[%get3A_7, %get3A_8, %get3A_9] : memref<1x96x3364xbf16, #tpu.memory_space<vmem>>, vector<1x96x3364xbf16>
    %get3A_11 = vector.shape_cast %get3A_10 : vector<1x96x3364xbf16> to vector<96x3364xbf16>
    %swap3A = arith.constant 0 : index
    %swap3A_12 = arith.constant 59 : index
    %swap3A_13 = vector.load %arg14[%swap3A, %swap3A_12] : memref<96x3584xbf16, #tpu.memory_space<vmem>>, vector<96x3364xbf16>
    tpu.vector_store %arg14[%swap3A, %swap3A_12], %get3A_11 {strides = array<i32>} : memref<96x3584xbf16, #tpu.memory_space<vmem>>, vector<96x3364xbf16>,
    %get3A_14 = arith.constant 0 : index
    %get3A_15 = arith.constant 0 : index
    %get3A_16 = vector.load %arg14[%get3A_14, %get3A_15] : memref<96x3584xbf16, #tpu.memory_space<vmem>>, vector<96x3364xbf16>
    %swap3A_17 = arith.constant 0 : index
    %swap3A_18 = arith.constant 0 : index
    %swap3A_19 = vector.load %arg15[%swap3A_17, %swap3A_18] : memref<864x3364xbf16, #tpu.memory_space<vmem>>, vector<96x3364xbf16>
    tpu.vector_store %arg15[%swap3A_17, %swap3A_18], %get3A_16 {strides = array<i32>} : memref<864x3364xbf16, #tpu.memory_space<vmem>>, vector<96x3364xbf16>,
    %get3A_20 = arith.constant 0 : index
    %get3A_21 = arith.constant 1 : index
    %get3A_22 = vector.load %arg14[%get3A_20, %get3A_21] : memref<96x3584xbf16, #tpu.memory_space<vmem>>, vector<96x3364xbf16>
    %swap3A_23 = arith.constant 96 : index
    %swap3A_24 = arith.constant 0 : index
    %swap3A_25 = vector.load %arg15[%swap3A_23, %swap3A_24] : memref<864x3364xbf16, #tpu.memory_space<vmem>>, vector<96x3364xbf16>
    tpu.vector_store %arg15[%swap3A_23, %swap3A_24], %get3A_22 {strides = array<i32>} : memref<864x3364xbf16, #tpu.memory_space<vmem>>, vector<96x3364xbf16>,
    %get3A_26 = arith.constant 0 : index
    %get3A_27 = arith.constant 2 : index
    %get3A_28 = vector.load %arg14[%get3A_26, %get3A_27] : memref<96x3584xbf16, #tpu.memory_space<vmem>>, vector<96x3364xbf16>
    %swap3A_29 = arith.constant 192 : index
    %swap3A_30 = arith.constant 0 : index
    %swap3A_31 = vector.load %arg15[%swap3A_29, %swap3A_30] : memref<864x3364xbf16, #tpu.memory_space<vmem>>, vector<96x3364xbf16>
    tpu.vector_store %arg15[%swap3A_29, %swap3A_30], %get3A_28 {strides = array<i32>} : memref<864x3364xbf16, #tpu.memory_space<vmem>>, vector<96x3364xbf16>,
    %get3A_32 = arith.constant 0 : index
    %get3A_33 = arith.constant 58 : index
    %get3A_34 = vector.load %arg14[%get3A_32, %get3A_33] : memref<96x3584xbf16, #tpu.memory_space<vmem>>, vector<96x3364xbf16>
    %swap3A_35 = arith.constant 288 : index
    %swap3A_36 = arith.constant 0 : index
    %swap3A_37 = vector.load %arg15[%swap3A_35, %swap3A_36] : memref<864x3364xbf16, #tpu.memory_space<vmem>>, vector<96x3364xbf16>
    tpu.vector_store %arg15[%swap3A_35, %swap3A_36], %get3A_34 {strides = array<i32>} : memref<864x3364xbf16, #tpu.memory_space<vmem>>, vector<96x3364xbf16>,
    %get3A_38 = arith.constant 0 : index
    %get3A_39 = arith.constant 59 : index
    %get3A_40 = vector.load %arg14[%get3A_38, %get3A_39] : memref<96x3584xbf16, #tpu.memory_space<vmem>>, vector<96x3364xbf16>
    %swap3A_41 = arith.constant 384 : index
    %swap3A_42 = arith.constant 0 : index
    %swap3A_43 = vector.load %arg15[%swap3A_41, %swap3A_42] : memref<864x3364xbf16, #tpu.memory_space<vmem>>, vector<96x3364xbf16>
    tpu.vector_store %arg15[%swap3A_41, %swap3A_42], %get3A_40 {strides = array<i32>} : memref<864x3364xbf16, #tpu.memory_space<vmem>>, vector<96x3364xbf16>,
    %get3A_44 = arith.constant 0 : index
    %get3A_45 = arith.constant 60 : index
    %get3A_46 = vector.load %arg14[%get3A_44, %get3A_45] : memref<96x3584xbf16, #tpu.memory_space<vmem>>, vector<96x3364xbf16>
    %swap3A_47 = arith.constant 480 : index
    %swap3A_48 = arith.constant 0 : index
    %swap3A_49 = vector.load %arg15[%swap3A_47, %swap3A_48] : memref<864x3364xbf16, #tpu.memory_space<vmem>>, vector<96x3364xbf16>
    tpu.vector_store %arg15[%swap3A_47, %swap3A_48], %get3A_46 {strides = array<i32>} : memref<864x3364xbf16, #tpu.memory_space<vmem>>, vector<96x3364xbf16>,
    %get3A_50 = arith.constant 0 : index
    %get3A_51 = arith.constant 116 : index
    %get3A_52 = vector.load %arg14[%get3A_50, %get3A_51] : memref<96x3584xbf16, #tpu.memory_space<vmem>>, vector<96x3364xbf16>
    %swap3A_53 = arith.constant 576 : index
    %swap3A_54 = arith.constant 0 : index
    %swap3A_55 = vector.load %arg15[%swap3A_53, %swap3A_54] : memref<864x3364xbf16, #tpu.memory_space<vmem>>, vector<96x3364xbf16>
    tpu.vector_store %arg15[%swap3A_53, %swap3A_54], %get3A_52 {strides = array<i32>} : memref<864x3364xbf16, #tpu.memory_space<vmem>>, vector<96x3364xbf16>,
    %get3A_56 = arith.constant 0 : index
    %get3A_57 = arith.constant 117 : index
    %get3A_58 = vector.load %arg14[%get3A_56, %get3A_57] : memref<96x3584xbf16, #tpu.memory_space<vmem>>, vector<96x3364xbf16>
    %swap3A_59 = arith.constant 672 : index
    %swap3A_60 = arith.constant 0 : index
    %swap3A_61 = vector.load %arg15[%swap3A_59, %swap3A_60] : memref<864x3364xbf16, #tpu.memory_space<vmem>>, vector<96x3364xbf16>
    tpu.vector_store %arg15[%swap3A_59, %swap3A_60], %get3A_58 {strides = array<i32>} : memref<864x3364xbf16, #tpu.memory_space<vmem>>, vector<96x3364xbf16>,
    %get3A_62 = arith.constant 0 : index
    %get3A_63 = arith.constant 118 : index
    %get3A_64 = vector.load %arg14[%get3A_62, %get3A_63] : memref<96x3584xbf16, #tpu.memory_space<vmem>>, vector<96x3364xbf16>
    %swap3A_65 = arith.constant 768 : index
    %swap3A_66 = arith.constant 0 : index
    %swap3A_67 = vector.load %arg15[%swap3A_65, %swap3A_66] : memref<864x3364xbf16, #tpu.memory_space<vmem>>, vector<96x3364xbf16>
    tpu.vector_store %arg15[%swap3A_65, %swap3A_66], %get3A_64 {strides = array<i32>} : memref<864x3364xbf16, #tpu.memory_space<vmem>>, vector<96x3364xbf16>,
    %get3A_68 = arith.constant 0 : index
    %get3A_69 = arith.constant 0 : index
    %get3A_70 = arith.constant 0 : index
    %get3A_71 = vector.load %arg5[%get3A_68, %get3A_69, %get3A_70] : memref<1x96x864xbf16, #tpu.memory_space<vmem>>, vector<1x96x864xbf16>
    %get3A_72 = vector.shape_cast %get3A_71 : vector<1x96x864xbf16> to vector<96x864xbf16>
    %get3A_73 = arith.constant 0 : index
    %get3A_74 = arith.constant 0 : index
    %get3A_75 = vector.load %arg15[%get3A_73, %get3A_74] : memref<864x3364xbf16, #tpu.memory_space<vmem>>, vector<864x3364xbf16>
    %dot_general3A = arith.constant dense<0.000000e+00> : vector<96x3364xf32>
    %dot_general3A_76 = tpu.matmul %get3A_72, %get3A_75, %dot_general3A {dimension_numbers = #tpu.dot_dimension_numbers<[1], [0], [0], [1], [0, 0, 1, 1], [], []>, transpose_lhs_hint = false} : vector<96x864xbf16>, vector<864x3364xbf16>, vector<96x3364xf32> -> vector<96x3364xf32>
    %get3A_77 = arith.constant 0 : index
    %get3A_78 = arith.constant 0 : index
    %get3A_79 = arith.constant 0 : index
    %get3A_80 = vector.load %arg6[%get3A_77, %get3A_78, %get3A_79] : memref<1x96x864xbf16, #tpu.memory_space<vmem>>, vector<1x96x864xbf16>
    %get3A_81 = vector.shape_cast %get3A_80 : vector<1x96x864xbf16> to vector<96x864xbf16>
    %get3A_82 = arith.constant 0 : index
    %get3A_83 = arith.constant 0 : index
    %get3A_84 = vector.load %arg15[%get3A_82, %get3A_83] : memref<864x3364xbf16, #tpu.memory_space<vmem>>, vector<864x3364xbf16>
    %dot_general3A_85 = arith.constant dense<0.000000e+00> : vector<96x3364xf32>
    %dot_general3A_86 = tpu.matmul %get3A_81, %get3A_84, %dot_general3A_85 {dimension_numbers = #tpu.dot_dimension_numbers<[1], [0], [0], [1], [0, 0, 1, 1], [], []>, transpose_lhs_hint = false} : vector<96x864xbf16>, vector<864x3364xbf16>, vector<96x3364xf32> -> vector<96x3364xf32>
    %get3A_87 = arith.constant 0 : index
    %get3A_88 = arith.constant 0 : index
    %get3A_89 = arith.constant 0 : index
    %get3A_90 = vector.load %arg7[%get3A_87, %get3A_88, %get3A_89] : memref<1x96x1xf32, #tpu.memory_space<vmem>>, vector<1x96x1xf32>
    %get3A_91 = vector.shape_cast %get3A_90 : vector<1x96x1xf32> to vector<96x1xf32>
    %get3A_92 = arith.constant 0 : index
    %get3A_93 = arith.constant 0 : index
    %get3A_94 = arith.constant 0 : index
    %get3A_95 = vector.load %arg8[%get3A_92, %get3A_93, %get3A_94] : memref<1x96x1xf32, #tpu.memory_space<vmem>>, vector<1x96x1xf32>
    %get3A_96 = vector.shape_cast %get3A_95 : vector<1x96x1xf32> to vector<96x1xf32>
    %concatenate3A = tpu.concatenate %get3A_91, %get3A_96 in 0 : vector<96x1xf32>, vector<96x1xf32> -> vector<192x1xf32>
    %concatenate3A_97 = tpu.concatenate %dot_general3A_76, %dot_general3A_86 in 0 : vector<96x3364xf32>, vector<96x3364xf32> -> vector<192x3364xf32>
    %add3A = vector.broadcast %concatenate3A : vector<192x1xf32> to vector<192x3364xf32>
    %add3A_98 = arith.addf %concatenate3A_97, %add3A : vector<192x3364xf32>
    %mul3A = arith.constant 5.000000e-01 : f32
    %mul3A_99 = vector.broadcast %mul3A : f32 to vector<192x3364xf32>
    %mul3A_100 = arith.mulf %mul3A_99, %add3A_98 : vector<192x3364xf32>
    %mul3A_101 = arith.constant 0.707106769 : f32
    %mul3A_102 = vector.broadcast %mul3A_101 : f32 to vector<192x3364xf32>
    %mul3A_103 = arith.mulf %add3A_98, %mul3A_102 : vector<192x3364xf32>
    %erf3A = math.erf %mul3A_103 : vector<192x3364xf32>
    %add3A_104 = arith.constant 1.000000e+00 : f32
    %add3A_105 = vector.broadcast %add3A_104 : f32 to vector<192x3364xf32>
    %add3A_106 = arith.addf %add3A_105, %erf3A : vector<192x3364xf32>
    %mul3A_107 = arith.mulf %mul3A_100, %add3A_106 : vector<192x3364xf32>
    %iota3A = tpu.iota {dimensions = array<i32: 0>} : vector<192x1xi32>
    %lt3A = arith.constant 96 : i32
    %lt3A_108 = vector.broadcast %lt3A : i32 to vector<192x1xi32>
    %lt3A_109 = arith.cmpi slt, %iota3A, %lt3A_108 : vector<192x1xi32>
    %broadcast_in_dim3A = vector.broadcast %get3A_1 : f32 to vector<192x1xf32>
    %broadcast_in_dim3A_110 = vector.broadcast %get3A_4 : f32 to vector<192x1xf32>
    %select_n3A = arith.select %lt3A_109, %broadcast_in_dim3A, %broadcast_in_dim3A_110 : vector<192x1xi1>, vector<192x1xf32>
    %get3A_111 = arith.constant 0 : index
    %get3A_112 = arith.constant 0 : index
    %get3A_113 = arith.constant 0 : index
    %get3A_114 = vector.load %arg4[%get3A_111, %get3A_112, %get3A_113] : memref<1x1x3364xf32, #tpu.memory_space<vmem>>, vector<1x1x3364xf32>
    %get3A_115 = vector.shape_cast %get3A_114 : vector<1x1x3364xf32> to vector<1x3364xf32>
    %mul3A_116 = vector.broadcast %get3A_115 : vector<1x3364xf32> to vector<192x3364xf32>
    %mul3A_117 = arith.mulf %mul3A_107, %mul3A_116 : vector<192x3364xf32>
    %mul3A_118 = vector.broadcast %select_n3A : vector<192x1xf32> to vector<192x3364xf32>
    %mul3A_119 = arith.mulf %mul3A_117, %mul3A_118 : vector<192x3364xf32>
    %convert_element_type3A_120 = arith.truncf %mul3A_119 : vector<192x3364xf32> to vector<192x3364xbf16>
    %swap3A_121 = arith.constant 0 : index
    %swap3A_122 = arith.constant 59 : index
    %swap3A_123 = vector.load %arg16[%swap3A_121, %swap3A_122] : memref<192x3584xbf16, #tpu.memory_space<vmem>>, vector<192x3364xbf16>
    tpu.vector_store %arg16[%swap3A_121, %swap3A_122], %convert_element_type3A_120 {strides = array<i32>} : memref<192x3584xbf16, #tpu.memory_space<vmem>>, vector<192x3364xbf16>,
    %get3A_124 = arith.constant 0 : index
    %get3A_125 = arith.constant 0 : index
    %get3A_126 = vector.load %arg16[%get3A_124, %get3A_125] : memref<192x3584xbf16, #tpu.memory_space<vmem>>, vector<96x3364xbf16>
    %swap3A_127 = arith.constant 0 : index
    %swap3A_128 = arith.constant 0 : index
    %swap3A_129 = vector.load %arg17[%swap3A_127, %swap3A_128] : memref<864x3364xbf16, #tpu.memory_space<vmem>>, vector<96x3364xbf16>
    tpu.vector_store %arg17[%swap3A_127, %swap3A_128], %get3A_126 {strides = array<i32>} : memref<864x3364xbf16, #tpu.memory_space<vmem>>, vector<96x3364xbf16>,
    %get3A_130 = arith.constant 96 : index
    %get3A_131 = arith.constant 0 : index
    %get3A_132 = vector.load %arg16[%get3A_130, %get3A_131] : memref<192x3584xbf16, #tpu.memory_space<vmem>>, vector<96x3364xbf16>
    %swap3A_133 = arith.constant 0 : index
    %swap3A_134 = arith.constant 0 : index
    %swap3A_135 = vector.load %arg18[%swap3A_133, %swap3A_134] : memref<864x3364xbf16, #tpu.memory_space<vmem>>, vector<96x3364xbf16>
    tpu.vector_store %arg18[%swap3A_133, %swap3A_134], %get3A_132 {strides = array<i32>} : memref<864x3364xbf16, #tpu.memory_space<vmem>>, vector<96x3364xbf16>,
    %get3A_136 = arith.constant 0 : index
    %get3A_137 = arith.constant 1 : index
    %get3A_138 = vector.load %arg16[%get3A_136, %get3A_137] : memref<192x3584xbf16, #tpu.memory_space<vmem>>, vector<96x3364xbf16>
    %swap3A_139 = arith.constant 96 : index
    %swap3A_140 = arith.constant 0 : index
    %swap3A_141 = vector.load %arg17[%swap3A_139, %swap3A_140] : memref<864x3364xbf16, #tpu.memory_space<vmem>>, vector<96x3364xbf16>
    tpu.vector_store %arg17[%swap3A_139, %swap3A_140], %get3A_138 {strides = array<i32>} : memref<864x3364xbf16, #tpu.memory_space<vmem>>, vector<96x3364xbf16>,
    %get3A_142 = arith.constant 96 : index
    %get3A_143 = arith.constant 1 : index
    %get3A_144 = vector.load %arg16[%get3A_142, %get3A_143] : memref<192x3584xbf16, #tpu.memory_space<vmem>>, vector<96x3364xbf16>
    %swap3A_145 = arith.constant 96 : index
    %swap3A_146 = arith.constant 0 : index
    %swap3A_147 = vector.load %arg18[%swap3A_145, %swap3A_146] : memref<864x3364xbf16, #tpu.memory_space<vmem>>, vector<96x3364xbf16>
    tpu.vector_store %arg18[%swap3A_145, %swap3A_146], %get3A_144 {strides = array<i32>} : memref<864x3364xbf16, #tpu.memory_space<vmem>>, vector<96x3364xbf16>,
    %get3A_148 = arith.constant 0 : index
    %get3A_149 = arith.constant 2 : index
    %get3A_150 = vector.load %arg16[%get3A_148, %get3A_149] : memref<192x3584xbf16, #tpu.memory_space<vmem>>, vector<96x3364xbf16>
    %swap3A_151 = arith.constant 192 : index
    %swap3A_152 = arith.constant 0 : index
    %swap3A_153 = vector.load %arg17[%swap3A_151, %swap3A_152] : memref<864x3364xbf16, #tpu.memory_space<vmem>>, vector<96x3364xbf16>
    tpu.vector_store %arg17[%swap3A_151, %swap3A_152], %get3A_150 {strides = array<i32>} : memref<864x3364xbf16, #tpu.memory_space<vmem>>, vector<96x3364xbf16>,
    %get3A_154 = arith.constant 96 : index
    %get3A_155 = arith.constant 2 : index
    %get3A_156 = vector.load %arg16[%get3A_154, %get3A_155] : memref<192x3584xbf16, #tpu.memory_space<vmem>>, vector<96x3364xbf16>
    %swap3A_157 = arith.constant 192 : index
    %swap3A_158 = arith.constant 0 : index
    %swap3A_159 = vector.load %arg18[%swap3A_157, %swap3A_158] : memref<864x3364xbf16, #tpu.memory_space<vmem>>, vector<96x3364xbf16>
    tpu.vector_store %arg18[%swap3A_157, %swap3A_158], %get3A_156 {strides = array<i32>} : memref<864x3364xbf16, #tpu.memory_space<vmem>>, vector<96x3364xbf16>,
    %get3A_160 = arith.constant 0 : index
    %get3A_161 = arith.constant 58 : index
    %get3A_162 = vector.load %arg16[%get3A_160, %get3A_161] : memref<192x3584xbf16, #tpu.memory_space<vmem>>, vector<96x3364xbf16>
    %swap3A_163 = arith.constant 288 : index
    %swap3A_164 = arith.constant 0 : index
    %swap3A_165 = vector.load %arg17[%swap3A_163, %swap3A_164] : memref<864x3364xbf16, #tpu.memory_space<vmem>>, vector<96x3364xbf16>
    tpu.vector_store %arg17[%swap3A_163, %swap3A_164], %get3A_162 {strides = array<i32>} : memref<864x3364xbf16, #tpu.memory_space<vmem>>, vector<96x3364xbf16>,
    %get3A_166 = arith.constant 96 : index
    %get3A_167 = arith.constant 58 : index
    %get3A_168 = vector.load %arg16[%get3A_166, %get3A_167] : memref<192x3584xbf16, #tpu.memory_space<vmem>>, vector<96x3364xbf16>
    %swap3A_169 = arith.constant 288 : index
    %swap3A_170 = arith.constant 0 : index
    %swap3A_171 = vector.load %arg18[%swap3A_169, %swap3A_170] : memref<864x3364xbf16, #tpu.memory_space<vmem>>, vector<96x3364xbf16>
    tpu.vector_store %arg18[%swap3A_169, %swap3A_170], %get3A_168 {strides = array<i32>} : memref<864x3364xbf16, #tpu.memory_space<vmem>>, vector<96x3364xbf16>,
    %get3A_172 = arith.constant 0 : index
    %get3A_173 = arith.constant 59 : index
    %get3A_174 = vector.load %arg16[%get3A_172, %get3A_173] : memref<192x3584xbf16, #tpu.memory_space<vmem>>, vector<96x3364xbf16>
    %swap3A_175 = arith.constant 384 : index
    %swap3A_176 = arith.constant 0 : index
    %swap3A_177 = vector.load %arg17[%swap3A_175, %swap3A_176] : memref<864x3364xbf16, #tpu.memory_space<vmem>>, vector<96x3364xbf16>
    tpu.vector_store %arg17[%swap3A_175, %swap3A_176], %get3A_174 {strides = array<i32>} : memref<864x3364xbf16, #tpu.memory_space<vmem>>, vector<96x3364xbf16>,
    %get3A_178 = arith.constant 96 : index
    %get3A_179 = arith.constant 59 : index
    %get3A_180 = vector.load %arg16[%get3A_178, %get3A_179] : memref<192x3584xbf16, #tpu.memory_space<vmem>>, vector<96x3364xbf16>
    %swap3A_181 = arith.constant 384 : index
    %swap3A_182 = arith.constant 0 : index
    %swap3A_183 = vector.load %arg18[%swap3A_181, %swap3A_182] : memref<864x3364xbf16, #tpu.memory_space<vmem>>, vector<96x3364xbf16>
    tpu.vector_store %arg18[%swap3A_181, %swap3A_182], %get3A_180 {strides = array<i32>} : memref<864x3364xbf16, #tpu.memory_space<vmem>>, vector<96x3364xbf16>,
    %get3A_184 = arith.constant 0 : index
    %get3A_185 = arith.constant 60 : index
    %get3A_186 = vector.load %arg16[%get3A_184, %get3A_185] : memref<192x3584xbf16, #tpu.memory_space<vmem>>, vector<96x3364xbf16>
    %swap3A_187 = arith.constant 480 : index
    %swap3A_188 = arith.constant 0 : index
    %swap3A_189 = vector.load %arg17[%swap3A_187, %swap3A_188] : memref<864x3364xbf16, #tpu.memory_space<vmem>>, vector<96x3364xbf16>
    tpu.vector_store %arg17[%swap3A_187, %swap3A_188], %get3A_186 {strides = array<i32>} : memref<864x3364xbf16, #tpu.memory_space<vmem>>, vector<96x3364xbf16>,
    %get3A_190 = arith.constant 96 : index
    %get3A_191 = arith.constant 60 : index
    %get3A_192 = vector.load %arg16[%get3A_190, %get3A_191] : memref<192x3584xbf16, #tpu.memory_space<vmem>>, vector<96x3364xbf16>
    %swap3A_193 = arith.constant 480 : index
    %swap3A_194 = arith.constant 0 : index
    %swap3A_195 = vector.load %arg18[%swap3A_193, %swap3A_194] : memref<864x3364xbf16, #tpu.memory_space<vmem>>, vector<96x3364xbf16>
    tpu.vector_store %arg18[%swap3A_193, %swap3A_194], %get3A_192 {strides = array<i32>} : memref<864x3364xbf16, #tpu.memory_space<vmem>>, vector<96x3364xbf16>,
    %get3A_196 = arith.constant 0 : index
    %get3A_197 = arith.constant 116 : index
    %get3A_198 = vector.load %arg16[%get3A_196, %get3A_197] : memref<192x3584xbf16, #tpu.memory_space<vmem>>, vector<96x3364xbf16>
    %swap3A_199 = arith.constant 576 : index
    %swap3A_200 = arith.constant 0 : index
    %swap3A_201 = vector.load %arg17[%swap3A_199, %swap3A_200] : memref<864x3364xbf16, #tpu.memory_space<vmem>>, vector<96x3364xbf16>
    tpu.vector_store %arg17[%swap3A_199, %swap3A_200], %get3A_198 {strides = array<i32>} : memref<864x3364xbf16, #tpu.memory_space<vmem>>, vector<96x3364xbf16>,
    %get3A_202 = arith.constant 96 : index
    %get3A_203 = arith.constant 116 : index
    %get3A_204 = vector.load %arg16[%get3A_202, %get3A_203] : memref<192x3584xbf16, #tpu.memory_space<vmem>>, vector<96x3364xbf16>
    %swap3A_205 = arith.constant 576 : index
    %swap3A_206 = arith.constant 0 : index
    %swap3A_207 = vector.load %arg18[%swap3A_205, %swap3A_206] : memref<864x3364xbf16, #tpu.memory_space<vmem>>, vector<96x3364xbf16>
    tpu.vector_store %arg18[%swap3A_205, %swap3A_206], %get3A_204 {strides = array<i32>} : memref<864x3364xbf16, #tpu.memory_space<vmem>>, vector<96x3364xbf16>,
    %get3A_208 = arith.constant 0 : index
    %get3A_209 = arith.constant 117 : index
    %get3A_210 = vector.load %arg16[%get3A_208, %get3A_209] : memref<192x3584xbf16, #tpu.memory_space<vmem>>, vector<96x3364xbf16>
    %swap3A_211 = arith.constant 672 : index
    %swap3A_212 = arith.constant 0 : index
    %swap3A_213 = vector.load %arg17[%swap3A_211, %swap3A_212] : memref<864x3364xbf16, #tpu.memory_space<vmem>>, vector<96x3364xbf16>
    tpu.vector_store %arg17[%swap3A_211, %swap3A_212], %get3A_210 {strides = array<i32>} : memref<864x3364xbf16, #tpu.memory_space<vmem>>, vector<96x3364xbf16>,
    %get3A_214 = arith.constant 96 : index
    %get3A_215 = arith.constant 117 : index
    %get3A_216 = vector.load %arg16[%get3A_214, %get3A_215] : memref<192x3584xbf16, #tpu.memory_space<vmem>>, vector<96x3364xbf16>
    %swap3A_217 = arith.constant 672 : index
    %swap3A_218 = arith.constant 0 : index
    %swap3A_219 = vector.load %arg18[%swap3A_217, %swap3A_218] : memref<864x3364xbf16, #tpu.memory_space<vmem>>, vector<96x3364xbf16>
    tpu.vector_store %arg18[%swap3A_217, %swap3A_218], %get3A_216 {strides = array<i32>} : memref<864x3364xbf16, #tpu.memory_space<vmem>>, vector<96x3364xbf16>,
    %get3A_220 = arith.constant 0 : index
    %get3A_221 = arith.constant 118 : index
    %get3A_222 = vector.load %arg16[%get3A_220, %get3A_221] : memref<192x3584xbf16, #tpu.memory_space<vmem>>, vector<96x3364xbf16>
    %swap3A_223 = arith.constant 768 : index
    %swap3A_224 = arith.constant 0 : index
    %swap3A_225 = vector.load %arg17[%swap3A_223, %swap3A_224] : memref<864x3364xbf16, #tpu.memory_space<vmem>>, vector<96x3364xbf16>
    tpu.vector_store %arg17[%swap3A_223, %swap3A_224], %get3A_222 {strides = array<i32>} : memref<864x3364xbf16, #tpu.memory_space<vmem>>, vector<96x3364xbf16>,
    %get3A_226 = arith.constant 96 : index
    %get3A_227 = arith.constant 118 : index
    %get3A_228 = vector.load %arg16[%get3A_226, %get3A_227] : memref<192x3584xbf16, #tpu.memory_space<vmem>>, vector<96x3364xbf16>
    %swap3A_229 = arith.constant 768 : index
    %swap3A_230 = arith.constant 0 : index
    %swap3A_231 = vector.load %arg18[%swap3A_229, %swap3A_230] : memref<864x3364xbf16, #tpu.memory_space<vmem>>, vector<96x3364xbf16>
    tpu.vector_store %arg18[%swap3A_229, %swap3A_230], %get3A_228 {strides = array<i32>} : memref<864x3364xbf16, #tpu.memory_space<vmem>>, vector<96x3364xbf16>,
    %get3A_232 = arith.constant 0 : index
    %get3A_233 = arith.constant 0 : index
    %get3A_234 = arith.constant 0 : index
    %get3A_235 = vector.load %arg9[%get3A_232, %get3A_233, %get3A_234] : memref<1x96x864xbf16, #tpu.memory_space<vmem>>, vector<1x96x864xbf16>
    %get3A_236 = vector.shape_cast %get3A_235 : vector<1x96x864xbf16> to vector<96x864xbf16>
    %get3A_237 = arith.constant 0 : index
    %get3A_238 = arith.constant 0 : index
    %get3A_239 = vector.load %arg17[%get3A_237, %get3A_238] : memref<864x3364xbf16, #tpu.memory_space<vmem>>, vector<864x3364xbf16>
    %dot_general3A_240 = arith.constant dense<0.000000e+00> : vector<96x3364xf32>
    %dot_general3A_241 = tpu.matmul %get3A_236, %get3A_239, %dot_general3A_240 {dimension_numbers = #tpu.dot_dimension_numbers<[1], [0], [0], [1], [0, 0, 1, 1], [], []>, transpose_lhs_hint = false} : vector<96x864xbf16>, vector<864x3364xbf16>, vector<96x3364xf32> -> vector<96x3364xf32>
    %get3A_242 = arith.constant 0 : index
    %get3A_243 = arith.constant 0 : index
    %get3A_244 = arith.constant 0 : index
    %get3A_245 = vector.load %arg10[%get3A_242, %get3A_243, %get3A_244] : memref<1x96x864xbf16, #tpu.memory_space<vmem>>, vector<1x96x864xbf16>
    %get3A_246 = vector.shape_cast %get3A_245 : vector<1x96x864xbf16> to vector<96x864xbf16>
    %get3A_247 = arith.constant 0 : index
    %get3A_248 = arith.constant 0 : index
    %get3A_249 = vector.load %arg18[%get3A_247, %get3A_248] : memref<864x3364xbf16, #tpu.memory_space<vmem>>, vector<864x3364xbf16>
    %dot_general3A_250 = arith.constant dense<0.000000e+00> : vector<96x3364xf32>
    %dot_general3A_251 = tpu.matmul %get3A_246, %get3A_249, %dot_general3A_250 {dimension_numbers = #tpu.dot_dimension_numbers<[1], [0], [0], [1], [0, 0, 1, 1], [], []>, transpose_lhs_hint = false} : vector<96x864xbf16>, vector<864x3364xbf16>, vector<96x3364xf32> -> vector<96x3364xf32>
    %add3A_252 = arith.addf %dot_general3A_241, %dot_general3A_251 : vector<96x3364xf32>
    %get3A_253 = arith.constant 0 : index
    %get3A_254 = arith.constant 0 : index
    %get3A_255 = arith.constant 0 : index
    %get3A_256 = vector.load %arg11[%get3A_253, %get3A_254, %get3A_255] : memref<1x96x1xf32, #tpu.memory_space<vmem>>, vector<1x96x1xf32>
    %get3A_257 = vector.shape_cast %get3A_256 : vector<1x96x1xf32> to vector<96x1xf32>
    %mul3A_258 = vector.broadcast %get3A_1 : f32 to vector<96x1xf32>
    %mul3A_259 = arith.mulf %mul3A_258, %get3A_257 : vector<96x1xf32>
    %get3A_260 = arith.constant 0 : index
    %get3A_261 = arith.constant 0 : index
    %get3A_262 = arith.constant 0 : index
    %get3A_263 = vector.load %arg12[%get3A_260, %get3A_261, %get3A_262] : memref<1x96x1xf32, #tpu.memory_space<vmem>>, vector<1x96x1xf32>
    %get3A_264 = vector.shape_cast %get3A_263 : vector<1x96x1xf32> to vector<96x1xf32>
    %mul3A_265 = vector.broadcast %get3A_4 : f32 to vector<96x1xf32>
    %mul3A_266 = arith.mulf %mul3A_265, %get3A_264 : vector<96x1xf32>
    %add3A_267 = arith.addf %mul3A_259, %mul3A_266 : vector<96x1xf32>
    %add3A_268 = vector.broadcast %add3A_267 : vector<96x1xf32> to vector<96x3364xf32>
    %add3A_269 = arith.addf %add3A_252, %add3A_268 : vector<96x3364xf32>
    %swap3A_270 = arith.constant 0 : index
    %swap3A_271 = arith.constant 0 : index
    %swap3A_272 = arith.constant 0 : index
    %swap3A_273 = vector.load %arg13[%swap3A_270, %swap3A_271, %swap3A_272] : memref<1x96x3364xf32, #tpu.memory_space<vmem>>, vector<1x96x3364xf32>
    %swap3A_274 = vector.shape_cast %swap3A_273 : vector<1x96x3364xf32> to vector<96x3364xf32>
    %swap3A_275 = vector.shape_cast %add3A_269 : vector<96x3364xf32> to vector<1x96x3364xf32>
    tpu.vector_store %arg13[%swap3A_270, %swap3A_271, %swap3A_272], %swap3A_275 {strides = array<i32>} : memref<1x96x3364xf32, #tpu.memory_space<vmem>>, vector<1x96x3364xf32>,
    return
  }
  func.func @transform_0(%arg0: i32, %arg1: memref<4x2xi32, #tpu.memory_space<smem>>, %arg2: memref<4x2xf32, #tpu.memory_space<smem>>) -> (i32, i32, i32) {
    %c0_i32 = arith.constant 0 : i32
    %c0_i32_0 = arith.constant 0 : i32
    %c0_i32_1 = arith.constant 0 : i32
    return %arg0, %c0_i32, %c0_i32_0 : i32, i32, i32
  }
  func.func @transform_1(%arg0: i32, %arg1: memref<4x2xi32, #tpu.memory_space<smem>>, %arg2: memref<4x2xf32, #tpu.memory_space<smem>>) -> (i32, i32, i32) {
    %c0_i32 = arith.constant 0 : i32
    %c0_i32_0 = arith.constant 0 : i32
    %c0_i32_1 = arith.constant 0 : i32
    %c0_i32_2 = arith.constant 0 : i32
    return %c0_i32, %c0_i32_0, %c0_i32_1 : i32, i32, i32
  }
  func.func @transform_2(%arg0: i32, %arg1: memref<4x2xi32, #tpu.memory_space<smem>>, %arg2: memref<4x2xf32, #tpu.memory_space<smem>>) -> (i32, i32, i32) {
    %get3A = arith.index_cast %arg0 : i32 to index
    %get3A_0 = arith.constant 0 : index
    %get3A_1 = memref.load %arg1[%get3A, %get3A_0] : memref<4x2xi32, #tpu.memory_space<smem>>
    %c0_i32 = arith.constant 0 : i32
    %c0_i32_2 = arith.constant 0 : i32
    %c0_i32_3 = arith.constant 0 : i32
    return %get3A_1, %c0_i32, %c0_i32_2 : i32, i32, i32
  }
  func.func @transform_3(%arg0: i32, %arg1: memref<4x2xi32, #tpu.memory_space<smem>>, %arg2: memref<4x2xf32, #tpu.memory_space<smem>>) -> (i32, i32, i32) {
    %get3A = arith.index_cast %arg0 : i32 to index
    %get3A_0 = arith.constant 1 : index
    %get3A_1 = memref.load %arg1[%get3A, %get3A_0] : memref<4x2xi32, #tpu.memory_space<smem>>
    %c0_i32 = arith.constant 0 : i32
    %c0_i32_2 = arith.constant 0 : i32
    %c0_i32_3 = arith.constant 0 : i32
    return %get3A_1, %c0_i32, %c0_i32_2 : i32, i32, i32
  }
  func.func @transform_4(%arg0: i32, %arg1: memref<4x2xi32, #tpu.memory_space<smem>>, %arg2: memref<4x2xf32, #tpu.memory_space<smem>>) -> (i32, i32, i32) {
    %get3A = arith.index_cast %arg0 : i32 to index
    %get3A_0 = arith.constant 0 : index
    %get3A_1 = memref.load %arg1[%get3A, %get3A_0] : memref<4x2xi32, #tpu.memory_space<smem>>
    %c0_i32 = arith.constant 0 : i32
    %c0_i32_2 = arith.constant 0 : i32
    %c0_i32_3 = arith.constant 0 : i32
    return %get3A_1, %c0_i32, %c0_i32_2 : i32, i32, i32
  }
  func.func @transform_5(%arg0: i32, %arg1: memref<4x2xi32, #tpu.memory_space<smem>>, %arg2: memref<4x2xf32, #tpu.memory_space<smem>>) -> (i32, i32, i32) {
    %get3A = arith.index_cast %arg0 : i32 to index
    %get3A_0 = arith.constant 1 : index
    %get3A_1 = memref.load %arg1[%get3A, %get3A_0] : memref<4x2xi32, #tpu.memory_space<smem>>
    %c0_i32 = arith.constant 0 : i32
    %c0_i32_2 = arith.constant 0 : i32
    %c0_i32_3 = arith.constant 0 : i32
    return %get3A_1, %c0_i32, %c0_i32_2 : i32, i32, i32
  }
  func.func @transform_6(%arg0: i32, %arg1: memref<4x2xi32, #tpu.memory_space<smem>>, %arg2: memref<4x2xf32, #tpu.memory_space<smem>>) -> (i32, i32, i32) {
    %get3A = arith.index_cast %arg0 : i32 to index
    %get3A_0 = arith.constant 0 : index
    %get3A_1 = memref.load %arg1[%get3A, %get3A_0] : memref<4x2xi32, #tpu.memory_space<smem>>
    %c0_i32 = arith.constant 0 : i32
    %c0_i32_2 = arith.constant 0 : i32
    %c0_i32_3 = arith.constant 0 : i32
    return %get3A_1, %c0_i32, %c0_i32_2 : i32, i32, i32
  }
  func.func @transform_7(%arg0: i32, %arg1: memref<4x2xi32, #tpu.memory_space<smem>>, %arg2: memref<4x2xf32, #tpu.memory_space<smem>>) -> (i32, i32, i32) {
    %get3A = arith.index_cast %arg0 : i32 to index
    %get3A_0 = arith.constant 1 : index
    %get3A_1 = memref.load %arg1[%get3A, %get3A_0] : memref<4x2xi32, #tpu.memory_space<smem>>
    %c0_i32 = arith.constant 0 : i32
    %c0_i32_2 = arith.constant 0 : i32
    %c0_i32_3 = arith.constant 0 : i32
    return %get3A_1, %c0_i32, %c0_i32_2 : i32, i32, i32
  }
  func.func @transform_8(%arg0: i32, %arg1: memref<4x2xi32, #tpu.memory_space<smem>>, %arg2: memref<4x2xf32, #tpu.memory_space<smem>>) -> (i32, i32, i32) {
    %get3A = arith.index_cast %arg0 : i32 to index
    %get3A_0 = arith.constant 0 : index
    %get3A_1 = memref.load %arg1[%get3A, %get3A_0] : memref<4x2xi32, #tpu.memory_space<smem>>
    %c0_i32 = arith.constant 0 : i32
    %c0_i32_2 = arith.constant 0 : i32
    %c0_i32_3 = arith.constant 0 : i32
    return %get3A_1, %c0_i32, %c0_i32_2 : i32, i32, i32
  }
  func.func @transform_9(%arg0: i32, %arg1: memref<4x2xi32, #tpu.memory_space<smem>>, %arg2: memref<4x2xf32, #tpu.memory_space<smem>>) -> (i32, i32, i32) {
    %get3A = arith.index_cast %arg0 : i32 to index
    %get3A_0 = arith.constant 1 : index
    %get3A_1 = memref.load %arg1[%get3A, %get3A_0] : memref<4x2xi32, #tpu.memory_space<smem>>
    %c0_i32 = arith.constant 0 : i32
    %c0_i32_2 = arith.constant 0 : i32
    %c0_i32_3 = arith.constant 0 : i32
    return %get3A_1, %c0_i32, %c0_i32_2 : i32, i32, i32
  }
  func.func @transform_10(%arg0: i32, %arg1: memref<4x2xi32, #tpu.memory_space<smem>>, %arg2: memref<4x2xf32, #tpu.memory_space<smem>>) -> (i32, i32, i32) {
    %c0_i32 = arith.constant 0 : i32
    %c0_i32_0 = arith.constant 0 : i32
    %c0_i32_1 = arith.constant 0 : i32
    return %arg0, %c0_i32, %c0_i32_0 : i32, i32, i32
  }
}

</mosaic_0001>

<sc_bundles>
// kernel: kernel.4.cloned.1.call-start
scs
__scs_entry_jumppad:
0x0: {  	(pc) =	sbr.rel $0x88, $3  }
0x1: {  	(tag) =	ssettag $0x0;
	lr =	simm.s32 $0x1  }
0x2: {  	[smem:$0x3F99] =	sst lr;
	_ =	strace $0xD0000000  }
0x3: {  	_ = 	snop  }
0x4: {  	_ = 	snop  }
0x5: {  	_ = 	snop  }
0x6: {  	_ = 	snop  }
0x7: {  	_ = 	snop  }
__scs_overlays_trampoline_lowered:
0x8: {  	[smem:$0x3FA8] =	sst s0  }
0x9: {  	[smem:$0x3FA9] =	sst s1  }
0xa: {  	[smem:$0x3FAA] =	sst s2  }
0xb: {  	[smem:$0x3FAB] =	sst s3  }
0xc: {  	[smem:$0x3FAC] =	sst s4  }
0xd: {  	[smem:$0x3FAD] =	sst s5  }
0xe: {  	[smem:$0x3FAE] =	sst s6  }
0xf: {  	[smem:$0x3FAF] =	sst s7  }
0x10: {  	[smem:$0x3FB0] =	sst s8  }
0x11: {  	[smem:$0x3FB1] =	sst s9;
	s0 =	simm.s32 @!p0 $0x0  }
0x12: {  	s1 =	sld [smem:$0x3F97];
	s0 =	simm.s32 @p0 $0x1  }
0x13: {  	[smem:$0x3FB2] =	sst s0;
	s0 =	simm.s32 @!p1 $0x0  }
0x14: {  	s2 =	sld [smem:$0x3F96];
	s0 =	simm.s32 @p1 $0x1  }
0x15: {  	[smem:$0x3FB3] =	sst s0;
	s0 =	simm.s32 @!p2 $0x0  }
0x16: {  	s3 =	sld [smem:$0x3FDB];
	s0 =	simm.s32 @p2 $0x1  }
0x17: {  	s4 =	simm.s32 $0x1BF5;
	[smem:$0x3FB5] =	sst s0  }
0x18: {  	s0 =	sld [smem:$0x3F98];
	_ =	swait.ge [sflag:s4], $0x0  }
0x19: {  	s7 =	sld [smem:$0x3F99]  }
0x1a: {  	s8 =	sadd.s32 $0xFFFFE003, lr  }
0x1b: {  	s9 =	sadd.s32 $0xFFFFFEF7, lr;
	s5 =	simm.s32 $0xFFFFFFFF;
	p2 =	slt.u32 s8, $0xFFFFF086  }
0x1c: {  	p1 =	slt.u32 s9, $0xF7A;
	s5 =	simm.s32 @!p2 $0x0  }
0x1d: {  	s5 =	simm.s32 @p1 $0x1;
	p0 =	seq.s32 s7, s2  }
0x1e: {  	s7 =	smul.u32 @!p0 $0xF7A, s2;
	p2 =	seq.s32 @!p0 s5, $0x0  }
0x1f: {  	s9 =	smul.u32 $0xF7A, s1;
	s8 =	simm.s32 @!p0 $0x1BF5;
	p2 =	por !p2, p0  }
0x20: {  	[sflag:s8] =	ssyncset.s32 @!p0 $0xFFFFF086;
	s6 =	sadd.s32 @!p0 s3, s7;
	s7 =	simm.s32 @!p0 $0x108  }
0x21: {  	s3 =	sadd.s32 s3, s9;
	s6 =	sadd.s32 @!p0 $0x88, s6;
	s7 =	simm.s32 @p2 $0x1082  }
0x22: {  	[simem:s7], [sflag:s8] =	dma.local @!p0 [hbm:s6], $0xF7A  }
0x23: {  	s9 =	sor.u32 $0xD0000000, s2;
	s6 =	simm.s32 $0x108;
	_ =	swait.ge @!p0 [sflag:s8], $0x0  }
0x24: {  	s3 =	sadd.s32 $0x88, s3;
	s6 =	simm.s32 @!p1 $0x1082;
	[sflag:s4] =	ssyncset.s32 $0xFFFFF086  }
0x25: {  	[simem:s6], [sflag:s4] =	dma.local [hbm:s3], $0xF7A  }
0x26: {  	[smem:$0x3F99] =	sst s1;
	(tag) =	ssettag s2;
	_ =	strace s9  }
0x27: {  	s1 =	sld [smem:$0x3FA9]  }
0x28: {  	s2 =	sld [smem:$0x3FAA]  }
0x29: {  	s4 =	sld [smem:$0x3FAC]  }
0x2a: {  	p0 =	seq.s32 s5, $0x0;
	s5 =	sld [smem:$0x3FAD]  }
0x2b: {  	s6 =	sld [smem:$0x3FAE]  }
0x2c: {  	s7 =	sld [smem:$0x3FAF]  }
0x2d: {  	s3 =	simm.s32 $0x108;
	s8 =	sld [smem:$0x3FB0]  }
0x2e: {  	s3 =	simm.s32 @!p0 $0x1082;
	s9 =	sld [smem:$0x3FB1]  }
0x2f: {  	lr =	sadd.s32 s0, s3;
	s0 =	sld [smem:$0x3FA8]  }
0x30: {  	s3 =	sld [smem:$0x3FAB]  }
0x31: {  	[smem:$0x3FB4] =	sst s10  }
0x32: {  	s10 =	sld [smem:$0x3FB2];
	_ =	sdelay $0x3  }
0x33: {  	p0 =	seq.s32 s10, $0x1;
	s10 =	sld [smem:$0x3FB4];
	_ =	sdelay $0x3  }
0x34: {  	[smem:$0x3FB4] =	sst s10  }
0x35: {  	s10 =	sld [smem:$0x3FB3];
	_ =	sdelay $0x3  }
0x36: {  	p1 =	seq.s32 s10, $0x1;
	s10 =	sld [smem:$0x3FB4];
	_ =	sdelay $0x3  }
0x37: {  	[smem:$0x3FB4] =	sst s10  }
0x38: {  	s10 =	sld [smem:$0x3FB5]  }
0x39: {  	_ = 	snop;
	(pc) =	sbr.ind lr, $3  }
0x3a: {  	_ = 	snop  }
0x3b: {  	_ = 	snop  }
0x3c: {  	p2 =	seq.s32 s10, $0x1;
	s10 =	sld [smem:$0x3FB4]  }
0x3d: {  	_ =	shalt  }
0x3e: {  	_ =	shalt  }
0x3f: {  	_ =	shalt  }
0x40: {  	_ =	shalt  }
0x41: {  	_ =	shalt  }
0x42: {  	_ =	shalt  }
0x43: {  	_ =	shalt  }
0x44: {  	_ =	shalt  }
0x45: {  	_ =	shalt  }
0x46: {  	_ =	shalt  }
0x47: {  	_ =	shalt  }
0x48: {  	_ =	shalt  }
0x49: {  	_ =	shalt  }
0x4a: {  	_ =	shalt  }
0x4b: {  	_ =	shalt  }
0x4c: {  	_ =	shalt  }
0x4d: {  	_ =	shalt  }
0x4e: {  	_ =	shalt  }
0x4f: {  	_ =	shalt  }
0x50: {  	_ =	shalt  }
0x51: {  	_ =	shalt  }
0x52: {  	_ =	shalt  }
0x53: {  	_ =	shalt  }
0x54: {  	_ =	shalt  }
0x55: {  	_ =	shalt  }
0x56: {  	_ =	shalt  }
0x57: {  	_ =	shalt  }
0x58: {  	_ =	shalt  }
0x59: {  	_ =	shalt  }
0x5a: {  	_ =	shalt  }
0x5b: {  	_ =	shalt  }
0x5c: {  	_ =	shalt  }
0x5d: {  	_ =	shalt  }
0x5e: {  	_ =	shalt  }
0x5f: {  	_ =	shalt  }
0x60: {  	_ =	shalt  }
0x61: {  	_ =	shalt  }
0x62: {  	_ =	shalt  }
0x63: {  	_ =	shalt  }
0x64: {  	_ =	shalt  }
0x65: {  	_ =	shalt  }
0x66: {  	_ =	shalt  }
0x67: {  	_ =	shalt  }
0x68: {  	_ =	shalt  }
0x69: {  	_ =	shalt  }
0x6a: {  	_ =	shalt  }
0x6b: {  	_ =	shalt  }
0x6c: {  	_ =	shalt  }
0x6d: {  	_ =	shalt  }
0x6e: {  	_ =	shalt  }
0x6f: {  	_ =	shalt  }
0x70: {  	_ =	shalt  }
0x71: {  	_ =	shalt  }
0x72: {  	_ =	shalt  }
0x73: {  	_ =	shalt  }
0x74: {  	_ =	shalt  }
0x75: {  	_ =	shalt  }
0x76: {  	_ =	shalt  }
0x77: {  	_ =	shalt  }
0x78: {  	_ =	shalt  }
0x79: {  	_ =	shalt  }
0x7a: {  	_ =	shalt  }
0x7b: {  	_ =	shalt  }
0x7c: {  	_ =	shalt  }
0x7d: {  	_ =	shalt  }
0x7e: {  	_ =	shalt  }
0x7f: {  	_ =	shalt  }
0x80: {  	_ =	shalt  }
0x81: {  	_ =	shalt  }
0x82: {  	_ =	shalt  }
0x83: {  	_ =	shalt  }
0x84: {  	_ =	shalt  }
0x85: {  	_ =	shalt  }
0x86: {  	_ =	shalt  }
0x87: {  	_ =	shalt  }
.Lfunc_end0:
.L_simem_size_0:
called_computation_lowered:
.L_overlay_start_0:
0x88: {  	s2 =	sld [smem:$0x3FD9]  }
0x89: {  	s3 =	sld [smem:$0x3FFE];
	_ =	sdelay $0x1  }
0x8a: {  	s1 =	srdreg.scid  }
0x8b: {  	s0 =	sand.u32 $0x1, s1  }
0x8c: {  	s17 =	sshll.u32 s0, $0xA;
	s2 =	sadd.s32 s3, s2  }
0x8d: {  	s2 =	sadd.s32 s2, s17  }
0x8e: {  	[smem:$0x3FC0] =	sst s2  }
0x8f: {  	_ = 	snop  }
0x90: {  	s2 =	sld [smem:$0x3FC8]  }
0x91: {  	s18 =	sld [smem:$0x3FC6]  }
0x92: {  	s4 =	sld [smem:$0x3FD0];
	(tm) =	ssettm $0x1  }
0x93: {  	s5 =	sld [smem:$0x3FFB];
	_ =	sdelay $0x3  }
0x94: {  	_ =	strace s5  }
0x95: {  	s5 =	sld [smem:$0x3FFC];
	_ =	sdelay $0x3  }
0x96: {  	_ =	strace s5  }
0x97: {  	s5 =	sld [smem:$0x3FFD];
	_ =	sdelay $0x3  }
0x98: {  	_ =	strace s5  }
0x99: {  	_ =	strace $0x8FFFFFFF  }
0x9a: {  	s19 =	sld [smem:$0x3FDB];
	_ =	sdelay $0x1  }
0x9b: {  	s6 =	simm.s32 $_scs_section_size  }
0x9c: {  	s7 =	simm.s32 $_size__tile_overlayer_lowered;
	s8 =	simm.s32 $_tile_overlayer_lowered  }
0x9d: {  	s22 =	simm.s32 $0x1BFF;
	s21 =	sshll.u32 s8, $0x1;
	s5 =	sadd.s32 s6, s19  }
0x9e: {  	s9 =	simm.s32 $0x0;
	s20 =	sshll.u32 s7, $0x1;
	s7 =	sadd.s32 s21, s5  }
0x9f: {  	[timem:s9], [sflag:s22] =	dma.local [hbm:s7], s20  }
0xa0: {  	_ =	swait.ge [sflag:s22], s20  }
0xa1: {  	s6 =	ssub.s32 $0x0, s20;
	[sflag:s22] =	ssyncset.done $0x0  }
0xa2: {  	[sflag:s22] =	ssyncadd.s32 s6;
	_ =	sdelay $0x1  }
0xa3: {  	s23 =	simm.s32 $0x1B8B  }
0xa4: {  	_ =	swait.ge [sflag:s23], $0x1  }
0xa5: {  	[sflag:s23] =	ssyncset.done $0x0  }
0xa6: {  	s25 =	simm.s32 $0x1B8E;
	s24 =	sld [smem:$0x3FFE];
	[sflag:s23] =	ssyncadd.s32 $0xFFFFFFFF  }
0xa7: {  	s26 =	simm.s32 $execute0_lowered;
	[smem:$0x3FD2] =	sst s25  }
0xa8: {  	s7 =	sshll.u32 s26, $0x1;
	_ =	strace $0x80000046;
	[dreg:$0x1] =	wrdreg $0xFFFFFFFF  }
0xa9: {  	s28 =	simm.s32 $_size_execute0_lowered;
	s5 =	sadd.s32 s5, s7;
	[dreg:$0x0] =	wrdreg $0x0  }
0xaa: {  	s7 =	sshll.u32 s28, $0x1;
	[dreg:$0x2] =	wrdreg s5  }
0xab: {  	[dreg:$0x3] =	wrdreg s7  }
0xac: {  	[dreg:$0x4] =	wrdreg $0xC0  }
0xad: {  	_ =	task [dreg:s9], $0x5FFFF  }
0xae: {  	[dreg:$0x1] =	wrdreg $0xFFFFFFFF  }
0xaf: {  	[dreg:$0x0] =	wrdreg $0x60  }
0xb0: {  	[dreg:$0x2] =	wrdreg s2  }
0xb1: {  	[dreg:$0x3] =	wrdreg s18  }
0xb2: {  	[dreg:$0x4] =	wrdreg s4  }
0xb3: {  	[dreg:$0x5] =	wrdreg s24  }
0xb4: {  	[dreg:$0x6] =	wrdreg $0x9  }
0xb5: {  	_ =	task.clear_ibuf [dreg:s9], $0x7FFFF;
	_ =	strace $0x90000046  }
0xb6: {  	s29 =	simm.s32 $0x9;
	_ =	strace $0x80000048  }
0xb7: {  	_ =	swait.ge [sflag:s29], $0x1  }
0xb8: {  	[sflag:s29] =	ssyncadd.s32 $0xFFFFFFFF  }
0xb9: {  	_ =	strace $0x90000048  }
0xba: {  	_ =	sfence  }
0xbb: {  	s30 =	sld [smem:$0x0];
	_ =	sdelay $0x2  }
0xbc: {  	s31 =	sshll.u32 s1, $0xD;
	s1 =	sshrl.u32 s1, $0x2  }
0xbd: {  	s3 =	sand.u32 $0x4000, s31;
	s1 =	sadd.s32 s1, s30  }
0xbe: {  	s0 =	sor.u32 s3, s0;
	s1 =	sshll.u32 s1, $0x11  }
0xbf: {  	s0 =	sor.u32 s1, s0  }
0xc0: {  	s0 =	sadd.s32 $0x8F2B, s0  }
0xc1: {  	[sflag:s0] =	ssyncadd.remote.s32 $0x1  }
0xc2: {  	_ =	sfence.sel $0xFFFF  }
0xc3: {  	[dreg:$0x0] =	wrdreg $0xFFFFFFFF;
	(pc) =	sbr.abs _section_cstart, $3  }
0xc4: {  	[dreg:$0x1] =	wrdreg $0xFFFFFFFF  }
0xc5: {  	_ =	task.clear_ibuf [dreg:s9], $0x2FFFF;
	_ =	strace $0x9FFFFFFF  }
0xc6: {  	(tm) =	ssettm $0x7FFFFFFF  }
0xc7: {  	_ =	shalt  }
tec
execute0_lowered:
.L_overlay_start_1:
0x0: {  	(tag) =	ssettag $0x1  }
0x1: {  	s2 =	stileid.u32  }
0x2: {  	s7 =	rddreg [dreg:$0x0];
	p0 =	sgt.u32 s2, $0x1  }
.Ltmp0:
0x3: {  	s1 =	rddreg [dreg:$0x1];
	(pc) =	sbr.rel @p0 .LBB2_3-.Ltmp0, $4  }
0x4: {  	s4 =	rddreg [dreg:$0x2]  }
0x5: {  	s5 =	rddreg [dreg:$0x3];
	s3 =	simm.s32 $0x0  }
0x6: {  	[smem:$0x7FF] =	sst s3  }
0x7: {  	s0 =	rddreg [dreg:$0x4];
	_ =	strace $0x80000047  }
0x8: {  	s6 =	srdreg.scid;
	s8 =	sshll.u32 s2, $0x5  }
0x9: {  	s11 =	simm.s32 $0x1;
	s12 =	simm.s32 $0x1200;
	s6 =	sand.u32 $0x1, s6  }
0xa: {  	s13 =	simm.s32 $0x1300;
	s9 =	sshll.u32 s6, $0x4;
	s6 =	ssub.s32 $0x2, s6  }
0xb: {  	s14 =	simm.s32 $0x1280;
	s8 =	sor.u32 s9, s8;
	s10 =	sshrl.u32 s6, $0x1  }
0xc: {  	vm0 =	vmmov $0x1;
	vm1 =	vcmask $0x320;
	s9 =	sadd.s32 s8, s5;
	s4 =	sadd.s32 s4, s8;
	s10 =	ssub.s32 s6, s10  }
0xd: {  	vm2 =	vcmask $0x720;
	vm3 =	vcmask $0xB20;
	vm4 =	vcmask $0xF20;
	s7 =	sadd.s32 s7, s8;
	s5 =	sadd.s32 $0x1600, s9;
	s6 =	sadd.s32 $0x1400, s9  }
0xe: {  	vm5 =	vcmask $0x1320;
	vm6 =	vcmask $0x1720;
	vm7 =	vcmask $0x1B20;
	s8 =	smax.u32 s10, $0x1;
	s9 =	simm.s32 $0x80;
	s10 =	simm.s32 $0x200  }
.LBB2_2:
0xf: {  	[tilespmem:s3], [sflag:$0x1] =	stream.strided.gather [hbm4b:s7+s9], $0x200, s10, s9, $0x38;
	[tilespmem:$0x1380] =	vst v63  }
0x10: {  	_ =	swait.ge [sflag:s11], $0x200  }
0x11: {  	[sflag:s11] =	ssyncset.done $0x0  }
0x12: {  	[sflag:s11] =	ssyncadd.s32 $0xFFFFFE00  }
0x13: {  	[tilespmem:s10], [sflag:$0x1] =	stream.linear.gather [hbm4b:s1+s3], $0x1000, $0x38;
	[tilespmem:$0x1380] =	vst v63  }
0x14: {  	_ =	swait.ge [sflag:s11], $0x1000  }
0x15: {  	[sflag:s11] =	ssyncset.done $0x0  }
0x16: {  	[sflag:s11] =	ssyncadd.s32 $0xFFFFF000  }
0x17: {  	[tilespmem:s12], [sflag:$0x1] =	stream.linear.gather [hbm4b:s4+s3], $0x80, $0x38;
	[tilespmem:$0x1380] =	vst v63  }
0x18: {  	_ =	swait.ge [sflag:s11], $0x80  }
0x19: {  	[sflag:s11] =	ssyncset.done $0x0  }
0x1a: {  	[sflag:s11] =	ssyncadd.s32 $0xFFFFFF80  }
0x1b: {  	v32 =	vld [tilespmem:$0x0]  }
0x1c: {  	v11 =	vld [tilespmem:$0x200]  }
0x1d: {  	v31 =	vld [tilespmem:$0x10]  }
0x1e: {  	v12 =	vld [tilespmem:$0x210]  }
0x1f: {  	v30 =	vld [tilespmem:$0x20]  }
0x20: {  	v14 =	vld [tilespmem:$0x220]  }
0x21: {  	v29 =	vld [tilespmem:$0x30]  }
0x22: {  	v15 =	vld [tilespmem:$0x230]  }
0x23: {  	v28 =	vld [tilespmem:$0x40]  }
0x24: {  	v17 =	vld [tilespmem:$0x240]  }
0x25: {  	v27 =	vld [tilespmem:$0x50]  }
0x26: {  	v33 =	vld [tilespmem:$0x250]  }
0x27: {  	v26 =	vld [tilespmem:$0x60]  }
0x28: {  	v38 =	vld [tilespmem:$0x260]  }
0x29: {  	v25 =	vld [tilespmem:$0x70]  }
0x2a: {  	v44 =	vld [tilespmem:$0x270]  }
0x2b: {  	v24 =	vld [tilespmem:$0x80]  }
0x2c: {  	v49 =	vld [tilespmem:$0x600]  }
0x2d: {  	v0 =	vld [tilespmem:$0x630]  }
0x2e: {  	v23 =	vld [tilespmem:$0x90]  }
0x2f: {  	v51 =	vld [tilespmem:$0x610]  }
0x30: {  	v22 =	vld [tilespmem:$0xA0]  }
0x31: {  	v58 =	vld [tilespmem:$0x620]  }
0x32: {  	v21 =	vld [tilespmem:$0xB0];
	[tilespmem:$0x1FA20] =	vst v0  }
0x33: {  	v20 =	vld [tilespmem:$0xC0]  }
0x34: {  	v62 =	vld [tilespmem:$0xA20];
	_ =	sdelay $0x4  }
0x35: {  	[tilespmem:$0x1FA90] =	vst v62;
	v62 =	vld [tilespmem:$0xAC0];
	_ =	sdelay $0x4  }
0x36: {  	[tilespmem:$0x1FAF0] =	vst v62;
	v62 =	vld [tilespmem:$0xAF0];
	_ =	sdelay $0x4  }
0x37: {  	[tilespmem:$0x1FBB0] =	vst v62;
	v62 =	vld [tilespmem:$0xEA0];
	_ =	sdelay $0x4  }
0x38: {  	[tilespmem:$0x1FC70] =	vst v62;
	v62 =	vld [tilespmem:$0xED0];
	_ =	sdelay $0x4  }
0x39: {  	[tilespmem:$0x1FD40] =	vst v62;
	v62 =	vld [tilespmem:$0x330];
	_ =	sdelay $0x4  }
0x3a: {  	[tilespmem:$0x1FB00] =	vst v62;
	v62 =	vld [tilespmem:$0x340];
	_ =	sdelay $0x4  }
0x3b: {  	[tilespmem:$0x1FB20] =	vst v62;
	v62 =	vld [tilespmem:$0x350];
	_ =	sdelay $0x4  }
0x3c: {  	[tilespmem:$0x1FB40] =	vst v62;
	v62 =	vld [tilespmem:$0x360];
	_ =	sdelay $0x4  }
0x3d: {  	[tilespmem:$0x1FB60] =	vst v62;
	v62 =	vld [tilespmem:$0x370];
	_ =	sdelay $0x3  }
0x3e: {  	v55 =	vld [tilespmem:$0x640]  }
0x3f: {  	[tilespmem:$0x1FB80] =	vst v62;
	v62 =	vld [tilespmem:$0x700]  }
0x40: {  	v19 =	vld [tilespmem:$0xD0]  }
0x41: {  	v56 =	vld [tilespmem:$0x650]  }
0x42: {  	v34 =	vld [tilespmem:$0xE0]  }
0x43: {  	v57 =	vld [tilespmem:$0x660]  }
0x44: {  	[tilespmem:$0x1FBA0] =	vst v62;
	v62 =	vld [tilespmem:$0x710]  }
0x45: {  	v36 =	vld [tilespmem:$0xF0]  }
0x46: {  	v59 =	vld [tilespmem:$0x670]  }
0x47: {  	v37 =	vld [tilespmem:$0x100]  }
0x48: {  	v60 =	vld [tilespmem:$0xA00]  }
0x49: {  	[tilespmem:$0x1FBC0] =	vst v62;
	v62 =	vld [tilespmem:$0x720]  }
0x4a: {  	v40 =	vld [tilespmem:$0x110]  }
0x4b: {  	v61 =	vld [tilespmem:$0xA10]  }
0x4c: {  	v41 =	vld [tilespmem:$0x120]  }
0x4d: {  	v43 =	vld [tilespmem:$0x130]  }
0x4e: {  	[tilespmem:$0x1FBE0] =	vst v62;
	v62 =	vld [tilespmem:$0x730]  }
0x4f: {  	v63 =	vld [tilespmem:$0xA30]  }
0x50: {  	v45 =	vld [tilespmem:$0x140]  }
0x51: {  	v4 =	vld [tilespmem:$0xA40]  }
0x52: {  	v46 =	vld [tilespmem:$0x150]  }
0x53: {  	[tilespmem:$0x1FC00] =	vst v62;
	v62 =	vld [tilespmem:$0x740]  }
0x54: {  	v5 =	vld [tilespmem:$0xA50]  }
0x55: {  	v48 =	vld [tilespmem:$0x160]  }
0x56: {  	v6 =	vld [tilespmem:$0xA60]  }
0x57: {  	v50 =	vld [tilespmem:$0x170]  }
0x58: {  	[tilespmem:$0x1FC20] =	vst v62;
	v62 =	vld [tilespmem:$0x750]  }
0x59: {  	v7 =	vld [tilespmem:$0xA70]  }
0x5a: {  	v8 =	vld [tilespmem:$0xE00]  }
0x5b: {  	v9 =	vld [tilespmem:$0xE10]  }
0x5c: {  	v10 =	vld [tilespmem:$0xE20]  }
0x5d: {  	[tilespmem:$0x1FC40] =	vst v62;
	v62 =	vld [tilespmem:$0x760]  }
0x5e: {  	v13 =	vld [tilespmem:$0xE30]  }
0x5f: {  	v16 =	vld [tilespmem:$0xE40]  }
0x60: {  	v18 =	vld [tilespmem:$0xE50]  }
0x61: {  	v35 =	vld [tilespmem:$0xE60]  }
0x62: {  	[tilespmem:$0x1FC60] =	vst v62;
	v62 =	vld [tilespmem:$0x770]  }
0x63: {  	v39 =	vld [tilespmem:$0x1F0]  }
0x64: {  	v42 =	vld [tilespmem:$0xE70]  }
0x65: {  	v0 =	vld [tilespmem:$0x280]  }
0x66: {  	v1 =	vld [tilespmem:$0x290]  }
0x67: {  	[tilespmem:$0x1FC80] =	vst v62;
	v62 =	vld [tilespmem:$0xB00]  }
0x68: {  	v11 =	vmul.f32 v11, v32;
	v2 =	vld [tilespmem:$0x2A0]  }
0x69: {  	v3 =	vld [tilespmem:$0x2B0]  }
0x6a: {  	v12 =	vmul.f32 v12, v31;
	v53 =	vld [tilespmem:$0xA80];
	v11 =	vadd.f32 $0.0e+00, v11  }
0x6b: {  	v47 =	vld [tilespmem:$0xAB0];
	[tilespmem:$0x1FA30] =	vst v55  }
0x6c: {  	v11 =	vadd.f32 v12, v11;
	v12 =	vmul.f32 v14, v30;
	[tilespmem:$0x1FCA0] =	vst v62;
	v62 =	vld [tilespmem:$0xB10]  }
0x6d: {  	v14 =	vld [tilespmem:$0xB70];
	[tilespmem:$0x1FAB0] =	vst v4  }
0x6e: {  	[tilespmem:$0x1FAE0] =	vst v5;
	v4 =	vld [tilespmem:$0x2C0];
	v11 =	vadd.f32 v12, v11;
	v12 =	vmul.f32 v15, v29  }
0x6f: {  	[tilespmem:$0x1FB10] =	vst v6;
	v5 =	vld [tilespmem:$0x2D0]  }
0x70: {  	[tilespmem:$0x1FB50] =	vst v7;
	v11 =	vadd.f32 v12, v11;
	v12 =	vmul.f32 v17, v28;
	v17 =	vld [tilespmem:$0xB30]  }
0x71: {  	[tilespmem:$0x1FCD0] =	vst v62;
	v62 =	vld [tilespmem:$0xB20]  }
0x72: {  	[tilespmem:$0x1FB90] =	vst v8;
	v6 =	vld [tilespmem:$0x2E0];
	v0 =	vmul.f32 v0, v32  }
0x73: {  	[tilespmem:$0x1FBD0] =	vst v9;
	v7 =	vld [tilespmem:$0x2F0]  }
0x74: {  	[tilespmem:$0x1FC10] =	vst v10;
	v8 =	vld [tilespmem:$0x680];
	v1 =	vmul.f32 v1, v31;
	v0 =	vadd.f32 $0.0e+00, v0  }
0x75: {  	v9 =	vld [tilespmem:$0x690];
	[tilespmem:$0x1FD10] =	vst v17  }
0x76: {  	v0 =	vadd.f32 v1, v0;
	v17 =	vld [tilespmem:$0xB50];
	[tilespmem:$0x1FCF0] =	vst v62;
	v62 =	vmul.f32 v2, v30  }
0x77: {  	[tilespmem:$0x1FC50] =	vst v13;
	v15 =	vld [tilespmem:$0xB40]  }
0x78: {  	[tilespmem:$0x1FC90] =	vst v16;
	v0 =	vadd.f32 v62, v0;
	v62 =	vld [tilespmem:$0xB60]  }
0x79: {  	[tilespmem:$0x1FCE0] =	vst v18;
	v10 =	vld [tilespmem:$0x6A0];
	v2 =	vadd.f32 v12, v11;
	v11 =	vmul.f32 v33, v27  }
0x7a: {  	[tilespmem:$0x1FD20] =	vst v35;
	v13 =	vld [tilespmem:$0x6B0];
	v33 =	vmul.f32 v3, v29  }
0x7b: {  	[tilespmem:$0x1FD50] =	vst v17;
	v17 =	vld [tilespmem:$0xF00];
	v12 =	vmul.f32 v38, v26;
	v2 =	vadd.f32 v11, v2  }
0x7c: {  	[tilespmem:$0x1FD30] =	vst v15;
	v15 =	vmul.f32 v4, v28;
	v38 =	vld [tilespmem:$0xF10];
	v0 =	vadd.f32 v33, v0  }
0x7d: {  	v2 =	vadd.f32 v12, v2;
	[tilespmem:$0x1FD90] =	vst v62;
	v62 =	vld [tilespmem:$0xF20]  }
0x7e: {  	[tilespmem:$0x1FD70] =	vst v42;
	v16 =	vld [tilespmem:$0x6C0];
	v33 =	vmul.f32 v44, v25;
	v44 =	vmul.f32 v5, v27;
	v0 =	vadd.f32 v15, v0  }
0x7f: {  	v18 =	vld [tilespmem:$0x6D0];
	[tilespmem:$0x1FDC0] =	vst v14;
	v14 =	vmul.f32 v6, v26  }
0x80: {  	v35 =	vld [tilespmem:$0x6E0];
	[tilespmem:$0x1FDF0] =	vst v17;
	v11 =	vmul.f32 v49, v24;
	v2 =	vadd.f32 v33, v2;
	v0 =	vadd.f32 v44, v0  }
0x81: {  	v42 =	vld [tilespmem:$0x6F0];
	v17 =	vmul.f32 v51, v23;
	[tilespmem:$0x1FE10] =	vst v38  }
0x82: {  	v38 =	vmul.f32 v7, v25;
	v2 =	vadd.f32 v11, v2;
	v0 =	vadd.f32 v14, v0;
	[tilespmem:$0x1FE30] =	vst v62;
	v62 =	vld [tilespmem:$0x1FA20]  }
0x83: {  	[tilespmem:$0x1FA40] =	vst v56;
	v49 =	vmul.f32 v58, v22;
	v33 =	vld [tilespmem:$0xF50]  }
0x84: {  	[tilespmem:$0x1FA50] =	vst v57;
	v58 =	vmul.f32 v8, v24;
	v2 =	vadd.f32 v17, v2;
	v17 =	vld [tilespmem:$0x1FA30];
	v0 =	vadd.f32 v38, v0  }
0x85: {  	[tilespmem:$0x1FA60] =	vst v59;
	v44 =	vld [tilespmem:$0xF60]  }
0x86: {  	[tilespmem:$0x1FA70] =	vst v60;
	v6 =	vmul.f32 v9, v23;
	v38 =	vld [tilespmem:$0x1FA40];
	v0 =	vadd.f32 v58, v0  }
0x87: {  	[tilespmem:$0x1FAA0] =	vst v63;
	v51 =	vld [tilespmem:$0xF70];
	v2 =	vadd.f32 v49, v2;
	v3 =	vmul.f32 v62, v21  }
0x88: {  	[tilespmem:$0x1FE90] =	vst v33;
	v33 =	vmul.f32 v10, v22;
	v49 =	vld [tilespmem:$0x1FA50];
	v0 =	vadd.f32 v6, v0  }
0x89: {  	[tilespmem:$0x1FAD0] =	vst v47;
	v47 =	vld [tilespmem:$0xAE0];
	v2 =	vadd.f32 v3, v2;
	v3 =	vmul.f32 v17, v20  }
0x8a: {  	[tilespmem:$0x1FEB0] =	vst v44;
	v44 =	vmul.f32 v13, v21;
	v58 =	vld [tilespmem:$0x1FA60];
	v0 =	vadd.f32 v33, v0  }
0x8b: {  	[tilespmem:$0x1FD60] =	vst v39;
	v63 =	vld [tilespmem:$0xAD0];
	v2 =	vadd.f32 v3, v2;
	v3 =	vmul.f32 v38, v19  }
0x8c: {  	v39 =	vld [tilespmem:$0xAA0];
	[tilespmem:$0x1FED0] =	vst v51;
	v51 =	vmul.f32 v16, v20;
	v0 =	vadd.f32 v44, v0  }
0x8d: {  	[tilespmem:$0x1FA80] =	vst v61;
	v9 =	vld [tilespmem:$0x1FA70];
	v2 =	vadd.f32 v3, v2;
	v3 =	vmul.f32 v49, v34  }
0x8e: {  	[tilespmem:$0x1FB70] =	vst v47;
	v47 =	vld [tilespmem:$0xE90];
	v62 =	vmul.f32 v18, v19;
	v1 =	vadd.f32 v51, v0  }
0x8f: {  	v2 =	vadd.f32 v3, v2;
	v3 =	vmul.f32 v58, v36;
	v58 =	vld [tilespmem:$0x1FA80]  }
0x90: {  	[tilespmem:$0x1FB30] =	vst v63;
	v63 =	vld [tilespmem:$0xE80];
	v44 =	vmul.f32 v35, v34;
	v1 =	vadd.f32 v62, v1  }
0x91: {  	v18 =	vld [tilespmem:$0x1FA90]  }
0x92: {  	v10 =	vmul.f32 v9, v37;
	v1 =	vadd.f32 v44, v1;
	v44 =	vld [tilespmem:$0x1FAA0];
	v2 =	vadd.f32 v3, v2  }
0x93: {  	[tilespmem:$0x1FC30] =	vst v47;
	v47 =	vld [tilespmem:$0xEC0]  }
0x94: {  	v56 =	vld [tilespmem:$0xA90];
	v2 =	vadd.f32 v10, v2;
	v62 =	vmul.f32 v58, v40  }
0x95: {  	[tilespmem:$0x1FAC0] =	vst v39;
	v39 =	vld [tilespmem:$0x300]  }
0x96: {  	v4 =	vmul.f32 v42, v36;
	[tilespmem:$0x1FBF0] =	vst v63;
	v63 =	vld [tilespmem:$0xEB0];
	v35 =	vmul.f32 v18, v41;
	v2 =	vadd.f32 v62, v2  }
0x97: {  	v58 =	vmul.f32 v44, v43;
	v44 =	vld [tilespmem:$0x1FAC0]  }
0x98: {  	v42 =	vmul.f32 v53, v37;
	[tilespmem:$0x1FD00] =	vst v47;
	v47 =	vld [tilespmem:$0xEF0];
	v1 =	vadd.f32 v4, v1;
	v2 =	vadd.f32 v35, v2  }
0x99: {  	v52 =	vld [tilespmem:$0x180]  }
0x9a: {  	v1 =	vadd.f32 v42, v1;
	v62 =	vmul.f32 v56, v40;
	v2 =	vadd.f32 v58, v2;
	v58 =	vld [tilespmem:$0xBC0]  }
0x9b: {  	[tilespmem:$0x1FCB0] =	vst v63;
	v63 =	vld [tilespmem:$0xEE0]  }
0x9c: {  	v4 =	vmul.f32 v39, v32;
	v42 =	vld [tilespmem:$0x1FAB0];
	v1 =	vadd.f32 v62, v1;
	v39 =	vmul.f32 v44, v41  }
0x9d: {  	[tilespmem:$0x1FDB0] =	vst v47;
	v47 =	vld [tilespmem:$0x310]  }
0x9e: {  	v1 =	vadd.f32 v39, v1;
	v39 =	vld [tilespmem:$0x1FAD0]  }
0x9f: {  	[tilespmem:$0x1FDA0] =	vst v58;
	v58 =	vld [tilespmem:$0x1FAE0]  }
0xa0: {  	v54 =	vld [tilespmem:$0x190]  }
0xa1: {  	v55 =	vld [tilespmem:$0x1A0];
	v35 =	vmul.f32 v42, v45  }
0xa2: {  	[tilespmem:$0x1FD80] =	vst v63;
	v63 =	vld [tilespmem:$0x320];
	v62 =	vadd.f32 $0.0e+00, v4;
	v4 =	vmul.f32 v47, v31  }
0xa3: {  	v5 =	vld [tilespmem:$0x380];
	v2 =	vadd.f32 v35, v2;
	v35 =	vmul.f32 v39, v43  }
0xa4: {  	v47 =	vld [tilespmem:$0xBE0];
	v39 =	vadd.f32 v4, v62;
	v62 =	vmul.f32 v58, v46  }
0xa5: {  	v1 =	vadd.f32 v35, v1;
	v35 =	vld [tilespmem:$0x1FAF0]  }
0xa6: {  	v2 =	vadd.f32 v62, v2;
	v62 =	vld [tilespmem:$0x1FB00]  }
0xa7: {  	v12 =	vld [tilespmem:$0xF30]  }
0xa8: {  	v7 =	vld [tilespmem:$0x390]  }
0xa9: {  	v63 =	vmul.f32 v63, v30;
	v11 =	vld [tilespmem:$0x3A0]  }
0xaa: {  	[tilespmem:$0x1FDD0] =	vst v47;
	v47 =	vmul.f32 v35, v45;
	v35 =	vld [tilespmem:$0xFA0]  }
0xab: {  	v5 =	vmul.f32 v5, v32;
	v39 =	vadd.f32 v63, v39;
	v63 =	vmul.f32 v62, v29;
	v62 =	vld [tilespmem:$0x1FB30]  }
0xac: {  	v44 =	vld [tilespmem:$0x1FB20]  }
0xad: {  	[tilespmem:$0x1FE50] =	vst v12;
	v12 =	vld [tilespmem:$0x3B0];
	v7 =	vmul.f32 v7, v31;
	v5 =	vadd.f32 $0.0e+00, v5  }
0xae: {  	v57 =	vld [tilespmem:$0x1B0]  }
0xaf: {  	v59 =	vld [tilespmem:$0x1C0];
	v5 =	vadd.f32 v7, v5;
	v11 =	vmul.f32 v11, v30  }
0xb0: {  	v60 =	vld [tilespmem:$0x1D0];
	v1 =	vadd.f32 v47, v1;
	[tilespmem:$0x1FE40] =	vst v35;
	v35 =	vadd.f32 v63, v39;
	v63 =	vmul.f32 v62, v46  }
0xb1: {  	v47 =	vmul.f32 v44, v28;
	v44 =	vld [tilespmem:$0x1FB40]  }
0xb2: {  	v15 =	vld [tilespmem:$0xF40];
	v62 =	vadd.f32 v11, v5;
	v7 =	vadd.f32 v63, v1;
	v63 =	vmul.f32 v12, v29  }
0xb3: {  	v42 =	vld [tilespmem:$0x1FB10]  }
0xb4: {  	v5 =	vadd.f32 v63, v62;
	v62 =	vld [tilespmem:$0x1FB70]  }
0xb5: {  	v14 =	vld [tilespmem:$0x3C0]  }
0xb6: {  	v35 =	vadd.f32 v47, v35;
	v47 =	vmul.f32 v44, v27;
	v44 =	vld [tilespmem:$0x1FB60]  }
0xb7: {  	[tilespmem:$0x1FE70] =	vst v15;
	v15 =	vld [tilespmem:$0x3D0]  }
0xb8: {  	v11 =	vadd.f32 v47, v35;
	v35 =	vld [tilespmem:$0x1FB80]  }
0xb9: {  	v39 =	vmul.f32 v42, v48;
	v63 =	vmul.f32 v62, v48;
	v62 =	vld [tilespmem:$0x1FB90]  }
0xba: {  	v61 =	vld [tilespmem:$0x1E0]  }
0xbb: {  	v2 =	vadd.f32 v39, v2;
	v39 =	vld [tilespmem:$0x1FB50];
	v47 =	vmul.f32 v44, v26  }
0xbc: {  	v53 =	vld [tilespmem:$0xB80];
	v14 =	vmul.f32 v14, v28  }
0xbd: {  	v11 =	vadd.f32 v47, v11;
	v44 =	vmul.f32 v35, v25;
	v7 =	vadd.f32 v63, v7;
	v63 =	vld [tilespmem:$0x1FBA0]  }
0xbe: {  	v5 =	vadd.f32 v14, v5;
	v47 =	vmul.f32 v15, v27;
	v35 =	vmul.f32 v62, v52;
	v62 =	vld [tilespmem:$0x1FBB0]  }
0xbf: {  	v16 =	vld [tilespmem:$0x780]  }
0xc0: {  	v42 =	vmul.f32 v39, v50;
	v14 =	vadd.f32 v47, v5;
	v47 =	vld [tilespmem:$0x1FBD0]  }
0xc1: {  	v8 =	vld [tilespmem:$0x7F0]  }
0xc2: {  	v9 =	vld [tilespmem:$0xBA0];
	v42 =	vadd.f32 v42, v2  }
0xc3: {  	v15 =	vadd.f32 v44, v11;
	v11 =	vmul.f32 v63, v24;
	v63 =	vld [tilespmem:$0x1FBC0];
	v44 =	vmul.f32 v62, v50  }
0xc4: {  	v13 =	vld [tilespmem:$0x3E0]  }
0xc5: {  	v35 =	vadd.f32 v35, v42;
	v62 =	vmul.f32 v47, v54;
	v42 =	vadd.f32 v44, v7;
	v7 =	vld [tilespmem:$0x1FBE0]  }
0xc6: {  	v6 =	vld [tilespmem:$0x7B0]  }
0xc7: {  	v35 =	vadd.f32 v62, v35;
	v62 =	vld [tilespmem:$0x1FC00]  }
0xc8: {  	v33 =	vld [tilespmem:$0x3F0];
	v15 =	vadd.f32 v11, v15;
	v11 =	vmul.f32 v63, v23  }
0xc9: {  	v17 =	vld [tilespmem:$0x7C0]  }
0xca: {  	v38 =	vld [tilespmem:$0x790];
	v15 =	vadd.f32 v11, v15;
	v11 =	vmul.f32 v7, v22  }
0xcb: {  	v51 =	vld [tilespmem:$0x7D0]  }
0xcc: {  	v18 =	vld [tilespmem:$0xBD0];
	v15 =	vadd.f32 v11, v15;
	v11 =	vmul.f32 v62, v21  }
0xcd: {  	v58 =	vld [tilespmem:$0xF80]  }
0xce: {  	v39 =	vadd.f32 v11, v15;
	v15 =	vld [tilespmem:$0x1FC20]  }
0xcf: {  	v49 =	vld [tilespmem:$0x7A0]  }
0xd0: {  	v3 =	vld [tilespmem:$0x410]  }
0xd1: {  	v47 =	vld [tilespmem:$0x1FBF0]  }
0xd2: {  	v13 =	vmul.f32 v13, v26;
	v4 =	vld [tilespmem:$0xBF0]  }
0xd3: {  	[tilespmem:$0x1FE00] =	vst v58;
	v58 =	vld [tilespmem:$0xFB0];
	v15 =	vmul.f32 v15, v20  }
0xd4: {  	v13 =	vadd.f32 v13, v14;
	v14 =	vmul.f32 v33, v25;
	v11 =	vld [tilespmem:$0x1FC30]  }
0xd5: {  	v0 =	vmul.f32 v49, v22;
	v15 =	vadd.f32 v15, v39;
	v39 =	vld [tilespmem:$0x1FC40]  }
0xd6: {  	v49 =	vld [tilespmem:$0x840];
	v13 =	vadd.f32 v14, v13;
	v14 =	vmul.f32 v47, v52;
	v47 =	vmul.f32 v16, v24  }
0xd7: {  	v10 =	vld [tilespmem:$0x7E0]  }
0xd8: {  	v38 =	vmul.f32 v38, v23;
	[tilespmem:$0x1FDE0] =	vst v4;
	v4 =	vld [tilespmem:$0xF90];
	v47 =	vadd.f32 v47, v13  }
0xd9: {  	[tilespmem:$0x1FE60] =	vst v58;
	v58 =	vld [tilespmem:$0xFD0];
	v42 =	vadd.f32 v14, v42  }
0xda: {  	v14 =	vld [tilespmem:$0x1FC10];
	v38 =	vadd.f32 v38, v47;
	v47 =	vmul.f32 v11, v54;
	v11 =	vmul.f32 v39, v19  }
0xdb: {  	v56 =	vld [tilespmem:$0xBB0]  }
0xdc: {  	v6 =	vmul.f32 v6, v21;
	v0 =	vadd.f32 v0, v38;
	v15 =	vadd.f32 v11, v15;
	v11 =	vld [tilespmem:$0x1FC50]  }
0xdd: {  	[tilespmem:$0x1FE20] =	vst v4;
	v4 =	vld [tilespmem:$0xFC0]  }
0xde: {  	v12 =	vld [tilespmem:$0xFE0];
	v2 =	vadd.f32 v6, v0;
	v0 =	vmul.f32 v17, v20  }
0xdf: {  	[tilespmem:$0x1FEA0] =	vst v58;
	v58 =	vld [tilespmem:$0xFF0];
	v62 =	vmul.f32 v14, v55  }
0xe0: {  	v0 =	vadd.f32 v0, v2;
	v2 =	vmul.f32 v51, v19;
	v51 =	vld [tilespmem:$0xC20]  }
0xe1: {  	v62 =	vadd.f32 v62, v35;
	v47 =	vadd.f32 v47, v42;
	v39 =	vld [tilespmem:$0x1FC60];
	v42 =	vmul.f32 v11, v57  }
0xe2: {  	v11 =	vld [tilespmem:$0x1FC70]  }
0xe3: {  	v62 =	vadd.f32 v42, v62;
	v42 =	vld [tilespmem:$0x1FC80]  }
0xe4: {  	[tilespmem:$0x1FCC0] =	vst v10;
	v10 =	vld [tilespmem:$0xB90]  }
0xe5: {  	[tilespmem:$0x1FE80] =	vst v4;
	v4 =	vld [tilespmem:$0x420]  }
0xe6: {  	[tilespmem:$0x1FEC0] =	vst v12;
	v12 =	vld [tilespmem:$0x430];
	v1 =	vmul.f32 v39, v34  }
0xe7: {  	[tilespmem:$0x1FEE0] =	vst v58;
	v58 =	vld [tilespmem:$0x400];
	v6 =	vmul.f32 v11, v55  }
0xe8: {  	[tilespmem:$0x1FEF0] =	vst v51;
	v51 =	vld [tilespmem:$0xC30];
	v1 =	vadd.f32 v1, v15;
	v15 =	vmul.f32 v42, v36  }
0xe9: {  	v6 =	vadd.f32 v6, v47;
	v47 =	vld [tilespmem:$0x1FCA0]  }
0xea: {  	v1 =	vadd.f32 v15, v1;
	v15 =	vld [tilespmem:$0x1FC90]  }
0xeb: {  	v5 =	vld [tilespmem:$0x440]  }
0xec: {  	v33 =	vld [tilespmem:$0x460]  }
0xed: {  	v63 =	vld [tilespmem:$0x450]  }
0xee: {  	v44 =	vld [tilespmem:$0x810];
	v47 =	vmul.f32 v47, v37  }
0xef: {  	[tilespmem:$0x1FF00] =	vst v51;
	v51 =	vld [tilespmem:$0x1FCC0];
	v15 =	vmul.f32 v15, v59  }
0xf0: {  	v1 =	vadd.f32 v47, v1;
	v47 =	vld [tilespmem:$0x1FCD0]  }
0xf1: {  	v15 =	vadd.f32 v15, v62;
	v62 =	vld [tilespmem:$0xC50]  }
0xf2: {  	v16 =	vld [tilespmem:$0x800]  }
0xf3: {  	v7 =	vld [tilespmem:$0x470]  }
0xf4: {  	v13 =	vld [tilespmem:$0x820]  }
0xf5: {  	v0 =	vadd.f32 v2, v0;
	v51 =	vmul.f32 v51, v34;
	v11 =	vld [tilespmem:$0x1FCB0]  }
0xf6: {  	v47 =	vmul.f32 v47, v40;
	[tilespmem:$0x1FF20] =	vst v62;
	v62 =	vld [tilespmem:$0xC60]  }
0xf7: {  	v0 =	vadd.f32 v51, v0;
	v51 =	vld [tilespmem:$0x1FCF0]  }
0xf8: {  	v1 =	vadd.f32 v47, v1;
	v47 =	vld [tilespmem:$0x1FCE0]  }
0xf9: {  	v38 =	vld [tilespmem:$0x860]  }
0xfa: {  	v14 =	vld [tilespmem:$0x830];
	v2 =	vmul.f32 v11, v57  }
0xfb: {  	[tilespmem:$0x1FF30] =	vst v62;
	v62 =	vld [tilespmem:$0xC70]  }
0xfc: {  	v11 =	vld [tilespmem:$0xC40];
	v2 =	vadd.f32 v2, v6;
	v6 =	vmul.f32 v8, v36  }
0xfd: {  	v8 =	vmul.f32 v47, v60;
	v47 =	vmul.f32 v51, v41;
	v51 =	vld [tilespmem:$0x1FD00]  }
0xfe: {  	v17 =	vld [tilespmem:$0xC00]  }
0xff: {  	v35 =	vld [tilespmem:$0x850]  }
0x100: {  	[tilespmem:$0x1FF40] =	vst v62;
	v62 =	vld [tilespmem:$0x1000]  }
0x101: {  	v8 =	vadd.f32 v8, v15;
	v15 =	vld [tilespmem:$0x1FD10]  }
0x102: {  	v0 =	vadd.f32 v6, v0;
	[tilespmem:$0x1FF10] =	vst v11;
	v11 =	vld [tilespmem:$0x1FD40];
	v6 =	vmul.f32 v51, v59;
	v51 =	vmul.f32 v53, v37  }
0x103: {  	v53 =	vld [tilespmem:$0x1010]  }
0x104: {  	v0 =	vadd.f32 v51, v0;
	v51 =	vld [tilespmem:$0x1FD30]  }
0x105: {  	[tilespmem:$0x1FF50] =	vst v62;
	v62 =	vld [tilespmem:$0x1020]  }
0x106: {  	v39 =	vld [tilespmem:$0x870];
	v1 =	vadd.f32 v47, v1;
	v47 =	vmul.f32 v15, v43  }
0x107: {  	v2 =	vadd.f32 v6, v2;
	v6 =	vmul.f32 v10, v40;
	v15 =	vld [tilespmem:$0x1FD70]  }
0x108: {  	v9 =	vmul.f32 v9, v41;
	v1 =	vadd.f32 v47, v1;
	v47 =	vld [tilespmem:$0x1FD20]  }
0x109: {  	v0 =	vadd.f32 v6, v0;
	v6 =	vmul.f32 v11, v60;
	v11 =	vld [tilespmem:$0x1FD60];
	[tilespmem:$0x1FF60] =	vst v53;
	v53 =	vmul.f32 v51, v45  }
0x10a: {  	[tilespmem:$0x1FF70] =	vst v62;
	v62 =	vld [tilespmem:$0x1030]  }
0x10b: {  	v56 =	vmul.f32 v56, v43;
	v0 =	vadd.f32 v9, v0;
	v1 =	vadd.f32 v53, v1;
	v53 =	vld [tilespmem:$0x1050]  }
0x10c: {  	v51 =	vld [tilespmem:$0x1FD50]  }
0x10d: {  	v0 =	vadd.f32 v56, v0;
	v56 =	vld [tilespmem:$0x1FDA0]  }
0x10e: {  	v10 =	vmul.f32 v47, v61;
	v47 =	vld [tilespmem:$0x1040]  }
0x10f: {  	[tilespmem:$0x1FF90] =	vst v62;
	v62 =	vld [tilespmem:$0x1060]  }
0x110: {  	[tilespmem:$0x1FFB0] =	vst v53;
	v53 =	vld [tilespmem:$0x1FD90]  }
0x111: {  	v42 =	vld [tilespmem:$0xC10]  }
0x112: {  	v8 =	vadd.f32 v10, v8;
	v10 =	vmul.f32 v51, v46;
	v51 =	vld [tilespmem:$0x1070]  }
0x113: {  	[tilespmem:$0x1FFA0] =	vst v47;
	v47 =	vld [tilespmem:$0x1FD80]  }
0x114: {  	v9 =	vmul.f32 v15, v11;
	[tilespmem:$0x1FFC0] =	vst v62;
	v62 =	vmul.f32 v58, v32;
	v58 =	vld [tilespmem:$0x1FDD0]  }
0x115: {  	v2 =	vadd.f32 v6, v2;
	v15 =	vmul.f32 v56, v45;
	v6 =	vmul.f32 v53, v48;
	v53 =	vld [tilespmem:$0x1FDB0]  }
0x116: {  	v56 =	vld [tilespmem:$0x1FDC0]  }
0x117: {  	v8 =	vadd.f32 v9, v8;
	v9 =	vld [tilespmem:$0x490];
	v0 =	vadd.f32 v15, v0;
	[tilespmem:$0x1FFD0] =	vst v51;
	v51 =	vmul.f32 v18, v46  }
0x118: {  	v1 =	vadd.f32 v10, v1;
	v18 =	vld [tilespmem:$0x4B0];
	v10 =	vmul.f32 v47, v61  }
0x119: {  	v3 =	vmul.f32 v3, v31;
	v47 =	vld [tilespmem:$0x480];
	v0 =	vadd.f32 v51, v0;
	v51 =	vmul.f32 v58, v48  }
0x11a: {  	[tilespmem:$0x1FFE0] =	vst v8;
	v2 =	vadd.f32 v10, v2;
	v10 =	vld [tilespmem:$0x4A0];
	v8 =	vadd.f32 $0.0e+00, v62;
	v15 =	vmul.f32 v53, v11  }
0x11b: {  	v1 =	vadd.f32 v6, v1;
	v6 =	vmul.f32 v56, v50;
	v0 =	vadd.f32 v51, v0;
	v51 =	vld [tilespmem:$0x1FDE0]  }
0x11c: {  	v56 =	vld [tilespmem:$0x1FDF0];
	v62 =	vadd.f32 v3, v8;
	v2 =	vadd.f32 v15, v2;
	v15 =	vmul.f32 v4, v30  }
0x11d: {  	v58 =	vld [tilespmem:$0x1FE00]  }
0x11e: {  	v12 =	vmul.f32 v12, v29;
	v53 =	vld [tilespmem:$0x4C0];
	[tilespmem:$0x1FFF0] =	vst v2;
	v2 =	vadd.f32 v15, v62  }
0x11f: {  	v1 =	vadd.f32 v6, v1;
	v8 =	vld [tilespmem:$0x4E0]  }
0x120: {  	v4 =	vld [tilespmem:$0x4D0];
	v62 =	vmul.f32 v5, v28;
	v2 =	vadd.f32 v12, v2;
	v6 =	vmul.f32 v51, v50  }
0x121: {  	v47 =	vmul.f32 v47, v32;
	v3 =	vmul.f32 v56, v52;
	v56 =	vld [tilespmem:$0x8A0]  }
0x122: {  	v2 =	vadd.f32 v62, v2;
	v62 =	vld [tilespmem:$0x1FE10];
	v0 =	vadd.f32 v6, v0;
	v6 =	vmul.f32 v58, v52  }
0x123: {  	v15 =	vld [tilespmem:$0x4F0]  }
0x124: {  	v9 =	vmul.f32 v9, v31;
	v12 =	vld [tilespmem:$0x890];
	v0 =	vadd.f32 v6, v0;
	v6 =	vadd.f32 $0.0e+00, v47  }
0x125: {  	v51 =	vld [tilespmem:$0x880]  }
0x126: {  	v10 =	vmul.f32 v10, v30;
	v58 =	vld [tilespmem:$0x8B0];
	v47 =	vmul.f32 v63, v27;
	v6 =	vadd.f32 v9, v6  }
0x127: {  	v1 =	vadd.f32 v3, v1;
	v63 =	vmul.f32 v33, v26;
	v3 =	vmul.f32 v62, v54;
	v62 =	vld [tilespmem:$0x1FE20]  }
0x128: {  	v33 =	vld [tilespmem:$0x8D0];
	v2 =	vadd.f32 v47, v2;
	v47 =	vmul.f32 v18, v29;
	v10 =	vadd.f32 v10, v6  }
0x129: {  	v18 =	vld [tilespmem:$0x8E0]  }
0x12a: {  	v5 =	vadd.f32 v47, v10;
	v10 =	vld [tilespmem:$0x1FE40]  }
0x12b: {  	v2 =	vadd.f32 v63, v2;
	v63 =	vld [tilespmem:$0x8F0];
	v47 =	vmul.f32 v53, v28  }
0x12c: {  	v7 =	vmul.f32 v7, v25;
	v9 =	vmul.f32 v62, v54;
	v62 =	vld [tilespmem:$0x8C0]  }
0x12d: {  	v4 =	vmul.f32 v4, v27;
	v53 =	vld [tilespmem:$0xC80];
	v5 =	vadd.f32 v47, v5  }
0x12e: {  	v8 =	vmul.f32 v8, v26;
	v2 =	vadd.f32 v7, v2;
	v7 =	vld [tilespmem:$0xC90];
	v0 =	vadd.f32 v9, v0  }
0x12f: {  	v9 =	vld [tilespmem:$0x1FE30];
	v4 =	vadd.f32 v4, v5;
	v6 =	vmul.f32 v10, v55;
	v10 =	vmul.f32 v16, v24  }
0x130: {  	v44 =	vmul.f32 v44, v23;
	v16 =	vld [tilespmem:$0x1FE50]  }
0x131: {  	v4 =	vadd.f32 v8, v4;
	v8 =	vmul.f32 v15, v25;
	v15 =	vld [tilespmem:$0x1FE70];
	v2 =	vadd.f32 v10, v2  }
0x132: {  	v10 =	vld [tilespmem:$0x1FE60]  }
0x133: {  	v2 =	vadd.f32 v44, v2;
	v44 =	vld [tilespmem:$0xCF0]  }
0x134: {  	v1 =	vadd.f32 v3, v1;
	v47 =	vld [tilespmem:$0xCA0];
	v3 =	vmul.f32 v9, v55  }
0x135: {  	v13 =	vmul.f32 v13, v22;
	v6 =	vadd.f32 v6, v0;
	v0 =	vld [tilespmem:$0xCB0]  }
0x136: {  	v4 =	vadd.f32 v8, v4;
	v8 =	vld [tilespmem:$0x1080];
	v1 =	vadd.f32 v3, v1;
	v3 =	vmul.f32 v16, v57  }
0x137: {  	v16 =	vld [tilespmem:$0xCC0];
	v2 =	vadd.f32 v13, v2;
	v5 =	vmul.f32 v10, v57;
	v10 =	vmul.f32 v14, v21  }
0x138: {  	v9 =	vmul.f32 v15, v59;
	v15 =	vld [tilespmem:$0x1FE80];
	[tilespmem:$0x1FF80] =	vst v44;
	v44 =	vmul.f32 v51, v24  }
0x139: {  	v49 =	vmul.f32 v49, v20;
	v1 =	vadd.f32 v3, v1;
	v3 =	vld [tilespmem:$0xCD0];
	v10 =	vadd.f32 v10, v2  }
0x13a: {  	v4 =	vadd.f32 v44, v4;
	v44 =	vld [tilespmem:$0x1FE90]  }
0x13b: {  	v14 =	vadd.f32 v49, v10;
	v49 =	vld [tilespmem:$0x1FEA0]  }
0x13c: {  	v6 =	vadd.f32 v5, v6;
	v5 =	vld [tilespmem:$0xCE0]  }
0x13d: {  	v2 =	vld [tilespmem:$0x1090];
	v13 =	vmul.f32 v15, v59  }
0x13e: {  	v9 =	vadd.f32 v9, v1;
	v51 =	vmul.f32 v12, v23;
	v1 =	vld [tilespmem:$0x10A0]  }
0x13f: {  	v35 =	vmul.f32 v35, v19;
	v12 =	vld [tilespmem:$0x10B0];
	v6 =	vadd.f32 v13, v6  }
0x140: {  	v10 =	vld [tilespmem:$0x10C0];
	v13 =	vadd.f32 v51, v4;
	v15 =	vmul.f32 v44, v60;
	v44 =	vmul.f32 v49, v60  }
0x141: {  	v51 =	vadd.f32 v35, v14;
	v4 =	vld [tilespmem:$0x10D0];
	v49 =	vmul.f32 v56, v22;
	v56 =	vmul.f32 v38, v34  }
0x142: {  	v39 =	vmul.f32 v39, v36;
	v14 =	vld [tilespmem:$0x10E0]  }
0x143: {  	v13 =	vadd.f32 v49, v13;
	v49 =	vmul.f32 v58, v21;
	v35 =	vadd.f32 v56, v51;
	v51 =	vld [tilespmem:$0x1FEB0]  }
0x144: {  	v17 =	vmul.f32 v17, v37;
	v58 =	vld [tilespmem:$0x1FEC0]  }
0x145: {  	v62 =	vmul.f32 v62, v20;
	v13 =	vadd.f32 v49, v13;
	v35 =	vadd.f32 v39, v35;
	v39 =	vld [tilespmem:$0x580]  }
0x146: {  	v49 =	vld [tilespmem:$0x590]  }
0x147: {  	v42 =	vmul.f32 v42, v40;
	v13 =	vadd.f32 v62, v13;
	v17 =	vadd.f32 v17, v35;
	v62 =	vld [tilespmem:$0x1FEE0]  }
0x148: {  	v33 =	vmul.f32 v33, v19;
	v15 =	vadd.f32 v15, v9;
	v56 =	vmul.f32 v51, v61;
	v51 =	vld [tilespmem:$0x500]  }
0x149: {  	v6 =	vadd.f32 v44, v6;
	v38 =	vmul.f32 v58, v61;
	v17 =	vadd.f32 v42, v17;
	v42 =	vld [tilespmem:$0x5B0]  }
0x14a: {  	v18 =	vmul.f32 v18, v34;
	v33 =	vadd.f32 v33, v13;
	v15 =	vadd.f32 v56, v15;
	v56 =	vld [tilespmem:$0x1FED0]  }
0x14b: {  	v6 =	vadd.f32 v38, v6;
	v38 =	vld [tilespmem:$0x510]  }
0x14c: {  	v58 =	vmov v11;
	v18 =	vadd.f32 v18, v33;
	v33 =	vld [tilespmem:$0x530]  }
0x14d: {  	v9 =	vld [tilespmem:$0x10F0];
	v11 =	vmul.f32 v62, v58  }
0x14e: {  	v44 =	vmul.f32 v51, v32;
	v32 =	vmul.f32 v39, v32;
	v51 =	vld [tilespmem:$0x1FEF0]  }
0x14f: {  	v6 =	vadd.f32 v11, v6;
	v11 =	vmul.f32 v63, v36;
	v35 =	vmul.f32 v56, v58;
	v56 =	vld [tilespmem:$0x520]  }
0x150: {  	v38 =	vmul.f32 v38, v31;
	v31 =	vmul.f32 v49, v31;
	v49 =	vld [tilespmem:$0x540]  }
0x151: {  	v33 =	vmul.f32 v33, v29;
	v29 =	vmul.f32 v42, v29;
	v42 =	vld [tilespmem:$0x560]  }
0x152: {  	v32 =	vadd.f32 $0.0e+00, v32;
	v18 =	vadd.f32 v11, v18;
	v11 =	vmul.f32 v53, v37;
	v53 =	vld [tilespmem:$0x5E0]  }
0x153: {  	v13 =	vadd.f32 v35, v15;
	v35 =	vld [tilespmem:$0x5A0];
	v15 =	vadd.f32 $0.0e+00, v44  }
0x154: {  	v31 =	vadd.f32 v31, v32;
	v32 =	vld [tilespmem:$0x550]  }
0x155: {  	v62 =	vmul.f32 v51, v41;
	v15 =	vadd.f32 v38, v15;
	v38 =	vld [tilespmem:$0x5D0]  }
0x156: {  	v51 =	vmul.f32 v56, v30;
	v56 =	vld [tilespmem:$0x5C0]  }
0x157: {  	v17 =	vadd.f32 v62, v17;
	v62 =	vld [tilespmem:$0x1FF00]  }
0x158: {  	v39 =	vmul.f32 v42, v26;
	v42 =	vld [tilespmem:$0x980];
	v30 =	vmul.f32 v35, v30  }
0x159: {  	v15 =	vadd.f32 v51, v15;
	v51 =	vmul.f32 v49, v28;
	v49 =	vld [tilespmem:$0x910]  }
0x15a: {  	v32 =	vmul.f32 v32, v27;
	v30 =	vadd.f32 v30, v31;
	v27 =	vmul.f32 v38, v27;
	v38 =	vld [tilespmem:$0x900]  }
0x15b: {  	v15 =	vadd.f32 v33, v15;
	v28 =	vmul.f32 v56, v28;
	v56 =	vld [tilespmem:$0x1FF10]  }
0x15c: {  	v63 =	vmul.f32 v62, v43;
	v29 =	vadd.f32 v29, v30;
	v30 =	vld [tilespmem:$0x570]  }
0x15d: {  	v15 =	vadd.f32 v51, v15;
	v51 =	vld [tilespmem:$0x1FF20]  }
0x15e: {  	v17 =	vadd.f32 v63, v17;
	v63 =	vld [tilespmem:$0x5F0]  }
0x15f: {  	v28 =	vadd.f32 v28, v29;
	v29 =	vld [tilespmem:$0x950]  }
0x160: {  	v15 =	vadd.f32 v32, v15;
	v32 =	vld [tilespmem:$0x9D0]  }
0x161: {  	v38 =	vmul.f32 v38, v24;
	v24 =	vmul.f32 v42, v24;
	v42 =	vld [tilespmem:$0x930]  }
0x162: {  	v62 =	vmul.f32 v56, v45;
	v56 =	vld [tilespmem:$0x990]  }
0x163: {  	v15 =	vadd.f32 v39, v15;
	v39 =	vld [tilespmem:$0x9A0]  }
0x164: {  	v44 =	vadd.f32 v27, v28;
	v27 =	vmul.f32 v49, v23;
	v49 =	vld [tilespmem:$0x9B0]  }
0x165: {  	v7 =	vmul.f32 v7, v40;
	v28 =	vld [tilespmem:$0xD10]  }
0x166: {  	v18 =	vadd.f32 v11, v18;
	v26 =	vmul.f32 v53, v26;
	v53 =	vmul.f32 v51, v46;
	v51 =	vld [tilespmem:$0x940]  }
0x167: {  	v30 =	vmul.f32 v30, v25;
	v25 =	vmul.f32 v63, v25;
	v63 =	vld [tilespmem:$0x920]  }
0x168: {  	v7 =	vadd.f32 v7, v18;
	v18 =	vadd.f32 v26, v44;
	v44 =	vld [tilespmem:$0x1FF30]  }
0x169: {  	v26 =	vld [tilespmem:$0xD80]  }
0x16a: {  	v15 =	vadd.f32 v30, v15;
	v30 =	vld [tilespmem:$0x1FF40]  }
0x16b: {  	v18 =	vadd.f32 v25, v18;
	v25 =	vmul.f32 v42, v21;
	v42 =	vld [tilespmem:$0x9E0]  }
0x16c: {  	v17 =	vadd.f32 v62, v17;
	v23 =	vmul.f32 v56, v23;
	v56 =	vld [tilespmem:$0x9C0]  }
0x16d: {  	v15 =	vadd.f32 v38, v15;
	v38 =	vld [tilespmem:$0x960]  }
0x16e: {  	v62 =	vmul.f32 v47, v41;
	v17 =	vadd.f32 v53, v17;
	v35 =	vmul.f32 v49, v21;
	v49 =	vld [tilespmem:$0x1FF50]  }
0x16f: {  	v21 =	vld [tilespmem:$0x11C0];
	v18 =	vadd.f32 v24, v18;
	v47 =	vmul.f32 v44, v48;
	v53 =	vmul.f32 v63, v22  }
0x170: {  	v7 =	vadd.f32 v62, v7;
	v63 =	vmul.f32 v39, v22;
	v22 =	vmul.f32 v29, v19;
	v29 =	vld [tilespmem:$0x1FF60]  }
0x171: {  	v0 =	vmul.f32 v0, v43;
	v15 =	vadd.f32 v27, v15;
	v62 =	vadd.f32 v23, v18;
	v23 =	vld [tilespmem:$0x1150]  }
0x172: {  	v17 =	vadd.f32 v47, v17;
	v47 =	vld [tilespmem:$0x970]  }
0x173: {  	v33 =	vmul.f32 v16, v45;
	v0 =	vadd.f32 v0, v7;
	v15 =	vadd.f32 v53, v15;
	v53 =	vld [tilespmem:$0x9F0]  }
0x174: {  	v39 =	vmul.f32 v51, v20;
	v27 =	vmul.f32 v42, v34;
	v42 =	vld [tilespmem:$0xD30]  }
0x175: {  	v31 =	vmul.f32 v30, v50;
	v0 =	vadd.f32 v33, v0;
	v7 =	vadd.f32 v63, v62;
	v63 =	vld [tilespmem:$0xD00]  }
0x176: {  	v44 =	vmul.f32 v56, v20;
	v51 =	vmul.f32 v49, v52;
	v49 =	vld [tilespmem:$0xDB0];
	v15 =	vadd.f32 v25, v15  }
0x177: {  	v56 =	vmul.f32 v3, v46;
	v17 =	vadd.f32 v31, v17;
	v31 =	vld [tilespmem:$0xD90];
	v7 =	vadd.f32 v35, v7  }
0x178: {  	v25 =	vmul.f32 v38, v34;
	v34 =	vld [tilespmem:$0xD20];
	v15 =	vadd.f32 v39, v15  }
0x179: {  	v62 =	vmul.f32 v32, v19;
	v0 =	vadd.f32 v56, v0;
	v56 =	vld [tilespmem:$0xD40];
	v7 =	vadd.f32 v44, v7  }
0x17a: {  	v17 =	vadd.f32 v51, v17;
	v51 =	vld [tilespmem:$0x1FF80];
	v15 =	vadd.f32 v22, v15  }
0x17b: {  	v32 =	vmul.f32 v5, v48;
	v39 =	vmul.f32 v26, v37;
	v26 =	vld [tilespmem:$0x1FF90];
	v7 =	vadd.f32 v62, v7  }
0x17c: {  	v18 =	vmul.f32 v47, v36;
	v33 =	vmul.f32 v53, v36;
	v36 =	vld [tilespmem:$0xDA0];
	v15 =	vadd.f32 v25, v15  }
0x17d: {  	v30 =	vmul.f32 v29, v54;
	v44 =	vld [tilespmem:$0x1FF70];
	v7 =	vadd.f32 v27, v7  }
0x17e: {  	v0 =	vadd.f32 v32, v0;
	v32 =	vld [tilespmem:$0xDE0];
	v35 =	vmul.f32 v63, v37;
	v15 =	vadd.f32 v18, v15  }
0x17f: {  	v16 =	vmul.f32 v28, v40;
	v63 =	vld [tilespmem:$0xDC0];
	v38 =	vadd.f32 v33, v7  }
0x180: {  	v11 =	vmul.f32 v42, v43;
	v17 =	vadd.f32 v30, v17;
	v30 =	vld [tilespmem:$0xD60];
	v15 =	vadd.f32 v35, v15  }
0x181: {  	v29 =	vmul.f32 v49, v43;
	v43 =	vld [tilespmem:$0x1190];
	v53 =	vmul.f32 v31, v40;
	v3 =	vadd.f32 v39, v38  }
0x182: {  	v2 =	vmul.f32 v2, v54;
	v49 =	vld [tilespmem:$0x11A0];
	v62 =	vmul.f32 v34, v41;
	v15 =	vadd.f32 v16, v15  }
0x183: {  	v1 =	vmul.f32 v1, v55;
	v25 =	vld [tilespmem:$0xD50];
	v24 =	vmul.f32 v36, v41;
	v3 =	vadd.f32 v53, v3  }
0x184: {  	v12 =	vmul.f32 v12, v57;
	v10 =	vmul.f32 v10, v59;
	v27 =	vld [tilespmem:$0xDD0];
	v15 =	vadd.f32 v62, v15  }
0x185: {  	v4 =	vmul.f32 v4, v60;
	v28 =	vmul.f32 v8, v52;
	v34 =	vld [tilespmem:$0xD70];
	v3 =	vadd.f32 v24, v3  }
0x186: {  	v40 =	vld [tilespmem:$0x1180];
	v31 =	vmul.f32 v56, v45;
	v5 =	vmul.f32 v51, v50;
	v11 =	vadd.f32 v11, v15  }
0x187: {  	v56 =	vld [tilespmem:$0x1140];
	v19 =	vmul.f32 v26, v57;
	v33 =	vmul.f32 v63, v45;
	v3 =	vadd.f32 v29, v3  }
0x188: {  	v47 =	vmul.f32 v44, v55;
	v36 =	vld [tilespmem:$0xDF0];
	v7 =	vmul.f32 v25, v46;
	v11 =	vadd.f32 v31, v11  }
0x189: {  	v42 =	vmul.f32 v32, v48;
	v38 =	vld [tilespmem:$0x1100];
	v37 =	vmul.f32 v27, v46;
	v3 =	vadd.f32 v33, v3  }
0x18a: {  	v41 =	vld [tilespmem:$0x1110];
	v0 =	vadd.f32 v5, v0;
	v39 =	vmul.f32 v30, v48;
	v7 =	vadd.f32 v7, v11  }
0x18b: {  	v44 =	vld [tilespmem:$0x1FFB0];
	v17 =	vadd.f32 v47, v17;
	v8 =	vmul.f32 v34, v50;
	v3 =	vadd.f32 v37, v3  }
0x18c: {  	v35 =	vld [tilespmem:$0x1FFA0];
	v51 =	vmul.f32 v40, v52;
	v0 =	vadd.f32 v28, v0;
	v7 =	vadd.f32 v39, v7  }
0x18d: {  	v45 =	vld [tilespmem:$0x1120];
	v34 =	vmul.f32 v14, v61;
	v46 =	vmul.f32 v36, v50;
	v3 =	vadd.f32 v42, v3  }
0x18e: {  	v22 =	vld [tilespmem:$0x1FFC0];
	v0 =	vadd.f32 v2, v0;
	v48 =	vmul.f32 v38, v52;
	v47 =	vadd.f32 v8, v7  }
0x18f: {  	v30 =	vmul.f32 v56, v59;
	v17 =	vadd.f32 v19, v17;
	v50 =	vld [tilespmem:$0x1130];
	v3 =	vadd.f32 v46, v3  }
0x190: {  	v2 =	vmul.f32 v41, v54;
	v53 =	vld [tilespmem:$0x11B0];
	v0 =	vadd.f32 v1, v0;
	v1 =	vadd.f32 v48, v47  }
0x191: {  	v26 =	vld [tilespmem:$0x11D0];
	v62 =	vmul.f32 v43, v54;
	v20 =	vmul.f32 v35, v59;
	v3 =	vadd.f32 v51, v3  }
0x192: {  	v27 =	vld [tilespmem:$0x1160];
	v19 =	vmul.f32 v44, v60;
	v63 =	vmul.f32 v45, v55;
	v1 =	vadd.f32 v2, v1  }
0x193: {  	v41 =	vld [tilespmem:$0x1FFF0];
	v24 =	vmul.f32 v49, v55;
	v17 =	vadd.f32 v20, v17;
	v3 =	vadd.f32 v62, v3  }
0x194: {  	v0 =	vadd.f32 v12, v0;
	v25 =	vmul.f32 v50, v57;
	v37 =	vld [tilespmem:$0x1FFD0];
	v1 =	vadd.f32 v63, v1  }
0x195: {  	v28 =	vmul.f32 v53, v57;
	v52 =	vadd.f32 v19, v17;
	v39 =	vld [tilespmem:$0x1FFE0];
	v3 =	vadd.f32 v24, v3  }
0x196: {  	v35 =	vmul.f32 v23, v60;
	v31 =	vld [tilespmem:$0x11E0];
	v0 =	vadd.f32 v10, v0;
	v1 =	vadd.f32 v25, v1  }
0x197: {  	v32 =	vld [tilespmem:$0x1170];
	v17 =	vmul.f32 v22, v61;
	v33 =	vmul.f32 v21, v59;
	v3 =	vadd.f32 v28, v3  }
0x198: {  	v36 =	vld [tilespmem:$0x11F0];
	v38 =	vmul.f32 v26, v60;
	v0 =	vadd.f32 v4, v0;
	v1 =	vadd.f32 v30, v1  }
0x199: {  	v40 =	vmul.f32 v27, v61;
	v29 =	vadd.f32 v17, v52;
	v3 =	vadd.f32 v33, v3  }
0x19a: {  	v0 =	vadd.f32 v34, v0;
	v15 =	vmul.f32 v37, v58;
	(xrf2) =	vadd.scan.msk.f32 $0xffff, v39;
	v1 =	vadd.f32 v35, v1  }
0x19b: {  	v42 =	vmul.f32 v9, v58;
	v43 =	vmul.f32 v31, v61;
	(xrf2) =	vadd.scan.msk.f32 $0xffff, v41;
	v3 =	vadd.f32 v38, v3  }
0x19c: {  	v44 =	vmul.f32 v32, v58;
	v7 =	vadd.f32 v15, v29;
	(xrf2) =	vadd.scan.msk.f32 $0xffff, v13;
	v1 =	vadd.f32 v40, v1  }
0x19d: {  	v45 =	vmul.f32 v36, v58;
	v0 =	vadd.f32 v42, v0;
	(xrf2) =	vadd.scan.msk.f32 $0xffff, v6;
	v3 =	vadd.f32 v43, v3  }
0x19e: {  	(xrf2) =	vadd.scan.msk.f32 $0xffff, v7;
	v1 =	vadd.f32 v44, v1  }
0x19f: {  	(xrf2) =	vadd.scan.msk.f32 $0xffff, v0;
	v46 =	vadd.f32 v45, v3  }
0x1a0: {  	(xrf2) =	vadd.scan.msk.f32 $0xffff, v1  }
0x1a1: {  	(xrf2) =	vadd.scan.msk.f32 $0xffff, v46;
	_ =	sdelay $0x2  }
0x1a2: {  	v47, _, _ =	vpop (xrf2)  }
0x1a3: {  	v48, _, _ =	vpop (xrf2);
	v0 =	vbroadcast v47, $0xF  }
0x1a4: {  	v49, _, _ =	vpop (xrf2);
	v1 =	vbroadcast v48, $0xF  }
0x1a5: {  	v50, _, _ =	vpop (xrf2);
	v0 =	vnsel vm0, $0xF149F2CA, v0;
	v2 =	vbroadcast v49, $0xF  }
0x1a6: {  	v51, _, _ =	vpop (xrf2);
	v52 =	vbroadcast v50, $0xF;
	v0 =	vsel vm1, v0, v1  }
0x1a7: {  	v53, _, _ =	vpop (xrf2);
	v54 =	vbroadcast v51, $0xF;
	v0 =	vsel vm2, v0, v2  }
0x1a8: {  	v57 =	vld [tilespmem:$0x1200];
	v56 =	vbroadcast v53, $0xF;
	v0 =	vsel vm3, v0, v52;
	v55, _, _ =	vpop (xrf2)  }
0x1a9: {  	v0 =	vsel vm4, v0, v54;
	v58 =	vbroadcast v55, $0xF;
	v59, _, _ =	vpop (xrf2)  }
0x1aa: {  	v0 =	vsel vm5, v0, v56;
	v60 =	vbroadcast v59, $0xF  }
0x1ab: {  	v0 =	vsel vm6, v0, v58  }
0x1ac: {  	v0 =	vsel vm7, v0, v60  }
0x1ad: {  	v0 =	vadd.f32 v0, v57;
	_ =	sdelay $0x1  }
0x1ae: {  	(xrf0) =	vmax.scan.msk.f32 $0xffff, v0;
	_ =	sdelay $0x5  }
0x1af: {  	v61, _, _ =	vpop (xrf0)  }
0x1b0: {  	v1 =	vbroadcast v61, $0xF;
	_ =	sdelay $0x1  }
0x1b1: {  	v0 =	vsub.f32 v0, v1;
	_ =	sdelay $0x1  }
0x1b2: {  	v0 =	vmul.f32 $1.442695020e+00, v0;
	_ =	sdelay $0x1  }
0x1b3: {  	(erf) = vpow2.f32 v0;
	_ =	sdelay $0x8  }
0x1b4: {  	v0 =	vpop (erf)  }
0x1b5: {  	(xrf2) =	vadd.scan.msk.f32 $0xffff, v0;
	_ =	sdelay $0x9  }
0x1b6: {  	v62, _, _ =	vpop (xrf2)  }
0x1b7: {  	v1 =	vbroadcast v62, $0xF;
	_ =	sdelay $0x1  }
0x1b8: {  	(erf) = vrcp.f32 v1;
	_ =	sdelay $0x8  }
0x1b9: {  	v1 =	vpop (erf)  }
0x1ba: {  	v0 =	vmul.f32 v1, v0  }
0x1bb: {  	v63 =	vlaneseq.u32  }
0x1bc: {  	(xrf1) =	vsort.dscd.msk.f32 $0xffff, v0, v63;
	_ =	sdelay $0xd  }
0x1bd: {  	v0, v1, _ =	vpop (xrf1)  }
0x1be: {  	[tilespmem:$0x1300] =	vst v0  }
0x1bf: {  	[tilespmem:$0x1280] =	vst v1  }
0x1c0: {  	[tilespmem:$0x1310] =	vst v0  }
0x1c1: {  	[tilespmem:$0x1290] =	vst v1  }
0x1c2: {  	[tilespmem:$0x1320] =	vst v0  }
0x1c3: {  	[tilespmem:$0x12A0] =	vst v1  }
0x1c4: {  	[tilespmem:$0x1330] =	vst v0  }
0x1c5: {  	[tilespmem:$0x12B0] =	vst v1  }
0x1c6: {  	[tilespmem:$0x1340] =	vst v0  }
0x1c7: {  	[tilespmem:$0x12C0] =	vst v1  }
0x1c8: {  	[tilespmem:$0x1350] =	vst v0  }
0x1c9: {  	[tilespmem:$0x12D0] =	vst v1  }
0x1ca: {  	[tilespmem:$0x1360] =	vst v0  }
0x1cb: {  	[tilespmem:$0x12E0] =	vst v1  }
0x1cc: {  	[tilespmem:$0x1370] =	vst v0  }
0x1cd: {  	[tilespmem:$0x12F0] =	vst v1  }
0x1ce: {  	[hbm4b:s5+s3] =	stream.linear.scatter [tilespmem:s13], [sflag:$0x1], $0x80, $0x38;
	[tilespmem:$0x1380] =	vst v63  }
0x1cf: {  	_ =	swait.ge [sflag:s11], $0x80  }
0x1d0: {  	p0 =	sne.s32 s8, $0x1;
	[sflag:s11] =	ssyncset.done $0x0  }
.Ltmp1:
0x1d1: {  	[sflag:s11] =	ssyncadd.s32 $0xFFFFFF80;
	(pc) =	sbr.rel @p0 .LBB2_2-.Ltmp1, $4  }
0x1d2: {  	[hbm4b:s6+s3] =	stream.linear.scatter [tilespmem:s14], [sflag:$0x1], $0x80, $0x38;
	[tilespmem:$0x1380] =	vst v63  }
0x1d3: {  	_ =	swait.ge [sflag:s11], $0x80  }
0x1d4: {  	[sflag:s11] =	ssyncset.done $0x0  }
0x1d5: {  	s8 =	sadd.s32 $0xFFFFFFFF, s8;
	[sflag:s11] =	ssyncadd.s32 $0xFFFFFF80  }
.LBB2_3:
0x1d6: {  	_ =	sfence.sel $0x180000  }
0x1d7: {  	[bflag:$0x0] =	sbarrier.arrive $0xFFFF  }
0x1d8: {  	p0 =	sne.s32 s2, $0x0;
	_ =	strace $0x90000047  }
0x1d9: {  	s0 =	sadd.s32 @!p0 $0x100000, s0;
	[bflag:$0x2] =	sbarrier.arrive $0xFFFF  }
0x1da: {  	[sflag:s0] =	ssyncadd.tile.s32 @!p0 $0x1;
	_ =	shalt  }
.Lfunc_end2:
_tile_overlayer_lowered:
.L_overlay_start_2:
0x1db: {  	(tag) =	ssettag $0x2  }
0x1dc: {  	s0 =	rddreg [dreg:$0x0];
	s2 =	stileid.u32  }
0x1dd: {  	s1 =	rddreg [dreg:$0x1];
	p0 =	sne.s32 s2, $0x0  }
0x1de: {  	s3 =	rddreg [dreg:$0x2];
	[bflag:$0x3] =	sbarrier.arrive $0xFFFF;
	s2 =	simm.s32 @!p0 $0x1C01  }
0x1df: {  	[timem:s3], [sflag:s2] =	dma.local @!p0 [hbm:s0], s1  }
0x1e0: {  	s0 =	simm.s32 @!p0 $0x1  }
0x1e1: {  	_ =	swait.ge @!p0 [sflag:s0], s1  }
0x1e2: {  	s1 =	ssub.s32 @!p0 $0x0, s1;
	[sflag:s0] =	ssyncset.done @!p0 $0x0  }
0x1e3: {  	[sflag:s0] =	ssyncadd.s32 @!p0 s1  }
0x1e4: {  	[bflag:$0x3] =	sbarrier.arrive $0xFFFF  }
0x1e5: {  	_ =	shalt  }

</sc_bundles>
